<compile_context>
chip_gen: v7x
topology: tpu7x:2x2x1
jax: 0.10.2.dev20260603
libtpu: 0.0.44.dev20260713+nightly
codegen_flags: <defaults>
</compile_context>

<pallas_src>
import functools

import jax
import jax.numpy as jnp
from jax import lax
from jax.experimental import pallas as pl
from jax.experimental.pallas import tpu as pltpu
from jax.experimental.pallas import tpu_sc as plsc

N = 10000
E = 320000
D = 128
H = 16

NC = 2
NS = 16
NW = NC * NS
CHUNK = 128
GDEPTH = 4
NBUF = 2 * GDEPTH
EPN = E // NW
NF = EPN // CHUNK
TAIL = EPN - NF * CHUNK
ROWS_PER_TILE = 632
ACC_ROWS = NS * ROWS_PER_TILE

_mesh = plsc.VectorSubcoreMesh(core_axis_name="c", subcore_axis_name="s")
_sc_params = pltpu.CompilerParams(use_tc_tiling_on_sc=False)


@functools.partial(
    pl.kernel,
    out_type=jax.ShapeDtypeStruct((NC, N), jnp.float32),
    mesh=_mesh,
    compiler_params=_sc_params,
    scratch_types=[
        pltpu.VMEM((EPN,), jnp.int32),
        pltpu.VMEM((CHUNK,), jnp.float32),
        pltpu.VMEM_SHARED((ACC_ROWS,), jnp.float32),
        pltpu.SemaphoreType.DMA,
    ],
)
def _deg_kernel(edge_hbm, ones_hbm, zeros_hbm, out_hbm, dst_v, ones_v, deg_sh,
                sem):
    cid = lax.axis_index("c")
    sid = lax.axis_index("s")
    wid = sid * NC + cid
    rows = ROWS_PER_TILE
    pltpu.sync_copy(zeros_hbm.at[pl.ds(sid * rows, rows)],
                    deg_sh.at[pl.ds(sid * rows, rows)])
    pltpu.sync_copy(edge_hbm.at[1, pl.ds(wid * EPN, EPN)], dst_v)
    pltpu.sync_copy(ones_hbm, ones_v)
    plsc.subcore_barrier()

    def didx(j):
        return deg_sh.at[dst_v.at[pl.ds(j * CHUNK, CHUNK)]]

    def fire(j, carry):
        pltpu.async_copy(ones_v, didx(j), sem, add=True)
        return carry

    lax.fori_loop(0, NF, fire, 0)
    tail_dst = deg_sh.at[dst_v.at[pl.ds(NF * CHUNK, TAIL)]]
    pltpu.async_copy(ones_v.at[pl.ds(0, TAIL)], tail_dst, sem, add=True)

    def drain(j, carry):
        pltpu.make_async_copy(ones_v, didx(j), sem).wait()
        return carry

    lax.fori_loop(0, NF, drain, 0)
    pltpu.make_async_copy(ones_v.at[pl.ds(0, TAIL)], tail_dst, sem).wait()
    plsc.subcore_barrier()

    @pl.when(sid == 0)
    def _():
        pltpu.sync_copy(deg_sh.at[pl.ds(0, N)], out_hbm.at[cid])


def _enc_body(x_ref, w_ref, degp_ref, y_ref):
    deg = degp_ref[0, :] + degp_ref[1, :] + 1.0
    dinv = lax.rsqrt(deg)[:, None]
    xw = jnp.dot(x_ref[...], w_ref[...], preferred_element_type=jnp.float32)
    y_ref[...] = xw * dinv


_enc_call = pl.pallas_call(
    _enc_body,
    out_shape=jax.ShapeDtypeStruct((N, H), jnp.float32),
)


@functools.partial(
    pl.kernel,
    out_type=jax.ShapeDtypeStruct((NC, ACC_ROWS, H), jnp.float32),
    mesh=_mesh,
    compiler_params=_sc_params,
    scratch_types=[
        pltpu.VMEM((EPN,), jnp.int32),
        pltpu.VMEM((EPN,), jnp.int32),
        pltpu.VMEM((NBUF, CHUNK, H), jnp.float32),
        pltpu.VMEM((TAIL, H), jnp.float32),
        pltpu.VMEM_SHARED((ACC_ROWS, H), jnp.float32),
        [pltpu.SemaphoreType.DMA] * NBUF,
        [pltpu.SemaphoreType.DMA] * NBUF,
    ],
)
def _msg_kernel(y_hbm, edge_hbm, zeros_hbm, out_hbm,
                src_v, dst_v, buf, tbuf, acc_sh, gs, ss):
    cid = lax.axis_index("c")
    sid = lax.axis_index("s")
    wid = sid * NC + cid
    rows = ROWS_PER_TILE
    pltpu.sync_copy(zeros_hbm.at[pl.ds(sid * rows, rows)],
                    acc_sh.at[pl.ds(sid * rows, rows)])
    pltpu.sync_copy(edge_hbm.at[0, pl.ds(wid * EPN, EPN)], src_v)
    pltpu.sync_copy(edge_hbm.at[1, pl.ds(wid * EPN, EPN)], dst_v)
    plsc.subcore_barrier()

    def gather(j, b):
        pltpu.async_copy(y_hbm.at[src_v.at[pl.ds(j * CHUNK, CHUNK)]],
                         buf.at[b], gs[b])

    def gwait(j, b):
        pltpu.make_async_copy(y_hbm.at[src_v.at[pl.ds(j * CHUNK, CHUNK)]],
                              buf.at[b], gs[b]).wait()

    def scat(j, b):
        pltpu.async_copy(buf.at[b], acc_sh.at[dst_v.at[pl.ds(j * CHUNK, CHUNK)]],
                         ss[b], add=True)

    def swait(j, b):
        pltpu.make_async_copy(buf.at[b],
                              acc_sh.at[dst_v.at[pl.ds(j * CHUNK, CHUNK)]],
                              ss[b]).wait()

    for b in range(GDEPTH):
        gather(b, b)
    for b in range(GDEPTH):
        gwait(b, b)
        scat(b, b)
        gather(b + GDEPTH, b + GDEPTH)
    for b in range(GDEPTH, NBUF):
        gwait(b, b)
        scat(b, b)
        swait(b - GDEPTH, b - GDEPTH)
        gather(b + GDEPTH, b - GDEPTH)

    def body(io, carry):
        for b in range(NBUF):
            j = io * NBUF + b
            bn = (b + GDEPTH) % NBUF
            gwait(j, b)
            scat(j, b)
            swait(j - GDEPTH, bn)
            gather(j + GDEPTH, bn)
        return carry

    lax.fori_loop(1, NF // NBUF, body, 0)
    for j in range(NF - NF % NBUF, NF):
        b = j % NBUF
        gwait(j, b)
        scat(j, b)
        if j + GDEPTH < NF:
            bn = (j + GDEPTH) % NBUF
            swait(j - GDEPTH, bn)
            gather(j + GDEPTH, bn)
    for k in range(NBUF):
        j = NF - NBUF + k
        swait(j, j % NBUF)
    pltpu.sync_copy(y_hbm.at[src_v.at[pl.ds(NF * CHUNK, TAIL)]], tbuf)
    pltpu.sync_copy(tbuf, acc_sh.at[dst_v.at[pl.ds(NF * CHUNK, TAIL)]],
                    add=True)
    plsc.subcore_barrier()
    pltpu.sync_copy(acc_sh.at[pl.ds(sid * rows, rows)],
                    out_hbm.at[cid, pl.ds(sid * rows, rows)])


def _dec_body(accp_ref, y_ref, degp_ref, benc_ref, wdec_ref, bdec_ref,
              xhat_ref, z_ref):
    deg = degp_ref[0, :] + degp_ref[1, :] + 1.0
    dinv = lax.rsqrt(deg)[:, None]
    acc = accp_ref[0, :N, :] + accp_ref[1, :N, :] + y_ref[...]
    t = acc * dinv + benc_ref[...]
    z = jnp.maximum(t, 0.0)
    z_ref[...] = z
    xhat_ref[...] = (
        jnp.dot(z, wdec_ref[...], preferred_element_type=jnp.float32)
        + bdec_ref[...]
    )


_dec_call = pl.pallas_call(
    _dec_body,
    out_shape=[
        jax.ShapeDtypeStruct((N, D), jnp.float32),
        jax.ShapeDtypeStruct((N, H), jnp.float32),
    ],
)


def kernel(x, edge_index, W_enc, b_enc, W_dec, b_dec):
    ones_h = jnp.ones((CHUNK,), jnp.float32)
    zeros1 = jnp.zeros((ACC_ROWS,), jnp.float32)
    zerosh = jnp.zeros((ACC_ROWS, H), jnp.float32)

    degp = _deg_kernel(edge_index, ones_h, zeros1)
    y = _enc_call(x, W_enc, degp)
    accp = _msg_kernel(y, edge_index, zerosh)
    x_hat, z = _dec_call(accp, y, degp,
                         b_enc.reshape(1, H), W_dec, b_dec.reshape(1, D))
    return (x_hat, z)

# --- scband reference (transcript-rebuilt; emitter-appended) ---
"""Pipeline reference for scband-graph-autoencoder-47433618817549 (READ-ONLY COPY).

The authoritative reference and input builder live on the scoring server;
editing this copy changes nothing except your own understanding.
"""

import jax, jax.numpy as jnp
import numpy as np

N = 10000
E = 320000
D = 128
H = 16


def setup_inputs(seed: int = 0) -> dict:
    key = jax.random.key(seed)
    k1, k2, k3, k4 = jax.random.split(key, 4)
    x = jax.random.normal(k1, (N, D), dtype=jnp.float32)
    edge_index = jax.random.randint(k2, (2, E), 0, N, dtype=jnp.int32)
    W_enc = jax.random.normal(k3, (D, H), dtype=jnp.float32) * (1.0 / np.sqrt(D))
    b_enc = jnp.zeros((H,), dtype=jnp.float32)
    W_dec = jax.random.normal(k4, (H, D), dtype=jnp.float32) * (1.0 / np.sqrt(H))
    b_dec = jnp.zeros((D,), dtype=jnp.float32)
    return {"x": x, "edge_index": edge_index, "W_enc": W_enc, "b_enc": b_enc, "W_dec": W_dec, "b_dec": b_dec}


def _gcn_conv(x, edge_index, W, b):
    # PyG GCNConv: add self-loops, symmetric normalization deg^-1/2 A deg^-1/2, linear, scatter-add, bias
    n = x.shape[0]
    loop = jnp.arange(n, dtype=edge_index.dtype)
    src = jnp.concatenate([edge_index[0], loop])
    dst = jnp.concatenate([edge_index[1], loop])
    deg = jnp.zeros((n,), dtype=x.dtype).at[dst].add(1.0)
    deg_inv_sqrt = jnp.where(deg > 0, jax.lax.rsqrt(jnp.maximum(deg, 1e-12)), 0.0)
    norm = deg_inv_sqrt[src] * deg_inv_sqrt[dst]
    xw = x @ W
    msgs = xw[src] * norm[:, None]
    out = jnp.zeros((n, W.shape[1]), dtype=x.dtype).at[dst].add(msgs)
    return out + b


def reference(x, edge_index, W_enc, b_enc, W_dec, b_dec):
    z = jax.nn.relu(_gcn_conv(x, edge_index, W_enc, b_enc))
    x_hat = z @ W_dec + b_dec
    return (x_hat, z)

if __name__ == "__main__":
    import jax
    _d = setup_inputs()
    print(jax.jit(kernel)(*tuple(_d.values())))

</pallas_src>

<mosaic_0001>
#map = affine_map<(d0, d1) -> (0, 0)>
#map1 = affine_map<(d0, d1) -> (0)>
module attributes {stable_mosaic.version = 14 : i64} {
  func.func @_deg_kernel(%arg0: i32, %arg1: i32, %arg2: memref<2x320000xi32, #tpu.memory_space<hbm>>, %arg3: memref<128xf32, #tpu.memory_space<hbm>>, %arg4: memref<10112xf32, #tpu.memory_space<hbm>>, %arg5: memref<2x10000xf32, #tpu.memory_space<hbm>>, %arg6: memref<10000xi32, #tpu.memory_space<vmem>>, %arg7: memref<128xf32, #tpu.memory_space<vmem>>, %arg8: memref<10112xf32, #tpu.memory_space<vmem_shared>>, %arg9: memref<!tpu.dma_semaphore, #tpu.memory_space<semaphore_mem>>) attributes {dimension_semantics = [#tpu.dimension_semantics<core_parallel>, #tpu.dimension_semantics<subcore_parallel>], iteration_bounds = array<i64: 2, 16>, scalar_prefetch = 0 : i64, scratch_operands = 4 : i64, tpu.core_type = #tpu.core_type<sc_vector_subcore>, window_params = [{transform_indices = #map}, {transform_indices = #map1}, {transform_indices = #map1}, {transform_indices = #map}]} {
    %mul3A = arith.constant 2 : i32
    %mul3A_0 = arith.muli %arg1, %mul3A : i32
    %add3A = arith.addi %mul3A_0, %arg0 : i32
    %mul3A_1 = arith.constant 632 : i32
    %mul3A_2 = arith.muli %arg1, %mul3A_1 : i32
    %mul3A_3 = arith.constant 632 : i32
    %mul3A_4 = arith.muli %arg1, %mul3A_3 : i32
    "tpu.region"() ({
      %run_scoped3A_31 = tpu.sem_alloc : memref<!tpu.dma_semaphore, #tpu.memory_space<semaphore_mem>>
      %dma_start3A_32 = tpu.memref_slice %arg8[%mul3A_4] : memref<10112xf32, #tpu.memory_space<vmem_shared>> -> memref<632xf32, #tpu.memory_space<vmem_shared>>
      %dma_start3A_33 = tpu.memref_slice %arg4[%mul3A_2] : memref<10112xf32, #tpu.memory_space<hbm>> -> memref<632xf32, #tpu.memory_space<hbm>>
      tpu.enqueue_dma source(%dma_start3A_33 : memref<632xf32, #tpu.memory_space<hbm>>) target(%dma_start3A_32 : memref<632xf32, #tpu.memory_space<vmem_shared>>) target_semaphore(%run_scoped3A_31 : memref<!tpu.dma_semaphore, #tpu.memory_space<semaphore_mem>>)
      %dma_wait3A_34 = tpu.memref_slice %arg8[%mul3A_4] : memref<10112xf32, #tpu.memory_space<vmem_shared>> -> memref<632xf32, #tpu.memory_space<vmem_shared>>
      %dma_wait3A_35 = tpu.memref_slice %arg4[%mul3A_2] : memref<10112xf32, #tpu.memory_space<hbm>> -> memref<632xf32, #tpu.memory_space<hbm>>
      tpu.wait_dma2 semaphore(%run_scoped3A_31 : memref<!tpu.dma_semaphore, #tpu.memory_space<semaphore_mem>>) src(%dma_wait3A_35 : memref<632xf32, #tpu.memory_space<hbm>>) dst(%dma_wait3A_34 : memref<632xf32, #tpu.memory_space<vmem_shared>>)
      tpu.yield
    }) : () -> ()
    %mul3A_5 = arith.constant 10000 : i32
    %mul3A_6 = arith.muli %add3A, %mul3A_5 : i32
    %run_scoped3A = arith.constant 1 : i32
    "tpu.region"() ({
      %run_scoped3A_31 = tpu.sem_alloc : memref<!tpu.dma_semaphore, #tpu.memory_space<semaphore_mem>>
      %dma_start3A_32 = tpu.memref_slice %arg2[%run_scoped3A, %mul3A_6] : memref<2x320000xi32, #tpu.memory_space<hbm>> -> memref<1x10000xi32, #tpu.memory_space<hbm>>
      %dma_start3A_33 = tpu.memref_squeeze %dma_start3A_32 : memref<1x10000xi32, #tpu.memory_space<hbm>> -> memref<10000xi32, #tpu.memory_space<hbm>>
      %dma_start3A_34 = tpu.memref_slice %arg2[%run_scoped3A, %mul3A_6] : memref<2x320000xi32, #tpu.memory_space<hbm>> -> memref<1x10000xi32, #tpu.memory_space<hbm>>
      %dma_start3A_35 = tpu.memref_squeeze %dma_start3A_34 : memref<1x10000xi32, #tpu.memory_space<hbm>> -> memref<10000xi32, #tpu.memory_space<hbm>>
      tpu.enqueue_dma source(%dma_start3A_35 : memref<10000xi32, #tpu.memory_space<hbm>>) target(%arg6 : memref<10000xi32, #tpu.memory_space<vmem>>) target_semaphore(%run_scoped3A_31 : memref<!tpu.dma_semaphore, #tpu.memory_space<semaphore_mem>>)
      %dma_wait3A_36 = tpu.memref_slice %arg2[%run_scoped3A, %mul3A_6] : memref<2x320000xi32, #tpu.memory_space<hbm>> -> memref<1x10000xi32, #tpu.memory_space<hbm>>
      %dma_wait3A_37 = tpu.memref_squeeze %dma_wait3A_36 : memref<1x10000xi32, #tpu.memory_space<hbm>> -> memref<10000xi32, #tpu.memory_space<hbm>>
      %dma_wait3A_38 = tpu.memref_slice %arg2[%run_scoped3A, %mul3A_6] : memref<2x320000xi32, #tpu.memory_space<hbm>> -> memref<1x10000xi32, #tpu.memory_space<hbm>>
      %dma_wait3A_39 = tpu.memref_squeeze %dma_wait3A_38 : memref<1x10000xi32, #tpu.memory_space<hbm>> -> memref<10000xi32, #tpu.memory_space<hbm>>
      tpu.wait_dma2 semaphore(%run_scoped3A_31 : memref<!tpu.dma_semaphore, #tpu.memory_space<semaphore_mem>>) src(%dma_wait3A_39 : memref<10000xi32, #tpu.memory_space<hbm>>) dst(%arg6 : memref<10000xi32, #tpu.memory_space<vmem>>)
      tpu.yield
    }) : () -> ()
    "tpu.region"() ({
      %run_scoped3A_31 = tpu.sem_alloc : memref<!tpu.dma_semaphore, #tpu.memory_space<semaphore_mem>>
      tpu.enqueue_dma source(%arg3 : memref<128xf32, #tpu.memory_space<hbm>>) target(%arg7 : memref<128xf32, #tpu.memory_space<vmem>>) target_semaphore(%run_scoped3A_31 : memref<!tpu.dma_semaphore, #tpu.memory_space<semaphore_mem>>)
      tpu.wait_dma2 semaphore(%run_scoped3A_31 : memref<!tpu.dma_semaphore, #tpu.memory_space<semaphore_mem>>) src(%arg3 : memref<128xf32, #tpu.memory_space<hbm>>) dst(%arg7 : memref<128xf32, #tpu.memory_space<vmem>>)
      tpu.yield
    }) : () -> ()
    %barrier3A = arith.constant 0 : index
    tpu.barrier barrier_id(%barrier3A)
    %scan3A = arith.constant 0 : i32
    %scan3A_7 = arith.constant 0 : i32
    %scan3A_8 = arith.constant 78 : i32
    %scan3A_9 = arith.addi %scan3A_7, %scan3A_8 : i32
    %scan3A_10 = arith.constant 1 : i32
    scf.for %scan3A_31 = %scan3A_7 to %scan3A_9 step %scan3A_10  : i32 {
      %mul3A_32 = arith.constant 128 : i32
      %mul3A_33 = arith.muli %scan3A_31, %mul3A_32 : i32
      %dma_start3A_34 = tpu.memref_slice %arg6[%mul3A_33] : memref<10000xi32, #tpu.memory_space<vmem>> -> memref<128xi32, #tpu.memory_space<vmem>>
      %dma_start3A_35 = arith.constant 0 : i32
      %dma_start3A_36 = tpu.memref_slice %arg8[%dma_start3A_35] : memref<10112xf32, #tpu.memory_space<vmem_shared>> -> memref<10112xf32, #tpu.memory_space<vmem_shared>>
      tpu.enqueue_indirect_dma source(%arg7 : memref<128xf32, #tpu.memory_space<vmem>>) target(%dma_start3A_36 : memref<10112xf32, #tpu.memory_space<vmem_shared>>) offsets(%dma_start3A_34 : memref<128xi32, #tpu.memory_space<vmem>>) semaphore(%arg9 : memref<!tpu.dma_semaphore, #tpu.memory_space<semaphore_mem>>) {add = true}
    }
    %scan3A_11 = arith.constant 78 : i32
    %dma_start3A = arith.constant 0 : i32
    %dma_start3A_12 = tpu.memref_slice %arg7[%dma_start3A] : memref<128xf32, #tpu.memory_space<vmem>> -> memref<16xf32, #tpu.memory_space<vmem>>
    %dma_start3A_13 = arith.constant 9984 : i32
    %dma_start3A_14 = tpu.memref_slice %arg6[%dma_start3A_13] : memref<10000xi32, #tpu.memory_space<vmem>> -> memref<16xi32, #tpu.memory_space<vmem>>
    %dma_start3A_15 = arith.constant 0 : i32
    %dma_start3A_16 = tpu.memref_slice %arg8[%dma_start3A_15] : memref<10112xf32, #tpu.memory_space<vmem_shared>> -> memref<10112xf32, #tpu.memory_space<vmem_shared>>
    tpu.enqueue_indirect_dma source(%dma_start3A_12 : memref<16xf32, #tpu.memory_space<vmem>>) target(%dma_start3A_16 : memref<10112xf32, #tpu.memory_space<vmem_shared>>) offsets(%dma_start3A_14 : memref<16xi32, #tpu.memory_space<vmem>>) semaphore(%arg9 : memref<!tpu.dma_semaphore, #tpu.memory_space<semaphore_mem>>) {add = true}
    %scan3A_17 = arith.constant 0 : i32
    %scan3A_18 = arith.constant 0 : i32
    %scan3A_19 = arith.constant 78 : i32
    %scan3A_20 = arith.addi %scan3A_18, %scan3A_19 : i32
    %scan3A_21 = arith.constant 1 : i32
    scf.for %scan3A_31 = %scan3A_18 to %scan3A_20 step %scan3A_21  : i32 {
      %mul3A_32 = arith.constant 128 : i32
      %mul3A_33 = arith.muli %scan3A_31, %mul3A_32 : i32
      %dma_wait3A_34 = tpu.memref_slice %arg6[%mul3A_33] : memref<10000xi32, #tpu.memory_space<vmem>> -> memref<128xi32, #tpu.memory_space<vmem>>
      %dma_wait3A_35 = arith.constant 0 : i32
      %dma_wait3A_36 = tpu.memref_slice %arg8[%dma_wait3A_35] : memref<10112xf32, #tpu.memory_space<vmem_shared>> -> memref<10112xf32, #tpu.memory_space<vmem_shared>>
      tpu.wait_indirect_dma semaphore(%arg9 : memref<!tpu.dma_semaphore, #tpu.memory_space<semaphore_mem>>) src(%arg7 : memref<128xf32, #tpu.memory_space<vmem>>) dst(%dma_wait3A_36 : memref<10112xf32, #tpu.memory_space<vmem_shared>>)
    }
    %scan3A_22 = arith.constant 78 : i32
    %dma_wait3A = arith.constant 0 : i32
    %dma_wait3A_23 = tpu.memref_slice %arg7[%dma_wait3A] : memref<128xf32, #tpu.memory_space<vmem>> -> memref<16xf32, #tpu.memory_space<vmem>>
    %dma_wait3A_24 = arith.constant 9984 : i32
    %dma_wait3A_25 = tpu.memref_slice %arg6[%dma_wait3A_24] : memref<10000xi32, #tpu.memory_space<vmem>> -> memref<16xi32, #tpu.memory_space<vmem>>
    %dma_wait3A_26 = arith.constant 0 : i32
    %dma_wait3A_27 = tpu.memref_slice %arg8[%dma_wait3A_26] : memref<10112xf32, #tpu.memory_space<vmem_shared>> -> memref<10112xf32, #tpu.memory_space<vmem_shared>>
    tpu.wait_indirect_dma semaphore(%arg9 : memref<!tpu.dma_semaphore, #tpu.memory_space<semaphore_mem>>) src(%dma_wait3A_23 : memref<16xf32, #tpu.memory_space<vmem>>) dst(%dma_wait3A_27 : memref<10112xf32, #tpu.memory_space<vmem_shared>>)
    %barrier3A_28 = arith.constant 0 : index
    tpu.barrier barrier_id(%barrier3A_28)
    %eq3A = arith.constant 0 : i32
    %eq3A_29 = arith.cmpi eq, %arg1, %eq3A : i32
    %convert_element_type3A = arith.extui %eq3A_29 : i1 to i32
    %cond3A = arith.constant 0 : i32
    %cond3A_30 = arith.cmpi ne, %convert_element_type3A, %cond3A : i32
    scf.if %cond3A_30 {
      "tpu.region"() ({
        %run_scoped3A_31 = tpu.sem_alloc : memref<!tpu.dma_semaphore, #tpu.memory_space<semaphore_mem>>
        %dma_start3A_32 = arith.constant 0 : i32
        %dma_start3A_33 = tpu.memref_slice %arg5[%arg0, %dma_start3A_32] : memref<2x10000xf32, #tpu.memory_space<hbm>> -> memref<1x10000xf32, #tpu.memory_space<hbm>>
        %dma_start3A_34 = tpu.memref_squeeze %dma_start3A_33 : memref<1x10000xf32, #tpu.memory_space<hbm>> -> memref<10000xf32, #tpu.memory_space<hbm>>
        %dma_start3A_35 = arith.constant 0 : i32
        %dma_start3A_36 = tpu.memref_slice %arg8[%dma_start3A_35] : memref<10112xf32, #tpu.memory_space<vmem_shared>> -> memref<10000xf32, #tpu.memory_space<vmem_shared>>
        tpu.enqueue_dma source(%dma_start3A_36 : memref<10000xf32, #tpu.memory_space<vmem_shared>>) target(%dma_start3A_34 : memref<10000xf32, #tpu.memory_space<hbm>>) target_semaphore(%run_scoped3A_31 : memref<!tpu.dma_semaphore, #tpu.memory_space<semaphore_mem>>)
        %dma_wait3A_37 = arith.constant 0 : i32
        %dma_wait3A_38 = tpu.memref_slice %arg5[%arg0, %dma_wait3A_37] : memref<2x10000xf32, #tpu.memory_space<hbm>> -> memref<1x10000xf32, #tpu.memory_space<hbm>>
        %dma_wait3A_39 = tpu.memref_squeeze %dma_wait3A_38 : memref<1x10000xf32, #tpu.memory_space<hbm>> -> memref<10000xf32, #tpu.memory_space<hbm>>
        %dma_wait3A_40 = arith.constant 0 : i32
        %dma_wait3A_41 = tpu.memref_slice %arg8[%dma_wait3A_40] : memref<10112xf32, #tpu.memory_space<vmem_shared>> -> memref<10000xf32, #tpu.memory_space<vmem_shared>>
        tpu.wait_dma2 semaphore(%run_scoped3A_31 : memref<!tpu.dma_semaphore, #tpu.memory_space<semaphore_mem>>) src(%dma_wait3A_41 : memref<10000xf32, #tpu.memory_space<vmem_shared>>) dst(%dma_wait3A_39 : memref<10000xf32, #tpu.memory_space<hbm>>)
        tpu.yield
      }) : () -> ()
    } else {
    }
    return
  }
}

#map = affine_map<(d0, d1) -> (0, 0)>
#map1 = affine_map<(d0, d1) -> (0, 0, 0)>
module attributes {stable_mosaic.version = 14 : i64} {
  func.func @_msg_kernel(%arg0: i32, %arg1: i32, %arg2: memref<10000x16xf32, #tpu.memory_space<hbm>>, %arg3: memref<2x320000xi32, #tpu.memory_space<hbm>>, %arg4: memref<10112x16xf32, #tpu.memory_space<hbm>>, %arg5: memref<2x10112x16xf32, #tpu.memory_space<hbm>>, %arg6: memref<10000xi32, #tpu.memory_space<vmem>>, %arg7: memref<10000xi32, #tpu.memory_space<vmem>>, %arg8: memref<8x128x16xf32, #tpu.memory_space<vmem>>, %arg9: memref<16x16xf32, #tpu.memory_space<vmem>>, %arg10: memref<10112x16xf32, #tpu.memory_space<vmem_shared>>, %arg11: memref<!tpu.dma_semaphore, #tpu.memory_space<semaphore_mem>>, %arg12: memref<!tpu.dma_semaphore, #tpu.memory_space<semaphore_mem>>, %arg13: memref<!tpu.dma_semaphore, #tpu.memory_space<semaphore_mem>>, %arg14: memref<!tpu.dma_semaphore, #tpu.memory_space<semaphore_mem>>, %arg15: memref<!tpu.dma_semaphore, #tpu.memory_space<semaphore_mem>>, %arg16: memref<!tpu.dma_semaphore, #tpu.memory_space<semaphore_mem>>, %arg17: memref<!tpu.dma_semaphore, #tpu.memory_space<semaphore_mem>>, %arg18: memref<!tpu.dma_semaphore, #tpu.memory_space<semaphore_mem>>, %arg19: memref<!tpu.dma_semaphore, #tpu.memory_space<semaphore_mem>>, %arg20: memref<!tpu.dma_semaphore, #tpu.memory_space<semaphore_mem>>, %arg21: memref<!tpu.dma_semaphore, #tpu.memory_space<semaphore_mem>>, %arg22: memref<!tpu.dma_semaphore, #tpu.memory_space<semaphore_mem>>, %arg23: memref<!tpu.dma_semaphore, #tpu.memory_space<semaphore_mem>>, %arg24: memref<!tpu.dma_semaphore, #tpu.memory_space<semaphore_mem>>, %arg25: memref<!tpu.dma_semaphore, #tpu.memory_space<semaphore_mem>>, %arg26: memref<!tpu.dma_semaphore, #tpu.memory_space<semaphore_mem>>) attributes {dimension_semantics = [#tpu.dimension_semantics<core_parallel>, #tpu.dimension_semantics<subcore_parallel>], iteration_bounds = array<i64: 2, 16>, scalar_prefetch = 0 : i64, scratch_operands = 21 : i64, tpu.core_type = #tpu.core_type<sc_vector_subcore>, window_params = [{transform_indices = #map}, {transform_indices = #map}, {transform_indices = #map}, {transform_indices = #map1}]} {
    %mul3A = arith.constant 2 : i32
    %mul3A_0 = arith.muli %arg1, %mul3A : i32
    %add3A = arith.addi %mul3A_0, %arg0 : i32
    %mul3A_1 = arith.constant 632 : i32
    %mul3A_2 = arith.muli %arg1, %mul3A_1 : i32
    %mul3A_3 = arith.constant 632 : i32
    %mul3A_4 = arith.muli %arg1, %mul3A_3 : i32
    "tpu.region"() ({
      %run_scoped3A_578 = tpu.sem_alloc : memref<!tpu.dma_semaphore, #tpu.memory_space<semaphore_mem>>
      %dma_start3A_579 = arith.constant 0 : i32
      %dma_start3A_580 = tpu.memref_slice %arg10[%mul3A_4, %dma_start3A_579] : memref<10112x16xf32, #tpu.memory_space<vmem_shared>> -> memref<632x16xf32, #tpu.memory_space<vmem_shared>>
      %dma_start3A_581 = arith.constant 0 : i32
      %dma_start3A_582 = tpu.memref_slice %arg4[%mul3A_2, %dma_start3A_581] : memref<10112x16xf32, #tpu.memory_space<hbm>> -> memref<632x16xf32, #tpu.memory_space<hbm>>
      tpu.enqueue_dma source(%dma_start3A_582 : memref<632x16xf32, #tpu.memory_space<hbm>>) target(%dma_start3A_580 : memref<632x16xf32, #tpu.memory_space<vmem_shared>>) target_semaphore(%run_scoped3A_578 : memref<!tpu.dma_semaphore, #tpu.memory_space<semaphore_mem>>)
      %dma_wait3A_583 = arith.constant 0 : i32
      %dma_wait3A_584 = tpu.memref_slice %arg10[%mul3A_4, %dma_wait3A_583] : memref<10112x16xf32, #tpu.memory_space<vmem_shared>> -> memref<632x16xf32, #tpu.memory_space<vmem_shared>>
      %dma_wait3A_585 = arith.constant 0 : i32
      %dma_wait3A_586 = tpu.memref_slice %arg4[%mul3A_2, %dma_wait3A_585] : memref<10112x16xf32, #tpu.memory_space<hbm>> -> memref<632x16xf32, #tpu.memory_space<hbm>>
      tpu.wait_dma2 semaphore(%run_scoped3A_578 : memref<!tpu.dma_semaphore, #tpu.memory_space<semaphore_mem>>) src(%dma_wait3A_586 : memref<632x16xf32, #tpu.memory_space<hbm>>) dst(%dma_wait3A_584 : memref<632x16xf32, #tpu.memory_space<vmem_shared>>)
      tpu.yield
    }) : () -> ()
    %mul3A_5 = arith.constant 10000 : i32
    %mul3A_6 = arith.muli %add3A, %mul3A_5 : i32
    %run_scoped3A = arith.constant 0 : i32
    "tpu.region"() ({
      %run_scoped3A_578 = tpu.sem_alloc : memref<!tpu.dma_semaphore, #tpu.memory_space<semaphore_mem>>
      %dma_start3A_579 = tpu.memref_slice %arg3[%run_scoped3A, %mul3A_6] : memref<2x320000xi32, #tpu.memory_space<hbm>> -> memref<1x10000xi32, #tpu.memory_space<hbm>>
      %dma_start3A_580 = tpu.memref_squeeze %dma_start3A_579 : memref<1x10000xi32, #tpu.memory_space<hbm>> -> memref<10000xi32, #tpu.memory_space<hbm>>
      %dma_start3A_581 = tpu.memref_slice %arg3[%run_scoped3A, %mul3A_6] : memref<2x320000xi32, #tpu.memory_space<hbm>> -> memref<1x10000xi32, #tpu.memory_space<hbm>>
      %dma_start3A_582 = tpu.memref_squeeze %dma_start3A_581 : memref<1x10000xi32, #tpu.memory_space<hbm>> -> memref<10000xi32, #tpu.memory_space<hbm>>
      tpu.enqueue_dma source(%dma_start3A_582 : memref<10000xi32, #tpu.memory_space<hbm>>) target(%arg6 : memref<10000xi32, #tpu.memory_space<vmem>>) target_semaphore(%run_scoped3A_578 : memref<!tpu.dma_semaphore, #tpu.memory_space<semaphore_mem>>)
      %dma_wait3A_583 = tpu.memref_slice %arg3[%run_scoped3A, %mul3A_6] : memref<2x320000xi32, #tpu.memory_space<hbm>> -> memref<1x10000xi32, #tpu.memory_space<hbm>>
      %dma_wait3A_584 = tpu.memref_squeeze %dma_wait3A_583 : memref<1x10000xi32, #tpu.memory_space<hbm>> -> memref<10000xi32, #tpu.memory_space<hbm>>
      %dma_wait3A_585 = tpu.memref_slice %arg3[%run_scoped3A, %mul3A_6] : memref<2x320000xi32, #tpu.memory_space<hbm>> -> memref<1x10000xi32, #tpu.memory_space<hbm>>
      %dma_wait3A_586 = tpu.memref_squeeze %dma_wait3A_585 : memref<1x10000xi32, #tpu.memory_space<hbm>> -> memref<10000xi32, #tpu.memory_space<hbm>>
      tpu.wait_dma2 semaphore(%run_scoped3A_578 : memref<!tpu.dma_semaphore, #tpu.memory_space<semaphore_mem>>) src(%dma_wait3A_586 : memref<10000xi32, #tpu.memory_space<hbm>>) dst(%arg6 : memref<10000xi32, #tpu.memory_space<vmem>>)
      tpu.yield
    }) : () -> ()
    %mul3A_7 = arith.constant 10000 : i32
    %mul3A_8 = arith.muli %add3A, %mul3A_7 : i32
    %run_scoped3A_9 = arith.constant 1 : i32
    "tpu.region"() ({
      %run_scoped3A_578 = tpu.sem_alloc : memref<!tpu.dma_semaphore, #tpu.memory_space<semaphore_mem>>
      %dma_start3A_579 = tpu.memref_slice %arg3[%run_scoped3A_9, %mul3A_8] : memref<2x320000xi32, #tpu.memory_space<hbm>> -> memref<1x10000xi32, #tpu.memory_space<hbm>>
      %dma_start3A_580 = tpu.memref_squeeze %dma_start3A_579 : memref<1x10000xi32, #tpu.memory_space<hbm>> -> memref<10000xi32, #tpu.memory_space<hbm>>
      %dma_start3A_581 = tpu.memref_slice %arg3[%run_scoped3A_9, %mul3A_8] : memref<2x320000xi32, #tpu.memory_space<hbm>> -> memref<1x10000xi32, #tpu.memory_space<hbm>>
      %dma_start3A_582 = tpu.memref_squeeze %dma_start3A_581 : memref<1x10000xi32, #tpu.memory_space<hbm>> -> memref<10000xi32, #tpu.memory_space<hbm>>
      tpu.enqueue_dma source(%dma_start3A_582 : memref<10000xi32, #tpu.memory_space<hbm>>) target(%arg7 : memref<10000xi32, #tpu.memory_space<vmem>>) target_semaphore(%run_scoped3A_578 : memref<!tpu.dma_semaphore, #tpu.memory_space<semaphore_mem>>)
      %dma_wait3A_583 = tpu.memref_slice %arg3[%run_scoped3A_9, %mul3A_8] : memref<2x320000xi32, #tpu.memory_space<hbm>> -> memref<1x10000xi32, #tpu.memory_space<hbm>>
      %dma_wait3A_584 = tpu.memref_squeeze %dma_wait3A_583 : memref<1x10000xi32, #tpu.memory_space<hbm>> -> memref<10000xi32, #tpu.memory_space<hbm>>
      %dma_wait3A_585 = tpu.memref_slice %arg3[%run_scoped3A_9, %mul3A_8] : memref<2x320000xi32, #tpu.memory_space<hbm>> -> memref<1x10000xi32, #tpu.memory_space<hbm>>
      %dma_wait3A_586 = tpu.memref_squeeze %dma_wait3A_585 : memref<1x10000xi32, #tpu.memory_space<hbm>> -> memref<10000xi32, #tpu.memory_space<hbm>>
      tpu.wait_dma2 semaphore(%run_scoped3A_578 : memref<!tpu.dma_semaphore, #tpu.memory_space<semaphore_mem>>) src(%dma_wait3A_586 : memref<10000xi32, #tpu.memory_space<hbm>>) dst(%arg7 : memref<10000xi32, #tpu.memory_space<vmem>>)
      tpu.yield
    }) : () -> ()
    %barrier3A = arith.constant 0 : index
    tpu.barrier barrier_id(%barrier3A)
    %dma_start3A = arith.constant 0 : i32
    %dma_start3A_10 = arith.constant 0 : i32
    %dma_start3A_11 = arith.constant 0 : i32
    %dma_start3A_12 = tpu.memref_slice %arg8[%dma_start3A, %dma_start3A_10, %dma_start3A_11] : memref<8x128x16xf32, #tpu.memory_space<vmem>> -> memref<1x128x16xf32, #tpu.memory_space<vmem>>
    %dma_start3A_13 = tpu.memref_squeeze %dma_start3A_12 : memref<1x128x16xf32, #tpu.memory_space<vmem>> -> memref<128x16xf32, #tpu.memory_space<vmem>>
    %dma_start3A_14 = arith.constant 0 : i32
    %dma_start3A_15 = tpu.memref_slice %arg6[%dma_start3A_14] : memref<10000xi32, #tpu.memory_space<vmem>> -> memref<128xi32, #tpu.memory_space<vmem>>
    %dma_start3A_16 = arith.constant 0 : i32
    %dma_start3A_17 = arith.constant 0 : i32
    %dma_start3A_18 = tpu.memref_slice %arg2[%dma_start3A_16, %dma_start3A_17] : memref<10000x16xf32, #tpu.memory_space<hbm>> -> memref<10000x16xf32, #tpu.memory_space<hbm>>
    tpu.enqueue_indirect_dma source(%dma_start3A_18 : memref<10000x16xf32, #tpu.memory_space<hbm>>) target(%dma_start3A_13 : memref<128x16xf32, #tpu.memory_space<vmem>>) offsets(%dma_start3A_15 : memref<128xi32, #tpu.memory_space<vmem>>) semaphore(%arg11 : memref<!tpu.dma_semaphore, #tpu.memory_space<semaphore_mem>>)
    %dma_start3A_19 = arith.constant 1 : i32
    %dma_start3A_20 = arith.constant 0 : i32
    %dma_start3A_21 = arith.constant 0 : i32
    %dma_start3A_22 = tpu.memref_slice %arg8[%dma_start3A_19, %dma_start3A_20, %dma_start3A_21] : memref<8x128x16xf32, #tpu.memory_space<vmem>> -> memref<1x128x16xf32, #tpu.memory_space<vmem>>
    %dma_start3A_23 = tpu.memref_squeeze %dma_start3A_22 : memref<1x128x16xf32, #tpu.memory_space<vmem>> -> memref<128x16xf32, #tpu.memory_space<vmem>>
    %dma_start3A_24 = arith.constant 128 : i32
    %dma_start3A_25 = tpu.memref_slice %arg6[%dma_start3A_24] : memref<10000xi32, #tpu.memory_space<vmem>> -> memref<128xi32, #tpu.memory_space<vmem>>
    %dma_start3A_26 = arith.constant 0 : i32
    %dma_start3A_27 = arith.constant 0 : i32
    %dma_start3A_28 = tpu.memref_slice %arg2[%dma_start3A_26, %dma_start3A_27] : memref<10000x16xf32, #tpu.memory_space<hbm>> -> memref<10000x16xf32, #tpu.memory_space<hbm>>
    tpu.enqueue_indirect_dma source(%dma_start3A_28 : memref<10000x16xf32, #tpu.memory_space<hbm>>) target(%dma_start3A_23 : memref<128x16xf32, #tpu.memory_space<vmem>>) offsets(%dma_start3A_25 : memref<128xi32, #tpu.memory_space<vmem>>) semaphore(%arg12 : memref<!tpu.dma_semaphore, #tpu.memory_space<semaphore_mem>>)
    %dma_start3A_29 = arith.constant 2 : i32
    %dma_start3A_30 = arith.constant 0 : i32
    %dma_start3A_31 = arith.constant 0 : i32
    %dma_start3A_32 = tpu.memref_slice %arg8[%dma_start3A_29, %dma_start3A_30, %dma_start3A_31] : memref<8x128x16xf32, #tpu.memory_space<vmem>> -> memref<1x128x16xf32, #tpu.memory_space<vmem>>
    %dma_start3A_33 = tpu.memref_squeeze %dma_start3A_32 : memref<1x128x16xf32, #tpu.memory_space<vmem>> -> memref<128x16xf32, #tpu.memory_space<vmem>>
    %dma_start3A_34 = arith.constant 256 : i32
    %dma_start3A_35 = tpu.memref_slice %arg6[%dma_start3A_34] : memref<10000xi32, #tpu.memory_space<vmem>> -> memref<128xi32, #tpu.memory_space<vmem>>
    %dma_start3A_36 = arith.constant 0 : i32
    %dma_start3A_37 = arith.constant 0 : i32
    %dma_start3A_38 = tpu.memref_slice %arg2[%dma_start3A_36, %dma_start3A_37] : memref<10000x16xf32, #tpu.memory_space<hbm>> -> memref<10000x16xf32, #tpu.memory_space<hbm>>
    tpu.enqueue_indirect_dma source(%dma_start3A_38 : memref<10000x16xf32, #tpu.memory_space<hbm>>) target(%dma_start3A_33 : memref<128x16xf32, #tpu.memory_space<vmem>>) offsets(%dma_start3A_35 : memref<128xi32, #tpu.memory_space<vmem>>) semaphore(%arg13 : memref<!tpu.dma_semaphore, #tpu.memory_space<semaphore_mem>>)
    %dma_start3A_39 = arith.constant 3 : i32
    %dma_start3A_40 = arith.constant 0 : i32
    %dma_start3A_41 = arith.constant 0 : i32
    %dma_start3A_42 = tpu.memref_slice %arg8[%dma_start3A_39, %dma_start3A_40, %dma_start3A_41] : memref<8x128x16xf32, #tpu.memory_space<vmem>> -> memref<1x128x16xf32, #tpu.memory_space<vmem>>
    %dma_start3A_43 = tpu.memref_squeeze %dma_start3A_42 : memref<1x128x16xf32, #tpu.memory_space<vmem>> -> memref<128x16xf32, #tpu.memory_space<vmem>>
    %dma_start3A_44 = arith.constant 384 : i32
    %dma_start3A_45 = tpu.memref_slice %arg6[%dma_start3A_44] : memref<10000xi32, #tpu.memory_space<vmem>> -> memref<128xi32, #tpu.memory_space<vmem>>
    %dma_start3A_46 = arith.constant 0 : i32
    %dma_start3A_47 = arith.constant 0 : i32
    %dma_start3A_48 = tpu.memref_slice %arg2[%dma_start3A_46, %dma_start3A_47] : memref<10000x16xf32, #tpu.memory_space<hbm>> -> memref<10000x16xf32, #tpu.memory_space<hbm>>
    tpu.enqueue_indirect_dma source(%dma_start3A_48 : memref<10000x16xf32, #tpu.memory_space<hbm>>) target(%dma_start3A_43 : memref<128x16xf32, #tpu.memory_space<vmem>>) offsets(%dma_start3A_45 : memref<128xi32, #tpu.memory_space<vmem>>) semaphore(%arg14 : memref<!tpu.dma_semaphore, #tpu.memory_space<semaphore_mem>>)
    %dma_wait3A = arith.constant 0 : i32
    %dma_wait3A_49 = arith.constant 0 : i32
    %dma_wait3A_50 = arith.constant 0 : i32
    %dma_wait3A_51 = tpu.memref_slice %arg8[%dma_wait3A, %dma_wait3A_49, %dma_wait3A_50] : memref<8x128x16xf32, #tpu.memory_space<vmem>> -> memref<1x128x16xf32, #tpu.memory_space<vmem>>
    %dma_wait3A_52 = tpu.memref_squeeze %dma_wait3A_51 : memref<1x128x16xf32, #tpu.memory_space<vmem>> -> memref<128x16xf32, #tpu.memory_space<vmem>>
    %dma_wait3A_53 = arith.constant 0 : i32
    %dma_wait3A_54 = tpu.memref_slice %arg6[%dma_wait3A_53] : memref<10000xi32, #tpu.memory_space<vmem>> -> memref<128xi32, #tpu.memory_space<vmem>>
    %dma_wait3A_55 = arith.constant 0 : i32
    %dma_wait3A_56 = arith.constant 0 : i32
    %dma_wait3A_57 = tpu.memref_slice %arg2[%dma_wait3A_55, %dma_wait3A_56] : memref<10000x16xf32, #tpu.memory_space<hbm>> -> memref<10000x16xf32, #tpu.memory_space<hbm>>
    tpu.wait_indirect_dma semaphore(%arg11 : memref<!tpu.dma_semaphore, #tpu.memory_space<semaphore_mem>>) src(%dma_wait3A_57 : memref<10000x16xf32, #tpu.memory_space<hbm>>) dst(%dma_wait3A_52 : memref<128x16xf32, #tpu.memory_space<vmem>>)
    %dma_start3A_58 = arith.constant 0 : i32
    %dma_start3A_59 = arith.constant 0 : i32
    %dma_start3A_60 = arith.constant 0 : i32
    %dma_start3A_61 = tpu.memref_slice %arg8[%dma_start3A_58, %dma_start3A_59, %dma_start3A_60] : memref<8x128x16xf32, #tpu.memory_space<vmem>> -> memref<1x128x16xf32, #tpu.memory_space<vmem>>
    %dma_start3A_62 = tpu.memref_squeeze %dma_start3A_61 : memref<1x128x16xf32, #tpu.memory_space<vmem>> -> memref<128x16xf32, #tpu.memory_space<vmem>>
    %dma_start3A_63 = arith.constant 0 : i32
    %dma_start3A_64 = tpu.memref_slice %arg7[%dma_start3A_63] : memref<10000xi32, #tpu.memory_space<vmem>> -> memref<128xi32, #tpu.memory_space<vmem>>
    %dma_start3A_65 = arith.constant 0 : i32
    %dma_start3A_66 = arith.constant 0 : i32
    %dma_start3A_67 = tpu.memref_slice %arg10[%dma_start3A_65, %dma_start3A_66] : memref<10112x16xf32, #tpu.memory_space<vmem_shared>> -> memref<10112x16xf32, #tpu.memory_space<vmem_shared>>
    tpu.enqueue_indirect_dma source(%dma_start3A_62 : memref<128x16xf32, #tpu.memory_space<vmem>>) target(%dma_start3A_67 : memref<10112x16xf32, #tpu.memory_space<vmem_shared>>) offsets(%dma_start3A_64 : memref<128xi32, #tpu.memory_space<vmem>>) semaphore(%arg19 : memref<!tpu.dma_semaphore, #tpu.memory_space<semaphore_mem>>) {add = true}
    %dma_start3A_68 = arith.constant 4 : i32
    %dma_start3A_69 = arith.constant 0 : i32
    %dma_start3A_70 = arith.constant 0 : i32
    %dma_start3A_71 = tpu.memref_slice %arg8[%dma_start3A_68, %dma_start3A_69, %dma_start3A_70] : memref<8x128x16xf32, #tpu.memory_space<vmem>> -> memref<1x128x16xf32, #tpu.memory_space<vmem>>
    %dma_start3A_72 = tpu.memref_squeeze %dma_start3A_71 : memref<1x128x16xf32, #tpu.memory_space<vmem>> -> memref<128x16xf32, #tpu.memory_space<vmem>>
    %dma_start3A_73 = arith.constant 512 : i32
    %dma_start3A_74 = tpu.memref_slice %arg6[%dma_start3A_73] : memref<10000xi32, #tpu.memory_space<vmem>> -> memref<128xi32, #tpu.memory_space<vmem>>
    %dma_start3A_75 = arith.constant 0 : i32
    %dma_start3A_76 = arith.constant 0 : i32
    %dma_start3A_77 = tpu.memref_slice %arg2[%dma_start3A_75, %dma_start3A_76] : memref<10000x16xf32, #tpu.memory_space<hbm>> -> memref<10000x16xf32, #tpu.memory_space<hbm>>
    tpu.enqueue_indirect_dma source(%dma_start3A_77 : memref<10000x16xf32, #tpu.memory_space<hbm>>) target(%dma_start3A_72 : memref<128x16xf32, #tpu.memory_space<vmem>>) offsets(%dma_start3A_74 : memref<128xi32, #tpu.memory_space<vmem>>) semaphore(%arg15 : memref<!tpu.dma_semaphore, #tpu.memory_space<semaphore_mem>>)
    %dma_wait3A_78 = arith.constant 1 : i32
    %dma_wait3A_79 = arith.constant 0 : i32
    %dma_wait3A_80 = arith.constant 0 : i32
    %dma_wait3A_81 = tpu.memref_slice %arg8[%dma_wait3A_78, %dma_wait3A_79, %dma_wait3A_80] : memref<8x128x16xf32, #tpu.memory_space<vmem>> -> memref<1x128x16xf32, #tpu.memory_space<vmem>>
    %dma_wait3A_82 = tpu.memref_squeeze %dma_wait3A_81 : memref<1x128x16xf32, #tpu.memory_space<vmem>> -> memref<128x16xf32, #tpu.memory_space<vmem>>
    %dma_wait3A_83 = arith.constant 128 : i32
    %dma_wait3A_84 = tpu.memref_slice %arg6[%dma_wait3A_83] : memref<10000xi32, #tpu.memory_space<vmem>> -> memref<128xi32, #tpu.memory_space<vmem>>
    %dma_wait3A_85 = arith.constant 0 : i32
    %dma_wait3A_86 = arith.constant 0 : i32
    %dma_wait3A_87 = tpu.memref_slice %arg2[%dma_wait3A_85, %dma_wait3A_86] : memref<10000x16xf32, #tpu.memory_space<hbm>> -> memref<10000x16xf32, #tpu.memory_space<hbm>>
    tpu.wait_indirect_dma semaphore(%arg12 : memref<!tpu.dma_semaphore, #tpu.memory_space<semaphore_mem>>) src(%dma_wait3A_87 : memref<10000x16xf32, #tpu.memory_space<hbm>>) dst(%dma_wait3A_82 : memref<128x16xf32, #tpu.memory_space<vmem>>)
    %dma_start3A_88 = arith.constant 1 : i32
    %dma_start3A_89 = arith.constant 0 : i32
    %dma_start3A_90 = arith.constant 0 : i32
    %dma_start3A_91 = tpu.memref_slice %arg8[%dma_start3A_88, %dma_start3A_89, %dma_start3A_90] : memref<8x128x16xf32, #tpu.memory_space<vmem>> -> memref<1x128x16xf32, #tpu.memory_space<vmem>>
    %dma_start3A_92 = tpu.memref_squeeze %dma_start3A_91 : memref<1x128x16xf32, #tpu.memory_space<vmem>> -> memref<128x16xf32, #tpu.memory_space<vmem>>
    %dma_start3A_93 = arith.constant 128 : i32
    %dma_start3A_94 = tpu.memref_slice %arg7[%dma_start3A_93] : memref<10000xi32, #tpu.memory_space<vmem>> -> memref<128xi32, #tpu.memory_space<vmem>>
    %dma_start3A_95 = arith.constant 0 : i32
    %dma_start3A_96 = arith.constant 0 : i32
    %dma_start3A_97 = tpu.memref_slice %arg10[%dma_start3A_95, %dma_start3A_96] : memref<10112x16xf32, #tpu.memory_space<vmem_shared>> -> memref<10112x16xf32, #tpu.memory_space<vmem_shared>>
    tpu.enqueue_indirect_dma source(%dma_start3A_92 : memref<128x16xf32, #tpu.memory_space<vmem>>) target(%dma_start3A_97 : memref<10112x16xf32, #tpu.memory_space<vmem_shared>>) offsets(%dma_start3A_94 : memref<128xi32, #tpu.memory_space<vmem>>) semaphore(%arg20 : memref<!tpu.dma_semaphore, #tpu.memory_space<semaphore_mem>>) {add = true}
    %dma_start3A_98 = arith.constant 5 : i32
    %dma_start3A_99 = arith.constant 0 : i32
    %dma_start3A_100 = arith.constant 0 : i32
    %dma_start3A_101 = tpu.memref_slice %arg8[%dma_start3A_98, %dma_start3A_99, %dma_start3A_100] : memref<8x128x16xf32, #tpu.memory_space<vmem>> -> memref<1x128x16xf32, #tpu.memory_space<vmem>>
    %dma_start3A_102 = tpu.memref_squeeze %dma_start3A_101 : memref<1x128x16xf32, #tpu.memory_space<vmem>> -> memref<128x16xf32, #tpu.memory_space<vmem>>
    %dma_start3A_103 = arith.constant 640 : i32
    %dma_start3A_104 = tpu.memref_slice %arg6[%dma_start3A_103] : memref<10000xi32, #tpu.memory_space<vmem>> -> memref<128xi32, #tpu.memory_space<vmem>>
    %dma_start3A_105 = arith.constant 0 : i32
    %dma_start3A_106 = arith.constant 0 : i32
    %dma_start3A_107 = tpu.memref_slice %arg2[%dma_start3A_105, %dma_start3A_106] : memref<10000x16xf32, #tpu.memory_space<hbm>> -> memref<10000x16xf32, #tpu.memory_space<hbm>>
    tpu.enqueue_indirect_dma source(%dma_start3A_107 : memref<10000x16xf32, #tpu.memory_space<hbm>>) target(%dma_start3A_102 : memref<128x16xf32, #tpu.memory_space<vmem>>) offsets(%dma_start3A_104 : memref<128xi32, #tpu.memory_space<vmem>>) semaphore(%arg16 : memref<!tpu.dma_semaphore, #tpu.memory_space<semaphore_mem>>)
    %dma_wait3A_108 = arith.constant 2 : i32
    %dma_wait3A_109 = arith.constant 0 : i32
    %dma_wait3A_110 = arith.constant 0 : i32
    %dma_wait3A_111 = tpu.memref_slice %arg8[%dma_wait3A_108, %dma_wait3A_109, %dma_wait3A_110] : memref<8x128x16xf32, #tpu.memory_space<vmem>> -> memref<1x128x16xf32, #tpu.memory_space<vmem>>
    %dma_wait3A_112 = tpu.memref_squeeze %dma_wait3A_111 : memref<1x128x16xf32, #tpu.memory_space<vmem>> -> memref<128x16xf32, #tpu.memory_space<vmem>>
    %dma_wait3A_113 = arith.constant 256 : i32
    %dma_wait3A_114 = tpu.memref_slice %arg6[%dma_wait3A_113] : memref<10000xi32, #tpu.memory_space<vmem>> -> memref<128xi32, #tpu.memory_space<vmem>>
    %dma_wait3A_115 = arith.constant 0 : i32
    %dma_wait3A_116 = arith.constant 0 : i32
    %dma_wait3A_117 = tpu.memref_slice %arg2[%dma_wait3A_115, %dma_wait3A_116] : memref<10000x16xf32, #tpu.memory_space<hbm>> -> memref<10000x16xf32, #tpu.memory_space<hbm>>
    tpu.wait_indirect_dma semaphore(%arg13 : memref<!tpu.dma_semaphore, #tpu.memory_space<semaphore_mem>>) src(%dma_wait3A_117 : memref<10000x16xf32, #tpu.memory_space<hbm>>) dst(%dma_wait3A_112 : memref<128x16xf32, #tpu.memory_space<vmem>>)
    %dma_start3A_118 = arith.constant 2 : i32
    %dma_start3A_119 = arith.constant 0 : i32
    %dma_start3A_120 = arith.constant 0 : i32
    %dma_start3A_121 = tpu.memref_slice %arg8[%dma_start3A_118, %dma_start3A_119, %dma_start3A_120] : memref<8x128x16xf32, #tpu.memory_space<vmem>> -> memref<1x128x16xf32, #tpu.memory_space<vmem>>
    %dma_start3A_122 = tpu.memref_squeeze %dma_start3A_121 : memref<1x128x16xf32, #tpu.memory_space<vmem>> -> memref<128x16xf32, #tpu.memory_space<vmem>>
    %dma_start3A_123 = arith.constant 256 : i32
    %dma_start3A_124 = tpu.memref_slice %arg7[%dma_start3A_123] : memref<10000xi32, #tpu.memory_space<vmem>> -> memref<128xi32, #tpu.memory_space<vmem>>
    %dma_start3A_125 = arith.constant 0 : i32
    %dma_start3A_126 = arith.constant 0 : i32
    %dma_start3A_127 = tpu.memref_slice %arg10[%dma_start3A_125, %dma_start3A_126] : memref<10112x16xf32, #tpu.memory_space<vmem_shared>> -> memref<10112x16xf32, #tpu.memory_space<vmem_shared>>
    tpu.enqueue_indirect_dma source(%dma_start3A_122 : memref<128x16xf32, #tpu.memory_space<vmem>>) target(%dma_start3A_127 : memref<10112x16xf32, #tpu.memory_space<vmem_shared>>) offsets(%dma_start3A_124 : memref<128xi32, #tpu.memory_space<vmem>>) semaphore(%arg21 : memref<!tpu.dma_semaphore, #tpu.memory_space<semaphore_mem>>) {add = true}
    %dma_start3A_128 = arith.constant 6 : i32
    %dma_start3A_129 = arith.constant 0 : i32
    %dma_start3A_130 = arith.constant 0 : i32
    %dma_start3A_131 = tpu.memref_slice %arg8[%dma_start3A_128, %dma_start3A_129, %dma_start3A_130] : memref<8x128x16xf32, #tpu.memory_space<vmem>> -> memref<1x128x16xf32, #tpu.memory_space<vmem>>
    %dma_start3A_132 = tpu.memref_squeeze %dma_start3A_131 : memref<1x128x16xf32, #tpu.memory_space<vmem>> -> memref<128x16xf32, #tpu.memory_space<vmem>>
    %dma_start3A_133 = arith.constant 768 : i32
    %dma_start3A_134 = tpu.memref_slice %arg6[%dma_start3A_133] : memref<10000xi32, #tpu.memory_space<vmem>> -> memref<128xi32, #tpu.memory_space<vmem>>
    %dma_start3A_135 = arith.constant 0 : i32
    %dma_start3A_136 = arith.constant 0 : i32
    %dma_start3A_137 = tpu.memref_slice %arg2[%dma_start3A_135, %dma_start3A_136] : memref<10000x16xf32, #tpu.memory_space<hbm>> -> memref<10000x16xf32, #tpu.memory_space<hbm>>
    tpu.enqueue_indirect_dma source(%dma_start3A_137 : memref<10000x16xf32, #tpu.memory_space<hbm>>) target(%dma_start3A_132 : memref<128x16xf32, #tpu.memory_space<vmem>>) offsets(%dma_start3A_134 : memref<128xi32, #tpu.memory_space<vmem>>) semaphore(%arg17 : memref<!tpu.dma_semaphore, #tpu.memory_space<semaphore_mem>>)
    %dma_wait3A_138 = arith.constant 3 : i32
    %dma_wait3A_139 = arith.constant 0 : i32
    %dma_wait3A_140 = arith.constant 0 : i32
    %dma_wait3A_141 = tpu.memref_slice %arg8[%dma_wait3A_138, %dma_wait3A_139, %dma_wait3A_140] : memref<8x128x16xf32, #tpu.memory_space<vmem>> -> memref<1x128x16xf32, #tpu.memory_space<vmem>>
    %dma_wait3A_142 = tpu.memref_squeeze %dma_wait3A_141 : memref<1x128x16xf32, #tpu.memory_space<vmem>> -> memref<128x16xf32, #tpu.memory_space<vmem>>
    %dma_wait3A_143 = arith.constant 384 : i32
    %dma_wait3A_144 = tpu.memref_slice %arg6[%dma_wait3A_143] : memref<10000xi32, #tpu.memory_space<vmem>> -> memref<128xi32, #tpu.memory_space<vmem>>
    %dma_wait3A_145 = arith.constant 0 : i32
    %dma_wait3A_146 = arith.constant 0 : i32
    %dma_wait3A_147 = tpu.memref_slice %arg2[%dma_wait3A_145, %dma_wait3A_146] : memref<10000x16xf32, #tpu.memory_space<hbm>> -> memref<10000x16xf32, #tpu.memory_space<hbm>>
    tpu.wait_indirect_dma semaphore(%arg14 : memref<!tpu.dma_semaphore, #tpu.memory_space<semaphore_mem>>) src(%dma_wait3A_147 : memref<10000x16xf32, #tpu.memory_space<hbm>>) dst(%dma_wait3A_142 : memref<128x16xf32, #tpu.memory_space<vmem>>)
    %dma_start3A_148 = arith.constant 3 : i32
    %dma_start3A_149 = arith.constant 0 : i32
    %dma_start3A_150 = arith.constant 0 : i32
    %dma_start3A_151 = tpu.memref_slice %arg8[%dma_start3A_148, %dma_start3A_149, %dma_start3A_150] : memref<8x128x16xf32, #tpu.memory_space<vmem>> -> memref<1x128x16xf32, #tpu.memory_space<vmem>>
    %dma_start3A_152 = tpu.memref_squeeze %dma_start3A_151 : memref<1x128x16xf32, #tpu.memory_space<vmem>> -> memref<128x16xf32, #tpu.memory_space<vmem>>
    %dma_start3A_153 = arith.constant 384 : i32
    %dma_start3A_154 = tpu.memref_slice %arg7[%dma_start3A_153] : memref<10000xi32, #tpu.memory_space<vmem>> -> memref<128xi32, #tpu.memory_space<vmem>>
    %dma_start3A_155 = arith.constant 0 : i32
    %dma_start3A_156 = arith.constant 0 : i32
    %dma_start3A_157 = tpu.memref_slice %arg10[%dma_start3A_155, %dma_start3A_156] : memref<10112x16xf32, #tpu.memory_space<vmem_shared>> -> memref<10112x16xf32, #tpu.memory_space<vmem_shared>>
    tpu.enqueue_indirect_dma source(%dma_start3A_152 : memref<128x16xf32, #tpu.memory_space<vmem>>) target(%dma_start3A_157 : memref<10112x16xf32, #tpu.memory_space<vmem_shared>>) offsets(%dma_start3A_154 : memref<128xi32, #tpu.memory_space<vmem>>) semaphore(%arg22 : memref<!tpu.dma_semaphore, #tpu.memory_space<semaphore_mem>>) {add = true}
    %dma_start3A_158 = arith.constant 7 : i32
    %dma_start3A_159 = arith.constant 0 : i32
    %dma_start3A_160 = arith.constant 0 : i32
    %dma_start3A_161 = tpu.memref_slice %arg8[%dma_start3A_158, %dma_start3A_159, %dma_start3A_160] : memref<8x128x16xf32, #tpu.memory_space<vmem>> -> memref<1x128x16xf32, #tpu.memory_space<vmem>>
    %dma_start3A_162 = tpu.memref_squeeze %dma_start3A_161 : memref<1x128x16xf32, #tpu.memory_space<vmem>> -> memref<128x16xf32, #tpu.memory_space<vmem>>
    %dma_start3A_163 = arith.constant 896 : i32
    %dma_start3A_164 = tpu.memref_slice %arg6[%dma_start3A_163] : memref<10000xi32, #tpu.memory_space<vmem>> -> memref<128xi32, #tpu.memory_space<vmem>>
    %dma_start3A_165 = arith.constant 0 : i32
    %dma_start3A_166 = arith.constant 0 : i32
    %dma_start3A_167 = tpu.memref_slice %arg2[%dma_start3A_165, %dma_start3A_166] : memref<10000x16xf32, #tpu.memory_space<hbm>> -> memref<10000x16xf32, #tpu.memory_space<hbm>>
    tpu.enqueue_indirect_dma source(%dma_start3A_167 : memref<10000x16xf32, #tpu.memory_space<hbm>>) target(%dma_start3A_162 : memref<128x16xf32, #tpu.memory_space<vmem>>) offsets(%dma_start3A_164 : memref<128xi32, #tpu.memory_space<vmem>>) semaphore(%arg18 : memref<!tpu.dma_semaphore, #tpu.memory_space<semaphore_mem>>)
    %dma_wait3A_168 = arith.constant 4 : i32
    %dma_wait3A_169 = arith.constant 0 : i32
    %dma_wait3A_170 = arith.constant 0 : i32
    %dma_wait3A_171 = tpu.memref_slice %arg8[%dma_wait3A_168, %dma_wait3A_169, %dma_wait3A_170] : memref<8x128x16xf32, #tpu.memory_space<vmem>> -> memref<1x128x16xf32, #tpu.memory_space<vmem>>
    %dma_wait3A_172 = tpu.memref_squeeze %dma_wait3A_171 : memref<1x128x16xf32, #tpu.memory_space<vmem>> -> memref<128x16xf32, #tpu.memory_space<vmem>>
    %dma_wait3A_173 = arith.constant 512 : i32
    %dma_wait3A_174 = tpu.memref_slice %arg6[%dma_wait3A_173] : memref<10000xi32, #tpu.memory_space<vmem>> -> memref<128xi32, #tpu.memory_space<vmem>>
    %dma_wait3A_175 = arith.constant 0 : i32
    %dma_wait3A_176 = arith.constant 0 : i32
    %dma_wait3A_177 = tpu.memref_slice %arg2[%dma_wait3A_175, %dma_wait3A_176] : memref<10000x16xf32, #tpu.memory_space<hbm>> -> memref<10000x16xf32, #tpu.memory_space<hbm>>
    tpu.wait_indirect_dma semaphore(%arg15 : memref<!tpu.dma_semaphore, #tpu.memory_space<semaphore_mem>>) src(%dma_wait3A_177 : memref<10000x16xf32, #tpu.memory_space<hbm>>) dst(%dma_wait3A_172 : memref<128x16xf32, #tpu.memory_space<vmem>>)
    %dma_start3A_178 = arith.constant 4 : i32
    %dma_start3A_179 = arith.constant 0 : i32
    %dma_start3A_180 = arith.constant 0 : i32
    %dma_start3A_181 = tpu.memref_slice %arg8[%dma_start3A_178, %dma_start3A_179, %dma_start3A_180] : memref<8x128x16xf32, #tpu.memory_space<vmem>> -> memref<1x128x16xf32, #tpu.memory_space<vmem>>
    %dma_start3A_182 = tpu.memref_squeeze %dma_start3A_181 : memref<1x128x16xf32, #tpu.memory_space<vmem>> -> memref<128x16xf32, #tpu.memory_space<vmem>>
    %dma_start3A_183 = arith.constant 512 : i32
    %dma_start3A_184 = tpu.memref_slice %arg7[%dma_start3A_183] : memref<10000xi32, #tpu.memory_space<vmem>> -> memref<128xi32, #tpu.memory_space<vmem>>
    %dma_start3A_185 = arith.constant 0 : i32
    %dma_start3A_186 = arith.constant 0 : i32
    %dma_start3A_187 = tpu.memref_slice %arg10[%dma_start3A_185, %dma_start3A_186] : memref<10112x16xf32, #tpu.memory_space<vmem_shared>> -> memref<10112x16xf32, #tpu.memory_space<vmem_shared>>
    tpu.enqueue_indirect_dma source(%dma_start3A_182 : memref<128x16xf32, #tpu.memory_space<vmem>>) target(%dma_start3A_187 : memref<10112x16xf32, #tpu.memory_space<vmem_shared>>) offsets(%dma_start3A_184 : memref<128xi32, #tpu.memory_space<vmem>>) semaphore(%arg23 : memref<!tpu.dma_semaphore, #tpu.memory_space<semaphore_mem>>) {add = true}
    %dma_wait3A_188 = arith.constant 0 : i32
    %dma_wait3A_189 = arith.constant 0 : i32
    %dma_wait3A_190 = arith.constant 0 : i32
    %dma_wait3A_191 = tpu.memref_slice %arg8[%dma_wait3A_188, %dma_wait3A_189, %dma_wait3A_190] : memref<8x128x16xf32, #tpu.memory_space<vmem>> -> memref<1x128x16xf32, #tpu.memory_space<vmem>>
    %dma_wait3A_192 = tpu.memref_squeeze %dma_wait3A_191 : memref<1x128x16xf32, #tpu.memory_space<vmem>> -> memref<128x16xf32, #tpu.memory_space<vmem>>
    %dma_wait3A_193 = arith.constant 0 : i32
    %dma_wait3A_194 = tpu.memref_slice %arg7[%dma_wait3A_193] : memref<10000xi32, #tpu.memory_space<vmem>> -> memref<128xi32, #tpu.memory_space<vmem>>
    %dma_wait3A_195 = arith.constant 0 : i32
    %dma_wait3A_196 = arith.constant 0 : i32
    %dma_wait3A_197 = tpu.memref_slice %arg10[%dma_wait3A_195, %dma_wait3A_196] : memref<10112x16xf32, #tpu.memory_space<vmem_shared>> -> memref<10112x16xf32, #tpu.memory_space<vmem_shared>>
    tpu.wait_indirect_dma semaphore(%arg19 : memref<!tpu.dma_semaphore, #tpu.memory_space<semaphore_mem>>) src(%dma_wait3A_192 : memref<128x16xf32, #tpu.memory_space<vmem>>) dst(%dma_wait3A_197 : memref<10112x16xf32, #tpu.memory_space<vmem_shared>>)
    %dma_start3A_198 = arith.constant 0 : i32
    %dma_start3A_199 = arith.constant 0 : i32
    %dma_start3A_200 = arith.constant 0 : i32
    %dma_start3A_201 = tpu.memref_slice %arg8[%dma_start3A_198, %dma_start3A_199, %dma_start3A_200] : memref<8x128x16xf32, #tpu.memory_space<vmem>> -> memref<1x128x16xf32, #tpu.memory_space<vmem>>
    %dma_start3A_202 = tpu.memref_squeeze %dma_start3A_201 : memref<1x128x16xf32, #tpu.memory_space<vmem>> -> memref<128x16xf32, #tpu.memory_space<vmem>>
    %dma_start3A_203 = arith.constant 1024 : i32
    %dma_start3A_204 = tpu.memref_slice %arg6[%dma_start3A_203] : memref<10000xi32, #tpu.memory_space<vmem>> -> memref<128xi32, #tpu.memory_space<vmem>>
    %dma_start3A_205 = arith.constant 0 : i32
    %dma_start3A_206 = arith.constant 0 : i32
    %dma_start3A_207 = tpu.memref_slice %arg2[%dma_start3A_205, %dma_start3A_206] : memref<10000x16xf32, #tpu.memory_space<hbm>> -> memref<10000x16xf32, #tpu.memory_space<hbm>>
    tpu.enqueue_indirect_dma source(%dma_start3A_207 : memref<10000x16xf32, #tpu.memory_space<hbm>>) target(%dma_start3A_202 : memref<128x16xf32, #tpu.memory_space<vmem>>) offsets(%dma_start3A_204 : memref<128xi32, #tpu.memory_space<vmem>>) semaphore(%arg11 : memref<!tpu.dma_semaphore, #tpu.memory_space<semaphore_mem>>)
    %dma_wait3A_208 = arith.constant 5 : i32
    %dma_wait3A_209 = arith.constant 0 : i32
    %dma_wait3A_210 = arith.constant 0 : i32
    %dma_wait3A_211 = tpu.memref_slice %arg8[%dma_wait3A_208, %dma_wait3A_209, %dma_wait3A_210] : memref<8x128x16xf32, #tpu.memory_space<vmem>> -> memref<1x128x16xf32, #tpu.memory_space<vmem>>
    %dma_wait3A_212 = tpu.memref_squeeze %dma_wait3A_211 : memref<1x128x16xf32, #tpu.memory_space<vmem>> -> memref<128x16xf32, #tpu.memory_space<vmem>>
    %dma_wait3A_213 = arith.constant 640 : i32
    %dma_wait3A_214 = tpu.memref_slice %arg6[%dma_wait3A_213] : memref<10000xi32, #tpu.memory_space<vmem>> -> memref<128xi32, #tpu.memory_space<vmem>>
    %dma_wait3A_215 = arith.constant 0 : i32
    %dma_wait3A_216 = arith.constant 0 : i32
    %dma_wait3A_217 = tpu.memref_slice %arg2[%dma_wait3A_215, %dma_wait3A_216] : memref<10000x16xf32, #tpu.memory_space<hbm>> -> memref<10000x16xf32, #tpu.memory_space<hbm>>
    tpu.wait_indirect_dma semaphore(%arg16 : memref<!tpu.dma_semaphore, #tpu.memory_space<semaphore_mem>>) src(%dma_wait3A_217 : memref<10000x16xf32, #tpu.memory_space<hbm>>) dst(%dma_wait3A_212 : memref<128x16xf32, #tpu.memory_space<vmem>>)
    %dma_start3A_218 = arith.constant 5 : i32
    %dma_start3A_219 = arith.constant 0 : i32
    %dma_start3A_220 = arith.constant 0 : i32
    %dma_start3A_221 = tpu.memref_slice %arg8[%dma_start3A_218, %dma_start3A_219, %dma_start3A_220] : memref<8x128x16xf32, #tpu.memory_space<vmem>> -> memref<1x128x16xf32, #tpu.memory_space<vmem>>
    %dma_start3A_222 = tpu.memref_squeeze %dma_start3A_221 : memref<1x128x16xf32, #tpu.memory_space<vmem>> -> memref<128x16xf32, #tpu.memory_space<vmem>>
    %dma_start3A_223 = arith.constant 640 : i32
    %dma_start3A_224 = tpu.memref_slice %arg7[%dma_start3A_223] : memref<10000xi32, #tpu.memory_space<vmem>> -> memref<128xi32, #tpu.memory_space<vmem>>
    %dma_start3A_225 = arith.constant 0 : i32
    %dma_start3A_226 = arith.constant 0 : i32
    %dma_start3A_227 = tpu.memref_slice %arg10[%dma_start3A_225, %dma_start3A_226] : memref<10112x16xf32, #tpu.memory_space<vmem_shared>> -> memref<10112x16xf32, #tpu.memory_space<vmem_shared>>
    tpu.enqueue_indirect_dma source(%dma_start3A_222 : memref<128x16xf32, #tpu.memory_space<vmem>>) target(%dma_start3A_227 : memref<10112x16xf32, #tpu.memory_space<vmem_shared>>) offsets(%dma_start3A_224 : memref<128xi32, #tpu.memory_space<vmem>>) semaphore(%arg24 : memref<!tpu.dma_semaphore, #tpu.memory_space<semaphore_mem>>) {add = true}
    %dma_wait3A_228 = arith.constant 1 : i32
    %dma_wait3A_229 = arith.constant 0 : i32
    %dma_wait3A_230 = arith.constant 0 : i32
    %dma_wait3A_231 = tpu.memref_slice %arg8[%dma_wait3A_228, %dma_wait3A_229, %dma_wait3A_230] : memref<8x128x16xf32, #tpu.memory_space<vmem>> -> memref<1x128x16xf32, #tpu.memory_space<vmem>>
    %dma_wait3A_232 = tpu.memref_squeeze %dma_wait3A_231 : memref<1x128x16xf32, #tpu.memory_space<vmem>> -> memref<128x16xf32, #tpu.memory_space<vmem>>
    %dma_wait3A_233 = arith.constant 128 : i32
    %dma_wait3A_234 = tpu.memref_slice %arg7[%dma_wait3A_233] : memref<10000xi32, #tpu.memory_space<vmem>> -> memref<128xi32, #tpu.memory_space<vmem>>
    %dma_wait3A_235 = arith.constant 0 : i32
    %dma_wait3A_236 = arith.constant 0 : i32
    %dma_wait3A_237 = tpu.memref_slice %arg10[%dma_wait3A_235, %dma_wait3A_236] : memref<10112x16xf32, #tpu.memory_space<vmem_shared>> -> memref<10112x16xf32, #tpu.memory_space<vmem_shared>>
    tpu.wait_indirect_dma semaphore(%arg20 : memref<!tpu.dma_semaphore, #tpu.memory_space<semaphore_mem>>) src(%dma_wait3A_232 : memref<128x16xf32, #tpu.memory_space<vmem>>) dst(%dma_wait3A_237 : memref<10112x16xf32, #tpu.memory_space<vmem_shared>>)
    %dma_start3A_238 = arith.constant 1 : i32
    %dma_start3A_239 = arith.constant 0 : i32
    %dma_start3A_240 = arith.constant 0 : i32
    %dma_start3A_241 = tpu.memref_slice %arg8[%dma_start3A_238, %dma_start3A_239, %dma_start3A_240] : memref<8x128x16xf32, #tpu.memory_space<vmem>> -> memref<1x128x16xf32, #tpu.memory_space<vmem>>
    %dma_start3A_242 = tpu.memref_squeeze %dma_start3A_241 : memref<1x128x16xf32, #tpu.memory_space<vmem>> -> memref<128x16xf32, #tpu.memory_space<vmem>>
    %dma_start3A_243 = arith.constant 1152 : i32
    %dma_start3A_244 = tpu.memref_slice %arg6[%dma_start3A_243] : memref<10000xi32, #tpu.memory_space<vmem>> -> memref<128xi32, #tpu.memory_space<vmem>>
    %dma_start3A_245 = arith.constant 0 : i32
    %dma_start3A_246 = arith.constant 0 : i32
    %dma_start3A_247 = tpu.memref_slice %arg2[%dma_start3A_245, %dma_start3A_246] : memref<10000x16xf32, #tpu.memory_space<hbm>> -> memref<10000x16xf32, #tpu.memory_space<hbm>>
    tpu.enqueue_indirect_dma source(%dma_start3A_247 : memref<10000x16xf32, #tpu.memory_space<hbm>>) target(%dma_start3A_242 : memref<128x16xf32, #tpu.memory_space<vmem>>) offsets(%dma_start3A_244 : memref<128xi32, #tpu.memory_space<vmem>>) semaphore(%arg12 : memref<!tpu.dma_semaphore, #tpu.memory_space<semaphore_mem>>)
    %dma_wait3A_248 = arith.constant 6 : i32
    %dma_wait3A_249 = arith.constant 0 : i32
    %dma_wait3A_250 = arith.constant 0 : i32
    %dma_wait3A_251 = tpu.memref_slice %arg8[%dma_wait3A_248, %dma_wait3A_249, %dma_wait3A_250] : memref<8x128x16xf32, #tpu.memory_space<vmem>> -> memref<1x128x16xf32, #tpu.memory_space<vmem>>
    %dma_wait3A_252 = tpu.memref_squeeze %dma_wait3A_251 : memref<1x128x16xf32, #tpu.memory_space<vmem>> -> memref<128x16xf32, #tpu.memory_space<vmem>>
    %dma_wait3A_253 = arith.constant 768 : i32
    %dma_wait3A_254 = tpu.memref_slice %arg6[%dma_wait3A_253] : memref<10000xi32, #tpu.memory_space<vmem>> -> memref<128xi32, #tpu.memory_space<vmem>>
    %dma_wait3A_255 = arith.constant 0 : i32
    %dma_wait3A_256 = arith.constant 0 : i32
    %dma_wait3A_257 = tpu.memref_slice %arg2[%dma_wait3A_255, %dma_wait3A_256] : memref<10000x16xf32, #tpu.memory_space<hbm>> -> memref<10000x16xf32, #tpu.memory_space<hbm>>
    tpu.wait_indirect_dma semaphore(%arg17 : memref<!tpu.dma_semaphore, #tpu.memory_space<semaphore_mem>>) src(%dma_wait3A_257 : memref<10000x16xf32, #tpu.memory_space<hbm>>) dst(%dma_wait3A_252 : memref<128x16xf32, #tpu.memory_space<vmem>>)
    %dma_start3A_258 = arith.constant 6 : i32
    %dma_start3A_259 = arith.constant 0 : i32
    %dma_start3A_260 = arith.constant 0 : i32
    %dma_start3A_261 = tpu.memref_slice %arg8[%dma_start3A_258, %dma_start3A_259, %dma_start3A_260] : memref<8x128x16xf32, #tpu.memory_space<vmem>> -> memref<1x128x16xf32, #tpu.memory_space<vmem>>
    %dma_start3A_262 = tpu.memref_squeeze %dma_start3A_261 : memref<1x128x16xf32, #tpu.memory_space<vmem>> -> memref<128x16xf32, #tpu.memory_space<vmem>>
    %dma_start3A_263 = arith.constant 768 : i32
    %dma_start3A_264 = tpu.memref_slice %arg7[%dma_start3A_263] : memref<10000xi32, #tpu.memory_space<vmem>> -> memref<128xi32, #tpu.memory_space<vmem>>
    %dma_start3A_265 = arith.constant 0 : i32
    %dma_start3A_266 = arith.constant 0 : i32
    %dma_start3A_267 = tpu.memref_slice %arg10[%dma_start3A_265, %dma_start3A_266] : memref<10112x16xf32, #tpu.memory_space<vmem_shared>> -> memref<10112x16xf32, #tpu.memory_space<vmem_shared>>
    tpu.enqueue_indirect_dma source(%dma_start3A_262 : memref<128x16xf32, #tpu.memory_space<vmem>>) target(%dma_start3A_267 : memref<10112x16xf32, #tpu.memory_space<vmem_shared>>) offsets(%dma_start3A_264 : memref<128xi32, #tpu.memory_space<vmem>>) semaphore(%arg25 : memref<!tpu.dma_semaphore, #tpu.memory_space<semaphore_mem>>) {add = true}
    %dma_wait3A_268 = arith.constant 2 : i32
    %dma_wait3A_269 = arith.constant 0 : i32
    %dma_wait3A_270 = arith.constant 0 : i32
    %dma_wait3A_271 = tpu.memref_slice %arg8[%dma_wait3A_268, %dma_wait3A_269, %dma_wait3A_270] : memref<8x128x16xf32, #tpu.memory_space<vmem>> -> memref<1x128x16xf32, #tpu.memory_space<vmem>>
    %dma_wait3A_272 = tpu.memref_squeeze %dma_wait3A_271 : memref<1x128x16xf32, #tpu.memory_space<vmem>> -> memref<128x16xf32, #tpu.memory_space<vmem>>
    %dma_wait3A_273 = arith.constant 256 : i32
    %dma_wait3A_274 = tpu.memref_slice %arg7[%dma_wait3A_273] : memref<10000xi32, #tpu.memory_space<vmem>> -> memref<128xi32, #tpu.memory_space<vmem>>
    %dma_wait3A_275 = arith.constant 0 : i32
    %dma_wait3A_276 = arith.constant 0 : i32
    %dma_wait3A_277 = tpu.memref_slice %arg10[%dma_wait3A_275, %dma_wait3A_276] : memref<10112x16xf32, #tpu.memory_space<vmem_shared>> -> memref<10112x16xf32, #tpu.memory_space<vmem_shared>>
    tpu.wait_indirect_dma semaphore(%arg21 : memref<!tpu.dma_semaphore, #tpu.memory_space<semaphore_mem>>) src(%dma_wait3A_272 : memref<128x16xf32, #tpu.memory_space<vmem>>) dst(%dma_wait3A_277 : memref<10112x16xf32, #tpu.memory_space<vmem_shared>>)
    %dma_start3A_278 = arith.constant 2 : i32
    %dma_start3A_279 = arith.constant 0 : i32
    %dma_start3A_280 = arith.constant 0 : i32
    %dma_start3A_281 = tpu.memref_slice %arg8[%dma_start3A_278, %dma_start3A_279, %dma_start3A_280] : memref<8x128x16xf32, #tpu.memory_space<vmem>> -> memref<1x128x16xf32, #tpu.memory_space<vmem>>
    %dma_start3A_282 = tpu.memref_squeeze %dma_start3A_281 : memref<1x128x16xf32, #tpu.memory_space<vmem>> -> memref<128x16xf32, #tpu.memory_space<vmem>>
    %dma_start3A_283 = arith.constant 1280 : i32
    %dma_start3A_284 = tpu.memref_slice %arg6[%dma_start3A_283] : memref<10000xi32, #tpu.memory_space<vmem>> -> memref<128xi32, #tpu.memory_space<vmem>>
    %dma_start3A_285 = arith.constant 0 : i32
    %dma_start3A_286 = arith.constant 0 : i32
    %dma_start3A_287 = tpu.memref_slice %arg2[%dma_start3A_285, %dma_start3A_286] : memref<10000x16xf32, #tpu.memory_space<hbm>> -> memref<10000x16xf32, #tpu.memory_space<hbm>>
    tpu.enqueue_indirect_dma source(%dma_start3A_287 : memref<10000x16xf32, #tpu.memory_space<hbm>>) target(%dma_start3A_282 : memref<128x16xf32, #tpu.memory_space<vmem>>) offsets(%dma_start3A_284 : memref<128xi32, #tpu.memory_space<vmem>>) semaphore(%arg13 : memref<!tpu.dma_semaphore, #tpu.memory_space<semaphore_mem>>)
    %dma_wait3A_288 = arith.constant 7 : i32
    %dma_wait3A_289 = arith.constant 0 : i32
    %dma_wait3A_290 = arith.constant 0 : i32
    %dma_wait3A_291 = tpu.memref_slice %arg8[%dma_wait3A_288, %dma_wait3A_289, %dma_wait3A_290] : memref<8x128x16xf32, #tpu.memory_space<vmem>> -> memref<1x128x16xf32, #tpu.memory_space<vmem>>
    %dma_wait3A_292 = tpu.memref_squeeze %dma_wait3A_291 : memref<1x128x16xf32, #tpu.memory_space<vmem>> -> memref<128x16xf32, #tpu.memory_space<vmem>>
    %dma_wait3A_293 = arith.constant 896 : i32
    %dma_wait3A_294 = tpu.memref_slice %arg6[%dma_wait3A_293] : memref<10000xi32, #tpu.memory_space<vmem>> -> memref<128xi32, #tpu.memory_space<vmem>>
    %dma_wait3A_295 = arith.constant 0 : i32
    %dma_wait3A_296 = arith.constant 0 : i32
    %dma_wait3A_297 = tpu.memref_slice %arg2[%dma_wait3A_295, %dma_wait3A_296] : memref<10000x16xf32, #tpu.memory_space<hbm>> -> memref<10000x16xf32, #tpu.memory_space<hbm>>
    tpu.wait_indirect_dma semaphore(%arg18 : memref<!tpu.dma_semaphore, #tpu.memory_space<semaphore_mem>>) src(%dma_wait3A_297 : memref<10000x16xf32, #tpu.memory_space<hbm>>) dst(%dma_wait3A_292 : memref<128x16xf32, #tpu.memory_space<vmem>>)
    %dma_start3A_298 = arith.constant 7 : i32
    %dma_start3A_299 = arith.constant 0 : i32
    %dma_start3A_300 = arith.constant 0 : i32
    %dma_start3A_301 = tpu.memref_slice %arg8[%dma_start3A_298, %dma_start3A_299, %dma_start3A_300] : memref<8x128x16xf32, #tpu.memory_space<vmem>> -> memref<1x128x16xf32, #tpu.memory_space<vmem>>
    %dma_start3A_302 = tpu.memref_squeeze %dma_start3A_301 : memref<1x128x16xf32, #tpu.memory_space<vmem>> -> memref<128x16xf32, #tpu.memory_space<vmem>>
    %dma_start3A_303 = arith.constant 896 : i32
    %dma_start3A_304 = tpu.memref_slice %arg7[%dma_start3A_303] : memref<10000xi32, #tpu.memory_space<vmem>> -> memref<128xi32, #tpu.memory_space<vmem>>
    %dma_start3A_305 = arith.constant 0 : i32
    %dma_start3A_306 = arith.constant 0 : i32
    %dma_start3A_307 = tpu.memref_slice %arg10[%dma_start3A_305, %dma_start3A_306] : memref<10112x16xf32, #tpu.memory_space<vmem_shared>> -> memref<10112x16xf32, #tpu.memory_space<vmem_shared>>
    tpu.enqueue_indirect_dma source(%dma_start3A_302 : memref<128x16xf32, #tpu.memory_space<vmem>>) target(%dma_start3A_307 : memref<10112x16xf32, #tpu.memory_space<vmem_shared>>) offsets(%dma_start3A_304 : memref<128xi32, #tpu.memory_space<vmem>>) semaphore(%arg26 : memref<!tpu.dma_semaphore, #tpu.memory_space<semaphore_mem>>) {add = true}
    %dma_wait3A_308 = arith.constant 3 : i32
    %dma_wait3A_309 = arith.constant 0 : i32
    %dma_wait3A_310 = arith.constant 0 : i32
    %dma_wait3A_311 = tpu.memref_slice %arg8[%dma_wait3A_308, %dma_wait3A_309, %dma_wait3A_310] : memref<8x128x16xf32, #tpu.memory_space<vmem>> -> memref<1x128x16xf32, #tpu.memory_space<vmem>>
    %dma_wait3A_312 = tpu.memref_squeeze %dma_wait3A_311 : memref<1x128x16xf32, #tpu.memory_space<vmem>> -> memref<128x16xf32, #tpu.memory_space<vmem>>
    %dma_wait3A_313 = arith.constant 384 : i32
    %dma_wait3A_314 = tpu.memref_slice %arg7[%dma_wait3A_313] : memref<10000xi32, #tpu.memory_space<vmem>> -> memref<128xi32, #tpu.memory_space<vmem>>
    %dma_wait3A_315 = arith.constant 0 : i32
    %dma_wait3A_316 = arith.constant 0 : i32
    %dma_wait3A_317 = tpu.memref_slice %arg10[%dma_wait3A_315, %dma_wait3A_316] : memref<10112x16xf32, #tpu.memory_space<vmem_shared>> -> memref<10112x16xf32, #tpu.memory_space<vmem_shared>>
    tpu.wait_indirect_dma semaphore(%arg22 : memref<!tpu.dma_semaphore, #tpu.memory_space<semaphore_mem>>) src(%dma_wait3A_312 : memref<128x16xf32, #tpu.memory_space<vmem>>) dst(%dma_wait3A_317 : memref<10112x16xf32, #tpu.memory_space<vmem_shared>>)
    %dma_start3A_318 = arith.constant 3 : i32
    %dma_start3A_319 = arith.constant 0 : i32
    %dma_start3A_320 = arith.constant 0 : i32
    %dma_start3A_321 = tpu.memref_slice %arg8[%dma_start3A_318, %dma_start3A_319, %dma_start3A_320] : memref<8x128x16xf32, #tpu.memory_space<vmem>> -> memref<1x128x16xf32, #tpu.memory_space<vmem>>
    %dma_start3A_322 = tpu.memref_squeeze %dma_start3A_321 : memref<1x128x16xf32, #tpu.memory_space<vmem>> -> memref<128x16xf32, #tpu.memory_space<vmem>>
    %dma_start3A_323 = arith.constant 1408 : i32
    %dma_start3A_324 = tpu.memref_slice %arg6[%dma_start3A_323] : memref<10000xi32, #tpu.memory_space<vmem>> -> memref<128xi32, #tpu.memory_space<vmem>>
    %dma_start3A_325 = arith.constant 0 : i32
    %dma_start3A_326 = arith.constant 0 : i32
    %dma_start3A_327 = tpu.memref_slice %arg2[%dma_start3A_325, %dma_start3A_326] : memref<10000x16xf32, #tpu.memory_space<hbm>> -> memref<10000x16xf32, #tpu.memory_space<hbm>>
    tpu.enqueue_indirect_dma source(%dma_start3A_327 : memref<10000x16xf32, #tpu.memory_space<hbm>>) target(%dma_start3A_322 : memref<128x16xf32, #tpu.memory_space<vmem>>) offsets(%dma_start3A_324 : memref<128xi32, #tpu.memory_space<vmem>>) semaphore(%arg14 : memref<!tpu.dma_semaphore, #tpu.memory_space<semaphore_mem>>)
    %scan3A = arith.constant 0 : i32
    %scan3A_328 = arith.constant 1 : i32
    %scan3A_329 = arith.constant 8 : i32
    %scan3A_330 = arith.addi %scan3A_328, %scan3A_329 : i32
    %scan3A_331 = arith.constant 1 : i32
    scf.for %scan3A_578 = %scan3A_328 to %scan3A_330 step %scan3A_331  : i32 {
      %mul3A_579 = arith.constant 8 : i32
      %mul3A_580 = arith.muli %scan3A_578, %mul3A_579 : i32
      %add3A_581 = arith.constant 0 : i32
      %add3A_582 = arith.addi %mul3A_580, %add3A_581 : i32
      %mul3A_583 = arith.constant 128 : i32
      %mul3A_584 = arith.muli %add3A_582, %mul3A_583 : i32
      %dma_wait3A_585 = arith.constant 0 : i32
      %dma_wait3A_586 = arith.constant 0 : i32
      %dma_wait3A_587 = arith.constant 0 : i32
      %dma_wait3A_588 = tpu.memref_slice %arg8[%dma_wait3A_585, %dma_wait3A_586, %dma_wait3A_587] : memref<8x128x16xf32, #tpu.memory_space<vmem>> -> memref<1x128x16xf32, #tpu.memory_space<vmem>>
      %dma_wait3A_589 = tpu.memref_squeeze %dma_wait3A_588 : memref<1x128x16xf32, #tpu.memory_space<vmem>> -> memref<128x16xf32, #tpu.memory_space<vmem>>
      %dma_wait3A_590 = tpu.memref_slice %arg6[%mul3A_584] : memref<10000xi32, #tpu.memory_space<vmem>> -> memref<128xi32, #tpu.memory_space<vmem>>
      %dma_wait3A_591 = arith.constant 0 : i32
      %dma_wait3A_592 = arith.constant 0 : i32
      %dma_wait3A_593 = tpu.memref_slice %arg2[%dma_wait3A_591, %dma_wait3A_592] : memref<10000x16xf32, #tpu.memory_space<hbm>> -> memref<10000x16xf32, #tpu.memory_space<hbm>>
      tpu.wait_indirect_dma semaphore(%arg11 : memref<!tpu.dma_semaphore, #tpu.memory_space<semaphore_mem>>) src(%dma_wait3A_593 : memref<10000x16xf32, #tpu.memory_space<hbm>>) dst(%dma_wait3A_589 : memref<128x16xf32, #tpu.memory_space<vmem>>)
      %mul3A_594 = arith.constant 128 : i32
      %mul3A_595 = arith.muli %add3A_582, %mul3A_594 : i32
      %dma_start3A_596 = arith.constant 0 : i32
      %dma_start3A_597 = arith.constant 0 : i32
      %dma_start3A_598 = arith.constant 0 : i32
      %dma_start3A_599 = tpu.memref_slice %arg8[%dma_start3A_596, %dma_start3A_597, %dma_start3A_598] : memref<8x128x16xf32, #tpu.memory_space<vmem>> -> memref<1x128x16xf32, #tpu.memory_space<vmem>>
      %dma_start3A_600 = tpu.memref_squeeze %dma_start3A_599 : memref<1x128x16xf32, #tpu.memory_space<vmem>> -> memref<128x16xf32, #tpu.memory_space<vmem>>
      %dma_start3A_601 = tpu.memref_slice %arg7[%mul3A_595] : memref<10000xi32, #tpu.memory_space<vmem>> -> memref<128xi32, #tpu.memory_space<vmem>>
      %dma_start3A_602 = arith.constant 0 : i32
      %dma_start3A_603 = arith.constant 0 : i32
      %dma_start3A_604 = tpu.memref_slice %arg10[%dma_start3A_602, %dma_start3A_603] : memref<10112x16xf32, #tpu.memory_space<vmem_shared>> -> memref<10112x16xf32, #tpu.memory_space<vmem_shared>>
      tpu.enqueue_indirect_dma source(%dma_start3A_600 : memref<128x16xf32, #tpu.memory_space<vmem>>) target(%dma_start3A_604 : memref<10112x16xf32, #tpu.memory_space<vmem_shared>>) offsets(%dma_start3A_601 : memref<128xi32, #tpu.memory_space<vmem>>) semaphore(%arg19 : memref<!tpu.dma_semaphore, #tpu.memory_space<semaphore_mem>>) {add = true}
      %sub3A = arith.constant 4 : i32
      %sub3A_605 = arith.subi %add3A_582, %sub3A : i32
      %mul3A_606 = arith.constant 128 : i32
      %mul3A_607 = arith.muli %sub3A_605, %mul3A_606 : i32
      %dma_wait3A_608 = arith.constant 4 : i32
      %dma_wait3A_609 = arith.constant 0 : i32
      %dma_wait3A_610 = arith.constant 0 : i32
      %dma_wait3A_611 = tpu.memref_slice %arg8[%dma_wait3A_608, %dma_wait3A_609, %dma_wait3A_610] : memref<8x128x16xf32, #tpu.memory_space<vmem>> -> memref<1x128x16xf32, #tpu.memory_space<vmem>>
      %dma_wait3A_612 = tpu.memref_squeeze %dma_wait3A_611 : memref<1x128x16xf32, #tpu.memory_space<vmem>> -> memref<128x16xf32, #tpu.memory_space<vmem>>
      %dma_wait3A_613 = tpu.memref_slice %arg7[%mul3A_607] : memref<10000xi32, #tpu.memory_space<vmem>> -> memref<128xi32, #tpu.memory_space<vmem>>
      %dma_wait3A_614 = arith.constant 0 : i32
      %dma_wait3A_615 = arith.constant 0 : i32
      %dma_wait3A_616 = tpu.memref_slice %arg10[%dma_wait3A_614, %dma_wait3A_615] : memref<10112x16xf32, #tpu.memory_space<vmem_shared>> -> memref<10112x16xf32, #tpu.memory_space<vmem_shared>>
      tpu.wait_indirect_dma semaphore(%arg23 : memref<!tpu.dma_semaphore, #tpu.memory_space<semaphore_mem>>) src(%dma_wait3A_612 : memref<128x16xf32, #tpu.memory_space<vmem>>) dst(%dma_wait3A_616 : memref<10112x16xf32, #tpu.memory_space<vmem_shared>>)
      %add3A_617 = arith.constant 4 : i32
      %add3A_618 = arith.addi %add3A_582, %add3A_617 : i32
      %mul3A_619 = arith.constant 128 : i32
      %mul3A_620 = arith.muli %add3A_618, %mul3A_619 : i32
      %dma_start3A_621 = arith.constant 4 : i32
      %dma_start3A_622 = arith.constant 0 : i32
      %dma_start3A_623 = arith.constant 0 : i32
      %dma_start3A_624 = tpu.memref_slice %arg8[%dma_start3A_621, %dma_start3A_622, %dma_start3A_623] : memref<8x128x16xf32, #tpu.memory_space<vmem>> -> memref<1x128x16xf32, #tpu.memory_space<vmem>>
      %dma_start3A_625 = tpu.memref_squeeze %dma_start3A_624 : memref<1x128x16xf32, #tpu.memory_space<vmem>> -> memref<128x16xf32, #tpu.memory_space<vmem>>
      %dma_start3A_626 = tpu.memref_slice %arg6[%mul3A_620] : memref<10000xi32, #tpu.memory_space<vmem>> -> memref<128xi32, #tpu.memory_space<vmem>>
      %dma_start3A_627 = arith.constant 0 : i32
      %dma_start3A_628 = arith.constant 0 : i32
      %dma_start3A_629 = tpu.memref_slice %arg2[%dma_start3A_627, %dma_start3A_628] : memref<10000x16xf32, #tpu.memory_space<hbm>> -> memref<10000x16xf32, #tpu.memory_space<hbm>>
      tpu.enqueue_indirect_dma source(%dma_start3A_629 : memref<10000x16xf32, #tpu.memory_space<hbm>>) target(%dma_start3A_625 : memref<128x16xf32, #tpu.memory_space<vmem>>) offsets(%dma_start3A_626 : memref<128xi32, #tpu.memory_space<vmem>>) semaphore(%arg15 : memref<!tpu.dma_semaphore, #tpu.memory_space<semaphore_mem>>)
      %mul3A_630 = arith.constant 8 : i32
      %mul3A_631 = arith.muli %scan3A_578, %mul3A_630 : i32
      %add3A_632 = arith.constant 1 : i32
      %add3A_633 = arith.addi %mul3A_631, %add3A_632 : i32
      %mul3A_634 = arith.constant 128 : i32
      %mul3A_635 = arith.muli %add3A_633, %mul3A_634 : i32
      %dma_wait3A_636 = arith.constant 1 : i32
      %dma_wait3A_637 = arith.constant 0 : i32
      %dma_wait3A_638 = arith.constant 0 : i32
      %dma_wait3A_639 = tpu.memref_slice %arg8[%dma_wait3A_636, %dma_wait3A_637, %dma_wait3A_638] : memref<8x128x16xf32, #tpu.memory_space<vmem>> -> memref<1x128x16xf32, #tpu.memory_space<vmem>>
      %dma_wait3A_640 = tpu.memref_squeeze %dma_wait3A_639 : memref<1x128x16xf32, #tpu.memory_space<vmem>> -> memref<128x16xf32, #tpu.memory_space<vmem>>
      %dma_wait3A_641 = tpu.memref_slice %arg6[%mul3A_635] : memref<10000xi32, #tpu.memory_space<vmem>> -> memref<128xi32, #tpu.memory_space<vmem>>
      %dma_wait3A_642 = arith.constant 0 : i32
      %dma_wait3A_643 = arith.constant 0 : i32
      %dma_wait3A_644 = tpu.memref_slice %arg2[%dma_wait3A_642, %dma_wait3A_643] : memref<10000x16xf32, #tpu.memory_space<hbm>> -> memref<10000x16xf32, #tpu.memory_space<hbm>>
      tpu.wait_indirect_dma semaphore(%arg12 : memref<!tpu.dma_semaphore, #tpu.memory_space<semaphore_mem>>) src(%dma_wait3A_644 : memref<10000x16xf32, #tpu.memory_space<hbm>>) dst(%dma_wait3A_640 : memref<128x16xf32, #tpu.memory_space<vmem>>)
      %mul3A_645 = arith.constant 128 : i32
      %mul3A_646 = arith.muli %add3A_633, %mul3A_645 : i32
      %dma_start3A_647 = arith.constant 1 : i32
      %dma_start3A_648 = arith.constant 0 : i32
      %dma_start3A_649 = arith.constant 0 : i32
      %dma_start3A_650 = tpu.memref_slice %arg8[%dma_start3A_647, %dma_start3A_648, %dma_start3A_649] : memref<8x128x16xf32, #tpu.memory_space<vmem>> -> memref<1x128x16xf32, #tpu.memory_space<vmem>>
      %dma_start3A_651 = tpu.memref_squeeze %dma_start3A_650 : memref<1x128x16xf32, #tpu.memory_space<vmem>> -> memref<128x16xf32, #tpu.memory_space<vmem>>
      %dma_start3A_652 = tpu.memref_slice %arg7[%mul3A_646] : memref<10000xi32, #tpu.memory_space<vmem>> -> memref<128xi32, #tpu.memory_space<vmem>>
      %dma_start3A_653 = arith.constant 0 : i32
      %dma_start3A_654 = arith.constant 0 : i32
      %dma_start3A_655 = tpu.memref_slice %arg10[%dma_start3A_653, %dma_start3A_654] : memref<10112x16xf32, #tpu.memory_space<vmem_shared>> -> memref<10112x16xf32, #tpu.memory_space<vmem_shared>>
      tpu.enqueue_indirect_dma source(%dma_start3A_651 : memref<128x16xf32, #tpu.memory_space<vmem>>) target(%dma_start3A_655 : memref<10112x16xf32, #tpu.memory_space<vmem_shared>>) offsets(%dma_start3A_652 : memref<128xi32, #tpu.memory_space<vmem>>) semaphore(%arg20 : memref<!tpu.dma_semaphore, #tpu.memory_space<semaphore_mem>>) {add = true}
      %sub3A_656 = arith.constant 4 : i32
      %sub3A_657 = arith.subi %add3A_633, %sub3A_656 : i32
      %mul3A_658 = arith.constant 128 : i32
      %mul3A_659 = arith.muli %sub3A_657, %mul3A_658 : i32
      %dma_wait3A_660 = arith.constant 5 : i32
      %dma_wait3A_661 = arith.constant 0 : i32
      %dma_wait3A_662 = arith.constant 0 : i32
      %dma_wait3A_663 = tpu.memref_slice %arg8[%dma_wait3A_660, %dma_wait3A_661, %dma_wait3A_662] : memref<8x128x16xf32, #tpu.memory_space<vmem>> -> memref<1x128x16xf32, #tpu.memory_space<vmem>>
      %dma_wait3A_664 = tpu.memref_squeeze %dma_wait3A_663 : memref<1x128x16xf32, #tpu.memory_space<vmem>> -> memref<128x16xf32, #tpu.memory_space<vmem>>
      %dma_wait3A_665 = tpu.memref_slice %arg7[%mul3A_659] : memref<10000xi32, #tpu.memory_space<vmem>> -> memref<128xi32, #tpu.memory_space<vmem>>
      %dma_wait3A_666 = arith.constant 0 : i32
      %dma_wait3A_667 = arith.constant 0 : i32
      %dma_wait3A_668 = tpu.memref_slice %arg10[%dma_wait3A_666, %dma_wait3A_667] : memref<10112x16xf32, #tpu.memory_space<vmem_shared>> -> memref<10112x16xf32, #tpu.memory_space<vmem_shared>>
      tpu.wait_indirect_dma semaphore(%arg24 : memref<!tpu.dma_semaphore, #tpu.memory_space<semaphore_mem>>) src(%dma_wait3A_664 : memref<128x16xf32, #tpu.memory_space<vmem>>) dst(%dma_wait3A_668 : memref<10112x16xf32, #tpu.memory_space<vmem_shared>>)
      %add3A_669 = arith.constant 4 : i32
      %add3A_670 = arith.addi %add3A_633, %add3A_669 : i32
      %mul3A_671 = arith.constant 128 : i32
      %mul3A_672 = arith.muli %add3A_670, %mul3A_671 : i32
      %dma_start3A_673 = arith.constant 5 : i32
      %dma_start3A_674 = arith.constant 0 : i32
      %dma_start3A_675 = arith.constant 0 : i32
      %dma_start3A_676 = tpu.memref_slice %arg8[%dma_start3A_673, %dma_start3A_674, %dma_start3A_675] : memref<8x128x16xf32, #tpu.memory_space<vmem>> -> memref<1x128x16xf32, #tpu.memory_space<vmem>>
      %dma_start3A_677 = tpu.memref_squeeze %dma_start3A_676 : memref<1x128x16xf32, #tpu.memory_space<vmem>> -> memref<128x16xf32, #tpu.memory_space<vmem>>
      %dma_start3A_678 = tpu.memref_slice %arg6[%mul3A_672] : memref<10000xi32, #tpu.memory_space<vmem>> -> memref<128xi32, #tpu.memory_space<vmem>>
      %dma_start3A_679 = arith.constant 0 : i32
      %dma_start3A_680 = arith.constant 0 : i32
      %dma_start3A_681 = tpu.memref_slice %arg2[%dma_start3A_679, %dma_start3A_680] : memref<10000x16xf32, #tpu.memory_space<hbm>> -> memref<10000x16xf32, #tpu.memory_space<hbm>>
      tpu.enqueue_indirect_dma source(%dma_start3A_681 : memref<10000x16xf32, #tpu.memory_space<hbm>>) target(%dma_start3A_677 : memref<128x16xf32, #tpu.memory_space<vmem>>) offsets(%dma_start3A_678 : memref<128xi32, #tpu.memory_space<vmem>>) semaphore(%arg16 : memref<!tpu.dma_semaphore, #tpu.memory_space<semaphore_mem>>)
      %mul3A_682 = arith.constant 8 : i32
      %mul3A_683 = arith.muli %scan3A_578, %mul3A_682 : i32
      %add3A_684 = arith.constant 2 : i32
      %add3A_685 = arith.addi %mul3A_683, %add3A_684 : i32
      %mul3A_686 = arith.constant 128 : i32
      %mul3A_687 = arith.muli %add3A_685, %mul3A_686 : i32
      %dma_wait3A_688 = arith.constant 2 : i32
      %dma_wait3A_689 = arith.constant 0 : i32
      %dma_wait3A_690 = arith.constant 0 : i32
      %dma_wait3A_691 = tpu.memref_slice %arg8[%dma_wait3A_688, %dma_wait3A_689, %dma_wait3A_690] : memref<8x128x16xf32, #tpu.memory_space<vmem>> -> memref<1x128x16xf32, #tpu.memory_space<vmem>>
      %dma_wait3A_692 = tpu.memref_squeeze %dma_wait3A_691 : memref<1x128x16xf32, #tpu.memory_space<vmem>> -> memref<128x16xf32, #tpu.memory_space<vmem>>
      %dma_wait3A_693 = tpu.memref_slice %arg6[%mul3A_687] : memref<10000xi32, #tpu.memory_space<vmem>> -> memref<128xi32, #tpu.memory_space<vmem>>
      %dma_wait3A_694 = arith.constant 0 : i32
      %dma_wait3A_695 = arith.constant 0 : i32
      %dma_wait3A_696 = tpu.memref_slice %arg2[%dma_wait3A_694, %dma_wait3A_695] : memref<10000x16xf32, #tpu.memory_space<hbm>> -> memref<10000x16xf32, #tpu.memory_space<hbm>>
      tpu.wait_indirect_dma semaphore(%arg13 : memref<!tpu.dma_semaphore, #tpu.memory_space<semaphore_mem>>) src(%dma_wait3A_696 : memref<10000x16xf32, #tpu.memory_space<hbm>>) dst(%dma_wait3A_692 : memref<128x16xf32, #tpu.memory_space<vmem>>)
      %mul3A_697 = arith.constant 128 : i32
      %mul3A_698 = arith.muli %add3A_685, %mul3A_697 : i32
      %dma_start3A_699 = arith.constant 2 : i32
      %dma_start3A_700 = arith.constant 0 : i32
      %dma_start3A_701 = arith.constant 0 : i32
      %dma_start3A_702 = tpu.memref_slice %arg8[%dma_start3A_699, %dma_start3A_700, %dma_start3A_701] : memref<8x128x16xf32, #tpu.memory_space<vmem>> -> memref<1x128x16xf32, #tpu.memory_space<vmem>>
      %dma_start3A_703 = tpu.memref_squeeze %dma_start3A_702 : memref<1x128x16xf32, #tpu.memory_space<vmem>> -> memref<128x16xf32, #tpu.memory_space<vmem>>
      %dma_start3A_704 = tpu.memref_slice %arg7[%mul3A_698] : memref<10000xi32, #tpu.memory_space<vmem>> -> memref<128xi32, #tpu.memory_space<vmem>>
      %dma_start3A_705 = arith.constant 0 : i32
      %dma_start3A_706 = arith.constant 0 : i32
      %dma_start3A_707 = tpu.memref_slice %arg10[%dma_start3A_705, %dma_start3A_706] : memref<10112x16xf32, #tpu.memory_space<vmem_shared>> -> memref<10112x16xf32, #tpu.memory_space<vmem_shared>>
      tpu.enqueue_indirect_dma source(%dma_start3A_703 : memref<128x16xf32, #tpu.memory_space<vmem>>) target(%dma_start3A_707 : memref<10112x16xf32, #tpu.memory_space<vmem_shared>>) offsets(%dma_start3A_704 : memref<128xi32, #tpu.memory_space<vmem>>) semaphore(%arg21 : memref<!tpu.dma_semaphore, #tpu.memory_space<semaphore_mem>>) {add = true}
      %sub3A_708 = arith.constant 4 : i32
      %sub3A_709 = arith.subi %add3A_685, %sub3A_708 : i32
      %mul3A_710 = arith.constant 128 : i32
      %mul3A_711 = arith.muli %sub3A_709, %mul3A_710 : i32
      %dma_wait3A_712 = arith.constant 6 : i32
      %dma_wait3A_713 = arith.constant 0 : i32
      %dma_wait3A_714 = arith.constant 0 : i32
      %dma_wait3A_715 = tpu.memref_slice %arg8[%dma_wait3A_712, %dma_wait3A_713, %dma_wait3A_714] : memref<8x128x16xf32, #tpu.memory_space<vmem>> -> memref<1x128x16xf32, #tpu.memory_space<vmem>>
      %dma_wait3A_716 = tpu.memref_squeeze %dma_wait3A_715 : memref<1x128x16xf32, #tpu.memory_space<vmem>> -> memref<128x16xf32, #tpu.memory_space<vmem>>
      %dma_wait3A_717 = tpu.memref_slice %arg7[%mul3A_711] : memref<10000xi32, #tpu.memory_space<vmem>> -> memref<128xi32, #tpu.memory_space<vmem>>
      %dma_wait3A_718 = arith.constant 0 : i32
      %dma_wait3A_719 = arith.constant 0 : i32
      %dma_wait3A_720 = tpu.memref_slice %arg10[%dma_wait3A_718, %dma_wait3A_719] : memref<10112x16xf32, #tpu.memory_space<vmem_shared>> -> memref<10112x16xf32, #tpu.memory_space<vmem_shared>>
      tpu.wait_indirect_dma semaphore(%arg25 : memref<!tpu.dma_semaphore, #tpu.memory_space<semaphore_mem>>) src(%dma_wait3A_716 : memref<128x16xf32, #tpu.memory_space<vmem>>) dst(%dma_wait3A_720 : memref<10112x16xf32, #tpu.memory_space<vmem_shared>>)
      %add3A_721 = arith.constant 4 : i32
      %add3A_722 = arith.addi %add3A_685, %add3A_721 : i32
      %mul3A_723 = arith.constant 128 : i32
      %mul3A_724 = arith.muli %add3A_722, %mul3A_723 : i32
      %dma_start3A_725 = arith.constant 6 : i32
      %dma_start3A_726 = arith.constant 0 : i32
      %dma_start3A_727 = arith.constant 0 : i32
      %dma_start3A_728 = tpu.memref_slice %arg8[%dma_start3A_725, %dma_start3A_726, %dma_start3A_727] : memref<8x128x16xf32, #tpu.memory_space<vmem>> -> memref<1x128x16xf32, #tpu.memory_space<vmem>>
      %dma_start3A_729 = tpu.memref_squeeze %dma_start3A_728 : memref<1x128x16xf32, #tpu.memory_space<vmem>> -> memref<128x16xf32, #tpu.memory_space<vmem>>
      %dma_start3A_730 = tpu.memref_slice %arg6[%mul3A_724] : memref<10000xi32, #tpu.memory_space<vmem>> -> memref<128xi32, #tpu.memory_space<vmem>>
      %dma_start3A_731 = arith.constant 0 : i32
      %dma_start3A_732 = arith.constant 0 : i32
      %dma_start3A_733 = tpu.memref_slice %arg2[%dma_start3A_731, %dma_start3A_732] : memref<10000x16xf32, #tpu.memory_space<hbm>> -> memref<10000x16xf32, #tpu.memory_space<hbm>>
      tpu.enqueue_indirect_dma source(%dma_start3A_733 : memref<10000x16xf32, #tpu.memory_space<hbm>>) target(%dma_start3A_729 : memref<128x16xf32, #tpu.memory_space<vmem>>) offsets(%dma_start3A_730 : memref<128xi32, #tpu.memory_space<vmem>>) semaphore(%arg17 : memref<!tpu.dma_semaphore, #tpu.memory_space<semaphore_mem>>)
      %mul3A_734 = arith.constant 8 : i32
      %mul3A_735 = arith.muli %scan3A_578, %mul3A_734 : i32
      %add3A_736 = arith.constant 3 : i32
      %add3A_737 = arith.addi %mul3A_735, %add3A_736 : i32
      %mul3A_738 = arith.constant 128 : i32
      %mul3A_739 = arith.muli %add3A_737, %mul3A_738 : i32
      %dma_wait3A_740 = arith.constant 3 : i32
      %dma_wait3A_741 = arith.constant 0 : i32
      %dma_wait3A_742 = arith.constant 0 : i32
      %dma_wait3A_743 = tpu.memref_slice %arg8[%dma_wait3A_740, %dma_wait3A_741, %dma_wait3A_742] : memref<8x128x16xf32, #tpu.memory_space<vmem>> -> memref<1x128x16xf32, #tpu.memory_space<vmem>>
      %dma_wait3A_744 = tpu.memref_squeeze %dma_wait3A_743 : memref<1x128x16xf32, #tpu.memory_space<vmem>> -> memref<128x16xf32, #tpu.memory_space<vmem>>
      %dma_wait3A_745 = tpu.memref_slice %arg6[%mul3A_739] : memref<10000xi32, #tpu.memory_space<vmem>> -> memref<128xi32, #tpu.memory_space<vmem>>
      %dma_wait3A_746 = arith.constant 0 : i32
      %dma_wait3A_747 = arith.constant 0 : i32
      %dma_wait3A_748 = tpu.memref_slice %arg2[%dma_wait3A_746, %dma_wait3A_747] : memref<10000x16xf32, #tpu.memory_space<hbm>> -> memref<10000x16xf32, #tpu.memory_space<hbm>>
      tpu.wait_indirect_dma semaphore(%arg14 : memref<!tpu.dma_semaphore, #tpu.memory_space<semaphore_mem>>) src(%dma_wait3A_748 : memref<10000x16xf32, #tpu.memory_space<hbm>>) dst(%dma_wait3A_744 : memref<128x16xf32, #tpu.memory_space<vmem>>)
      %mul3A_749 = arith.constant 128 : i32
      %mul3A_750 = arith.muli %add3A_737, %mul3A_749 : i32
      %dma_start3A_751 = arith.constant 3 : i32
      %dma_start3A_752 = arith.constant 0 : i32
      %dma_start3A_753 = arith.constant 0 : i32
      %dma_start3A_754 = tpu.memref_slice %arg8[%dma_start3A_751, %dma_start3A_752, %dma_start3A_753] : memref<8x128x16xf32, #tpu.memory_space<vmem>> -> memref<1x128x16xf32, #tpu.memory_space<vmem>>
      %dma_start3A_755 = tpu.memref_squeeze %dma_start3A_754 : memref<1x128x16xf32, #tpu.memory_space<vmem>> -> memref<128x16xf32, #tpu.memory_space<vmem>>
      %dma_start3A_756 = tpu.memref_slice %arg7[%mul3A_750] : memref<10000xi32, #tpu.memory_space<vmem>> -> memref<128xi32, #tpu.memory_space<vmem>>
      %dma_start3A_757 = arith.constant 0 : i32
      %dma_start3A_758 = arith.constant 0 : i32
      %dma_start3A_759 = tpu.memref_slice %arg10[%dma_start3A_757, %dma_start3A_758] : memref<10112x16xf32, #tpu.memory_space<vmem_shared>> -> memref<10112x16xf32, #tpu.memory_space<vmem_shared>>
      tpu.enqueue_indirect_dma source(%dma_start3A_755 : memref<128x16xf32, #tpu.memory_space<vmem>>) target(%dma_start3A_759 : memref<10112x16xf32, #tpu.memory_space<vmem_shared>>) offsets(%dma_start3A_756 : memref<128xi32, #tpu.memory_space<vmem>>) semaphore(%arg22 : memref<!tpu.dma_semaphore, #tpu.memory_space<semaphore_mem>>) {add = true}
      %sub3A_760 = arith.constant 4 : i32
      %sub3A_761 = arith.subi %add3A_737, %sub3A_760 : i32
      %mul3A_762 = arith.constant 128 : i32
      %mul3A_763 = arith.muli %sub3A_761, %mul3A_762 : i32
      %dma_wait3A_764 = arith.constant 7 : i32
      %dma_wait3A_765 = arith.constant 0 : i32
      %dma_wait3A_766 = arith.constant 0 : i32
      %dma_wait3A_767 = tpu.memref_slice %arg8[%dma_wait3A_764, %dma_wait3A_765, %dma_wait3A_766] : memref<8x128x16xf32, #tpu.memory_space<vmem>> -> memref<1x128x16xf32, #tpu.memory_space<vmem>>
      %dma_wait3A_768 = tpu.memref_squeeze %dma_wait3A_767 : memref<1x128x16xf32, #tpu.memory_space<vmem>> -> memref<128x16xf32, #tpu.memory_space<vmem>>
      %dma_wait3A_769 = tpu.memref_slice %arg7[%mul3A_763] : memref<10000xi32, #tpu.memory_space<vmem>> -> memref<128xi32, #tpu.memory_space<vmem>>
      %dma_wait3A_770 = arith.constant 0 : i32
      %dma_wait3A_771 = arith.constant 0 : i32
      %dma_wait3A_772 = tpu.memref_slice %arg10[%dma_wait3A_770, %dma_wait3A_771] : memref<10112x16xf32, #tpu.memory_space<vmem_shared>> -> memref<10112x16xf32, #tpu.memory_space<vmem_shared>>
      tpu.wait_indirect_dma semaphore(%arg26 : memref<!tpu.dma_semaphore, #tpu.memory_space<semaphore_mem>>) src(%dma_wait3A_768 : memref<128x16xf32, #tpu.memory_space<vmem>>) dst(%dma_wait3A_772 : memref<10112x16xf32, #tpu.memory_space<vmem_shared>>)
      %add3A_773 = arith.constant 4 : i32
      %add3A_774 = arith.addi %add3A_737, %add3A_773 : i32
      %mul3A_775 = arith.constant 128 : i32
      %mul3A_776 = arith.muli %add3A_774, %mul3A_775 : i32
      %dma_start3A_777 = arith.constant 7 : i32
      %dma_start3A_778 = arith.constant 0 : i32
      %dma_start3A_779 = arith.constant 0 : i32
      %dma_start3A_780 = tpu.memref_slice %arg8[%dma_start3A_777, %dma_start3A_778, %dma_start3A_779] : memref<8x128x16xf32, #tpu.memory_space<vmem>> -> memref<1x128x16xf32, #tpu.memory_space<vmem>>
      %dma_start3A_781 = tpu.memref_squeeze %dma_start3A_780 : memref<1x128x16xf32, #tpu.memory_space<vmem>> -> memref<128x16xf32, #tpu.memory_space<vmem>>
      %dma_start3A_782 = tpu.memref_slice %arg6[%mul3A_776] : memref<10000xi32, #tpu.memory_space<vmem>> -> memref<128xi32, #tpu.memory_space<vmem>>
      %dma_start3A_783 = arith.constant 0 : i32
      %dma_start3A_784 = arith.constant 0 : i32
      %dma_start3A_785 = tpu.memref_slice %arg2[%dma_start3A_783, %dma_start3A_784] : memref<10000x16xf32, #tpu.memory_space<hbm>> -> memref<10000x16xf32, #tpu.memory_space<hbm>>
      tpu.enqueue_indirect_dma source(%dma_start3A_785 : memref<10000x16xf32, #tpu.memory_space<hbm>>) target(%dma_start3A_781 : memref<128x16xf32, #tpu.memory_space<vmem>>) offsets(%dma_start3A_782 : memref<128xi32, #tpu.memory_space<vmem>>) semaphore(%arg18 : memref<!tpu.dma_semaphore, #tpu.memory_space<semaphore_mem>>)
      %mul3A_786 = arith.constant 8 : i32
      %mul3A_787 = arith.muli %scan3A_578, %mul3A_786 : i32
      %add3A_788 = arith.constant 4 : i32
      %add3A_789 = arith.addi %mul3A_787, %add3A_788 : i32
      %mul3A_790 = arith.constant 128 : i32
      %mul3A_791 = arith.muli %add3A_789, %mul3A_790 : i32
      %dma_wait3A_792 = arith.constant 4 : i32
      %dma_wait3A_793 = arith.constant 0 : i32
      %dma_wait3A_794 = arith.constant 0 : i32
      %dma_wait3A_795 = tpu.memref_slice %arg8[%dma_wait3A_792, %dma_wait3A_793, %dma_wait3A_794] : memref<8x128x16xf32, #tpu.memory_space<vmem>> -> memref<1x128x16xf32, #tpu.memory_space<vmem>>
      %dma_wait3A_796 = tpu.memref_squeeze %dma_wait3A_795 : memref<1x128x16xf32, #tpu.memory_space<vmem>> -> memref<128x16xf32, #tpu.memory_space<vmem>>
      %dma_wait3A_797 = tpu.memref_slice %arg6[%mul3A_791] : memref<10000xi32, #tpu.memory_space<vmem>> -> memref<128xi32, #tpu.memory_space<vmem>>
      %dma_wait3A_798 = arith.constant 0 : i32
      %dma_wait3A_799 = arith.constant 0 : i32
      %dma_wait3A_800 = tpu.memref_slice %arg2[%dma_wait3A_798, %dma_wait3A_799] : memref<10000x16xf32, #tpu.memory_space<hbm>> -> memref<10000x16xf32, #tpu.memory_space<hbm>>
      tpu.wait_indirect_dma semaphore(%arg15 : memref<!tpu.dma_semaphore, #tpu.memory_space<semaphore_mem>>) src(%dma_wait3A_800 : memref<10000x16xf32, #tpu.memory_space<hbm>>) dst(%dma_wait3A_796 : memref<128x16xf32, #tpu.memory_space<vmem>>)
      %mul3A_801 = arith.constant 128 : i32
      %mul3A_802 = arith.muli %add3A_789, %mul3A_801 : i32
      %dma_start3A_803 = arith.constant 4 : i32
      %dma_start3A_804 = arith.constant 0 : i32
      %dma_start3A_805 = arith.constant 0 : i32
      %dma_start3A_806 = tpu.memref_slice %arg8[%dma_start3A_803, %dma_start3A_804, %dma_start3A_805] : memref<8x128x16xf32, #tpu.memory_space<vmem>> -> memref<1x128x16xf32, #tpu.memory_space<vmem>>
      %dma_start3A_807 = tpu.memref_squeeze %dma_start3A_806 : memref<1x128x16xf32, #tpu.memory_space<vmem>> -> memref<128x16xf32, #tpu.memory_space<vmem>>
      %dma_start3A_808 = tpu.memref_slice %arg7[%mul3A_802] : memref<10000xi32, #tpu.memory_space<vmem>> -> memref<128xi32, #tpu.memory_space<vmem>>
      %dma_start3A_809 = arith.constant 0 : i32
      %dma_start3A_810 = arith.constant 0 : i32
      %dma_start3A_811 = tpu.memref_slice %arg10[%dma_start3A_809, %dma_start3A_810] : memref<10112x16xf32, #tpu.memory_space<vmem_shared>> -> memref<10112x16xf32, #tpu.memory_space<vmem_shared>>
      tpu.enqueue_indirect_dma source(%dma_start3A_807 : memref<128x16xf32, #tpu.memory_space<vmem>>) target(%dma_start3A_811 : memref<10112x16xf32, #tpu.memory_space<vmem_shared>>) offsets(%dma_start3A_808 : memref<128xi32, #tpu.memory_space<vmem>>) semaphore(%arg23 : memref<!tpu.dma_semaphore, #tpu.memory_space<semaphore_mem>>) {add = true}
      %sub3A_812 = arith.constant 4 : i32
      %sub3A_813 = arith.subi %add3A_789, %sub3A_812 : i32
      %mul3A_814 = arith.constant 128 : i32
      %mul3A_815 = arith.muli %sub3A_813, %mul3A_814 : i32
      %dma_wait3A_816 = arith.constant 0 : i32
      %dma_wait3A_817 = arith.constant 0 : i32
      %dma_wait3A_818 = arith.constant 0 : i32
      %dma_wait3A_819 = tpu.memref_slice %arg8[%dma_wait3A_816, %dma_wait3A_817, %dma_wait3A_818] : memref<8x128x16xf32, #tpu.memory_space<vmem>> -> memref<1x128x16xf32, #tpu.memory_space<vmem>>
      %dma_wait3A_820 = tpu.memref_squeeze %dma_wait3A_819 : memref<1x128x16xf32, #tpu.memory_space<vmem>> -> memref<128x16xf32, #tpu.memory_space<vmem>>
      %dma_wait3A_821 = tpu.memref_slice %arg7[%mul3A_815] : memref<10000xi32, #tpu.memory_space<vmem>> -> memref<128xi32, #tpu.memory_space<vmem>>
      %dma_wait3A_822 = arith.constant 0 : i32
      %dma_wait3A_823 = arith.constant 0 : i32
      %dma_wait3A_824 = tpu.memref_slice %arg10[%dma_wait3A_822, %dma_wait3A_823] : memref<10112x16xf32, #tpu.memory_space<vmem_shared>> -> memref<10112x16xf32, #tpu.memory_space<vmem_shared>>
      tpu.wait_indirect_dma semaphore(%arg19 : memref<!tpu.dma_semaphore, #tpu.memory_space<semaphore_mem>>) src(%dma_wait3A_820 : memref<128x16xf32, #tpu.memory_space<vmem>>) dst(%dma_wait3A_824 : memref<10112x16xf32, #tpu.memory_space<vmem_shared>>)
      %add3A_825 = arith.constant 4 : i32
      %add3A_826 = arith.addi %add3A_789, %add3A_825 : i32
      %mul3A_827 = arith.constant 128 : i32
      %mul3A_828 = arith.muli %add3A_826, %mul3A_827 : i32
      %dma_start3A_829 = arith.constant 0 : i32
      %dma_start3A_830 = arith.constant 0 : i32
      %dma_start3A_831 = arith.constant 0 : i32
      %dma_start3A_832 = tpu.memref_slice %arg8[%dma_start3A_829, %dma_start3A_830, %dma_start3A_831] : memref<8x128x16xf32, #tpu.memory_space<vmem>> -> memref<1x128x16xf32, #tpu.memory_space<vmem>>
      %dma_start3A_833 = tpu.memref_squeeze %dma_start3A_832 : memref<1x128x16xf32, #tpu.memory_space<vmem>> -> memref<128x16xf32, #tpu.memory_space<vmem>>
      %dma_start3A_834 = tpu.memref_slice %arg6[%mul3A_828] : memref<10000xi32, #tpu.memory_space<vmem>> -> memref<128xi32, #tpu.memory_space<vmem>>
      %dma_start3A_835 = arith.constant 0 : i32
      %dma_start3A_836 = arith.constant 0 : i32
      %dma_start3A_837 = tpu.memref_slice %arg2[%dma_start3A_835, %dma_start3A_836] : memref<10000x16xf32, #tpu.memory_space<hbm>> -> memref<10000x16xf32, #tpu.memory_space<hbm>>
      tpu.enqueue_indirect_dma source(%dma_start3A_837 : memref<10000x16xf32, #tpu.memory_space<hbm>>) target(%dma_start3A_833 : memref<128x16xf32, #tpu.memory_space<vmem>>) offsets(%dma_start3A_834 : memref<128xi32, #tpu.memory_space<vmem>>) semaphore(%arg11 : memref<!tpu.dma_semaphore, #tpu.memory_space<semaphore_mem>>)
      %mul3A_838 = arith.constant 8 : i32
      %mul3A_839 = arith.muli %scan3A_578, %mul3A_838 : i32
      %add3A_840 = arith.constant 5 : i32
      %add3A_841 = arith.addi %mul3A_839, %add3A_840 : i32
      %mul3A_842 = arith.constant 128 : i32
      %mul3A_843 = arith.muli %add3A_841, %mul3A_842 : i32
      %dma_wait3A_844 = arith.constant 5 : i32
      %dma_wait3A_845 = arith.constant 0 : i32
      %dma_wait3A_846 = arith.constant 0 : i32
      %dma_wait3A_847 = tpu.memref_slice %arg8[%dma_wait3A_844, %dma_wait3A_845, %dma_wait3A_846] : memref<8x128x16xf32, #tpu.memory_space<vmem>> -> memref<1x128x16xf32, #tpu.memory_space<vmem>>
      %dma_wait3A_848 = tpu.memref_squeeze %dma_wait3A_847 : memref<1x128x16xf32, #tpu.memory_space<vmem>> -> memref<128x16xf32, #tpu.memory_space<vmem>>
      %dma_wait3A_849 = tpu.memref_slice %arg6[%mul3A_843] : memref<10000xi32, #tpu.memory_space<vmem>> -> memref<128xi32, #tpu.memory_space<vmem>>
      %dma_wait3A_850 = arith.constant 0 : i32
      %dma_wait3A_851 = arith.constant 0 : i32
      %dma_wait3A_852 = tpu.memref_slice %arg2[%dma_wait3A_850, %dma_wait3A_851] : memref<10000x16xf32, #tpu.memory_space<hbm>> -> memref<10000x16xf32, #tpu.memory_space<hbm>>
      tpu.wait_indirect_dma semaphore(%arg16 : memref<!tpu.dma_semaphore, #tpu.memory_space<semaphore_mem>>) src(%dma_wait3A_852 : memref<10000x16xf32, #tpu.memory_space<hbm>>) dst(%dma_wait3A_848 : memref<128x16xf32, #tpu.memory_space<vmem>>)
      %mul3A_853 = arith.constant 128 : i32
      %mul3A_854 = arith.muli %add3A_841, %mul3A_853 : i32
      %dma_start3A_855 = arith.constant 5 : i32
      %dma_start3A_856 = arith.constant 0 : i32
      %dma_start3A_857 = arith.constant 0 : i32
      %dma_start3A_858 = tpu.memref_slice %arg8[%dma_start3A_855, %dma_start3A_856, %dma_start3A_857] : memref<8x128x16xf32, #tpu.memory_space<vmem>> -> memref<1x128x16xf32, #tpu.memory_space<vmem>>
      %dma_start3A_859 = tpu.memref_squeeze %dma_start3A_858 : memref<1x128x16xf32, #tpu.memory_space<vmem>> -> memref<128x16xf32, #tpu.memory_space<vmem>>
      %dma_start3A_860 = tpu.memref_slice %arg7[%mul3A_854] : memref<10000xi32, #tpu.memory_space<vmem>> -> memref<128xi32, #tpu.memory_space<vmem>>
      %dma_start3A_861 = arith.constant 0 : i32
      %dma_start3A_862 = arith.constant 0 : i32
      %dma_start3A_863 = tpu.memref_slice %arg10[%dma_start3A_861, %dma_start3A_862] : memref<10112x16xf32, #tpu.memory_space<vmem_shared>> -> memref<10112x16xf32, #tpu.memory_space<vmem_shared>>
      tpu.enqueue_indirect_dma source(%dma_start3A_859 : memref<128x16xf32, #tpu.memory_space<vmem>>) target(%dma_start3A_863 : memref<10112x16xf32, #tpu.memory_space<vmem_shared>>) offsets(%dma_start3A_860 : memref<128xi32, #tpu.memory_space<vmem>>) semaphore(%arg24 : memref<!tpu.dma_semaphore, #tpu.memory_space<semaphore_mem>>) {add = true}
      %sub3A_864 = arith.constant 4 : i32
      %sub3A_865 = arith.subi %add3A_841, %sub3A_864 : i32
      %mul3A_866 = arith.constant 128 : i32
      %mul3A_867 = arith.muli %sub3A_865, %mul3A_866 : i32
      %dma_wait3A_868 = arith.constant 1 : i32
      %dma_wait3A_869 = arith.constant 0 : i32
      %dma_wait3A_870 = arith.constant 0 : i32
      %dma_wait3A_871 = tpu.memref_slice %arg8[%dma_wait3A_868, %dma_wait3A_869, %dma_wait3A_870] : memref<8x128x16xf32, #tpu.memory_space<vmem>> -> memref<1x128x16xf32, #tpu.memory_space<vmem>>
      %dma_wait3A_872 = tpu.memref_squeeze %dma_wait3A_871 : memref<1x128x16xf32, #tpu.memory_space<vmem>> -> memref<128x16xf32, #tpu.memory_space<vmem>>
      %dma_wait3A_873 = tpu.memref_slice %arg7[%mul3A_867] : memref<10000xi32, #tpu.memory_space<vmem>> -> memref<128xi32, #tpu.memory_space<vmem>>
      %dma_wait3A_874 = arith.constant 0 : i32
      %dma_wait3A_875 = arith.constant 0 : i32
      %dma_wait3A_876 = tpu.memref_slice %arg10[%dma_wait3A_874, %dma_wait3A_875] : memref<10112x16xf32, #tpu.memory_space<vmem_shared>> -> memref<10112x16xf32, #tpu.memory_space<vmem_shared>>
      tpu.wait_indirect_dma semaphore(%arg20 : memref<!tpu.dma_semaphore, #tpu.memory_space<semaphore_mem>>) src(%dma_wait3A_872 : memref<128x16xf32, #tpu.memory_space<vmem>>) dst(%dma_wait3A_876 : memref<10112x16xf32, #tpu.memory_space<vmem_shared>>)
      %add3A_877 = arith.constant 4 : i32
      %add3A_878 = arith.addi %add3A_841, %add3A_877 : i32
      %mul3A_879 = arith.constant 128 : i32
      %mul3A_880 = arith.muli %add3A_878, %mul3A_879 : i32
      %dma_start3A_881 = arith.constant 1 : i32
      %dma_start3A_882 = arith.constant 0 : i32
      %dma_start3A_883 = arith.constant 0 : i32
      %dma_start3A_884 = tpu.memref_slice %arg8[%dma_start3A_881, %dma_start3A_882, %dma_start3A_883] : memref<8x128x16xf32, #tpu.memory_space<vmem>> -> memref<1x128x16xf32, #tpu.memory_space<vmem>>
      %dma_start3A_885 = tpu.memref_squeeze %dma_start3A_884 : memref<1x128x16xf32, #tpu.memory_space<vmem>> -> memref<128x16xf32, #tpu.memory_space<vmem>>
      %dma_start3A_886 = tpu.memref_slice %arg6[%mul3A_880] : memref<10000xi32, #tpu.memory_space<vmem>> -> memref<128xi32, #tpu.memory_space<vmem>>
      %dma_start3A_887 = arith.constant 0 : i32
      %dma_start3A_888 = arith.constant 0 : i32
      %dma_start3A_889 = tpu.memref_slice %arg2[%dma_start3A_887, %dma_start3A_888] : memref<10000x16xf32, #tpu.memory_space<hbm>> -> memref<10000x16xf32, #tpu.memory_space<hbm>>
      tpu.enqueue_indirect_dma source(%dma_start3A_889 : memref<10000x16xf32, #tpu.memory_space<hbm>>) target(%dma_start3A_885 : memref<128x16xf32, #tpu.memory_space<vmem>>) offsets(%dma_start3A_886 : memref<128xi32, #tpu.memory_space<vmem>>) semaphore(%arg12 : memref<!tpu.dma_semaphore, #tpu.memory_space<semaphore_mem>>)
      %mul3A_890 = arith.constant 8 : i32
      %mul3A_891 = arith.muli %scan3A_578, %mul3A_890 : i32
      %add3A_892 = arith.constant 6 : i32
      %add3A_893 = arith.addi %mul3A_891, %add3A_892 : i32
      %mul3A_894 = arith.constant 128 : i32
      %mul3A_895 = arith.muli %add3A_893, %mul3A_894 : i32
      %dma_wait3A_896 = arith.constant 6 : i32
      %dma_wait3A_897 = arith.constant 0 : i32
      %dma_wait3A_898 = arith.constant 0 : i32
      %dma_wait3A_899 = tpu.memref_slice %arg8[%dma_wait3A_896, %dma_wait3A_897, %dma_wait3A_898] : memref<8x128x16xf32, #tpu.memory_space<vmem>> -> memref<1x128x16xf32, #tpu.memory_space<vmem>>
      %dma_wait3A_900 = tpu.memref_squeeze %dma_wait3A_899 : memref<1x128x16xf32, #tpu.memory_space<vmem>> -> memref<128x16xf32, #tpu.memory_space<vmem>>
      %dma_wait3A_901 = tpu.memref_slice %arg6[%mul3A_895] : memref<10000xi32, #tpu.memory_space<vmem>> -> memref<128xi32, #tpu.memory_space<vmem>>
      %dma_wait3A_902 = arith.constant 0 : i32
      %dma_wait3A_903 = arith.constant 0 : i32
      %dma_wait3A_904 = tpu.memref_slice %arg2[%dma_wait3A_902, %dma_wait3A_903] : memref<10000x16xf32, #tpu.memory_space<hbm>> -> memref<10000x16xf32, #tpu.memory_space<hbm>>
      tpu.wait_indirect_dma semaphore(%arg17 : memref<!tpu.dma_semaphore, #tpu.memory_space<semaphore_mem>>) src(%dma_wait3A_904 : memref<10000x16xf32, #tpu.memory_space<hbm>>) dst(%dma_wait3A_900 : memref<128x16xf32, #tpu.memory_space<vmem>>)
      %mul3A_905 = arith.constant 128 : i32
      %mul3A_906 = arith.muli %add3A_893, %mul3A_905 : i32
      %dma_start3A_907 = arith.constant 6 : i32
      %dma_start3A_908 = arith.constant 0 : i32
      %dma_start3A_909 = arith.constant 0 : i32
      %dma_start3A_910 = tpu.memref_slice %arg8[%dma_start3A_907, %dma_start3A_908, %dma_start3A_909] : memref<8x128x16xf32, #tpu.memory_space<vmem>> -> memref<1x128x16xf32, #tpu.memory_space<vmem>>
      %dma_start3A_911 = tpu.memref_squeeze %dma_start3A_910 : memref<1x128x16xf32, #tpu.memory_space<vmem>> -> memref<128x16xf32, #tpu.memory_space<vmem>>
      %dma_start3A_912 = tpu.memref_slice %arg7[%mul3A_906] : memref<10000xi32, #tpu.memory_space<vmem>> -> memref<128xi32, #tpu.memory_space<vmem>>
      %dma_start3A_913 = arith.constant 0 : i32
      %dma_start3A_914 = arith.constant 0 : i32
      %dma_start3A_915 = tpu.memref_slice %arg10[%dma_start3A_913, %dma_start3A_914] : memref<10112x16xf32, #tpu.memory_space<vmem_shared>> -> memref<10112x16xf32, #tpu.memory_space<vmem_shared>>
      tpu.enqueue_indirect_dma source(%dma_start3A_911 : memref<128x16xf32, #tpu.memory_space<vmem>>) target(%dma_start3A_915 : memref<10112x16xf32, #tpu.memory_space<vmem_shared>>) offsets(%dma_start3A_912 : memref<128xi32, #tpu.memory_space<vmem>>) semaphore(%arg25 : memref<!tpu.dma_semaphore, #tpu.memory_space<semaphore_mem>>) {add = true}
      %sub3A_916 = arith.constant 4 : i32
      %sub3A_917 = arith.subi %add3A_893, %sub3A_916 : i32
      %mul3A_918 = arith.constant 128 : i32
      %mul3A_919 = arith.muli %sub3A_917, %mul3A_918 : i32
      %dma_wait3A_920 = arith.constant 2 : i32
      %dma_wait3A_921 = arith.constant 0 : i32
      %dma_wait3A_922 = arith.constant 0 : i32
      %dma_wait3A_923 = tpu.memref_slice %arg8[%dma_wait3A_920, %dma_wait3A_921, %dma_wait3A_922] : memref<8x128x16xf32, #tpu.memory_space<vmem>> -> memref<1x128x16xf32, #tpu.memory_space<vmem>>
      %dma_wait3A_924 = tpu.memref_squeeze %dma_wait3A_923 : memref<1x128x16xf32, #tpu.memory_space<vmem>> -> memref<128x16xf32, #tpu.memory_space<vmem>>
      %dma_wait3A_925 = tpu.memref_slice %arg7[%mul3A_919] : memref<10000xi32, #tpu.memory_space<vmem>> -> memref<128xi32, #tpu.memory_space<vmem>>
      %dma_wait3A_926 = arith.constant 0 : i32
      %dma_wait3A_927 = arith.constant 0 : i32
      %dma_wait3A_928 = tpu.memref_slice %arg10[%dma_wait3A_926, %dma_wait3A_927] : memref<10112x16xf32, #tpu.memory_space<vmem_shared>> -> memref<10112x16xf32, #tpu.memory_space<vmem_shared>>
      tpu.wait_indirect_dma semaphore(%arg21 : memref<!tpu.dma_semaphore, #tpu.memory_space<semaphore_mem>>) src(%dma_wait3A_924 : memref<128x16xf32, #tpu.memory_space<vmem>>) dst(%dma_wait3A_928 : memref<10112x16xf32, #tpu.memory_space<vmem_shared>>)
      %add3A_929 = arith.constant 4 : i32
      %add3A_930 = arith.addi %add3A_893, %add3A_929 : i32
      %mul3A_931 = arith.constant 128 : i32
      %mul3A_932 = arith.muli %add3A_930, %mul3A_931 : i32
      %dma_start3A_933 = arith.constant 2 : i32
      %dma_start3A_934 = arith.constant 0 : i32
      %dma_start3A_935 = arith.constant 0 : i32
      %dma_start3A_936 = tpu.memref_slice %arg8[%dma_start3A_933, %dma_start3A_934, %dma_start3A_935] : memref<8x128x16xf32, #tpu.memory_space<vmem>> -> memref<1x128x16xf32, #tpu.memory_space<vmem>>
      %dma_start3A_937 = tpu.memref_squeeze %dma_start3A_936 : memref<1x128x16xf32, #tpu.memory_space<vmem>> -> memref<128x16xf32, #tpu.memory_space<vmem>>
      %dma_start3A_938 = tpu.memref_slice %arg6[%mul3A_932] : memref<10000xi32, #tpu.memory_space<vmem>> -> memref<128xi32, #tpu.memory_space<vmem>>
      %dma_start3A_939 = arith.constant 0 : i32
      %dma_start3A_940 = arith.constant 0 : i32
      %dma_start3A_941 = tpu.memref_slice %arg2[%dma_start3A_939, %dma_start3A_940] : memref<10000x16xf32, #tpu.memory_space<hbm>> -> memref<10000x16xf32, #tpu.memory_space<hbm>>
      tpu.enqueue_indirect_dma source(%dma_start3A_941 : memref<10000x16xf32, #tpu.memory_space<hbm>>) target(%dma_start3A_937 : memref<128x16xf32, #tpu.memory_space<vmem>>) offsets(%dma_start3A_938 : memref<128xi32, #tpu.memory_space<vmem>>) semaphore(%arg13 : memref<!tpu.dma_semaphore, #tpu.memory_space<semaphore_mem>>)
      %mul3A_942 = arith.constant 8 : i32
      %mul3A_943 = arith.muli %scan3A_578, %mul3A_942 : i32
      %add3A_944 = arith.constant 7 : i32
      %add3A_945 = arith.addi %mul3A_943, %add3A_944 : i32
      %mul3A_946 = arith.constant 128 : i32
      %mul3A_947 = arith.muli %add3A_945, %mul3A_946 : i32
      %dma_wait3A_948 = arith.constant 7 : i32
      %dma_wait3A_949 = arith.constant 0 : i32
      %dma_wait3A_950 = arith.constant 0 : i32
      %dma_wait3A_951 = tpu.memref_slice %arg8[%dma_wait3A_948, %dma_wait3A_949, %dma_wait3A_950] : memref<8x128x16xf32, #tpu.memory_space<vmem>> -> memref<1x128x16xf32, #tpu.memory_space<vmem>>
      %dma_wait3A_952 = tpu.memref_squeeze %dma_wait3A_951 : memref<1x128x16xf32, #tpu.memory_space<vmem>> -> memref<128x16xf32, #tpu.memory_space<vmem>>
      %dma_wait3A_953 = tpu.memref_slice %arg6[%mul3A_947] : memref<10000xi32, #tpu.memory_space<vmem>> -> memref<128xi32, #tpu.memory_space<vmem>>
      %dma_wait3A_954 = arith.constant 0 : i32
      %dma_wait3A_955 = arith.constant 0 : i32
      %dma_wait3A_956 = tpu.memref_slice %arg2[%dma_wait3A_954, %dma_wait3A_955] : memref<10000x16xf32, #tpu.memory_space<hbm>> -> memref<10000x16xf32, #tpu.memory_space<hbm>>
      tpu.wait_indirect_dma semaphore(%arg18 : memref<!tpu.dma_semaphore, #tpu.memory_space<semaphore_mem>>) src(%dma_wait3A_956 : memref<10000x16xf32, #tpu.memory_space<hbm>>) dst(%dma_wait3A_952 : memref<128x16xf32, #tpu.memory_space<vmem>>)
      %mul3A_957 = arith.constant 128 : i32
      %mul3A_958 = arith.muli %add3A_945, %mul3A_957 : i32
      %dma_start3A_959 = arith.constant 7 : i32
      %dma_start3A_960 = arith.constant 0 : i32
      %dma_start3A_961 = arith.constant 0 : i32
      %dma_start3A_962 = tpu.memref_slice %arg8[%dma_start3A_959, %dma_start3A_960, %dma_start3A_961] : memref<8x128x16xf32, #tpu.memory_space<vmem>> -> memref<1x128x16xf32, #tpu.memory_space<vmem>>
      %dma_start3A_963 = tpu.memref_squeeze %dma_start3A_962 : memref<1x128x16xf32, #tpu.memory_space<vmem>> -> memref<128x16xf32, #tpu.memory_space<vmem>>
      %dma_start3A_964 = tpu.memref_slice %arg7[%mul3A_958] : memref<10000xi32, #tpu.memory_space<vmem>> -> memref<128xi32, #tpu.memory_space<vmem>>
      %dma_start3A_965 = arith.constant 0 : i32
      %dma_start3A_966 = arith.constant 0 : i32
      %dma_start3A_967 = tpu.memref_slice %arg10[%dma_start3A_965, %dma_start3A_966] : memref<10112x16xf32, #tpu.memory_space<vmem_shared>> -> memref<10112x16xf32, #tpu.memory_space<vmem_shared>>
      tpu.enqueue_indirect_dma source(%dma_start3A_963 : memref<128x16xf32, #tpu.memory_space<vmem>>) target(%dma_start3A_967 : memref<10112x16xf32, #tpu.memory_space<vmem_shared>>) offsets(%dma_start3A_964 : memref<128xi32, #tpu.memory_space<vmem>>) semaphore(%arg26 : memref<!tpu.dma_semaphore, #tpu.memory_space<semaphore_mem>>) {add = true}
      %sub3A_968 = arith.constant 4 : i32
      %sub3A_969 = arith.subi %add3A_945, %sub3A_968 : i32
      %mul3A_970 = arith.constant 128 : i32
      %mul3A_971 = arith.muli %sub3A_969, %mul3A_970 : i32
      %dma_wait3A_972 = arith.constant 3 : i32
      %dma_wait3A_973 = arith.constant 0 : i32
      %dma_wait3A_974 = arith.constant 0 : i32
      %dma_wait3A_975 = tpu.memref_slice %arg8[%dma_wait3A_972, %dma_wait3A_973, %dma_wait3A_974] : memref<8x128x16xf32, #tpu.memory_space<vmem>> -> memref<1x128x16xf32, #tpu.memory_space<vmem>>
      %dma_wait3A_976 = tpu.memref_squeeze %dma_wait3A_975 : memref<1x128x16xf32, #tpu.memory_space<vmem>> -> memref<128x16xf32, #tpu.memory_space<vmem>>
      %dma_wait3A_977 = tpu.memref_slice %arg7[%mul3A_971] : memref<10000xi32, #tpu.memory_space<vmem>> -> memref<128xi32, #tpu.memory_space<vmem>>
      %dma_wait3A_978 = arith.constant 0 : i32
      %dma_wait3A_979 = arith.constant 0 : i32
      %dma_wait3A_980 = tpu.memref_slice %arg10[%dma_wait3A_978, %dma_wait3A_979] : memref<10112x16xf32, #tpu.memory_space<vmem_shared>> -> memref<10112x16xf32, #tpu.memory_space<vmem_shared>>
      tpu.wait_indirect_dma semaphore(%arg22 : memref<!tpu.dma_semaphore, #tpu.memory_space<semaphore_mem>>) src(%dma_wait3A_976 : memref<128x16xf32, #tpu.memory_space<vmem>>) dst(%dma_wait3A_980 : memref<10112x16xf32, #tpu.memory_space<vmem_shared>>)
      %add3A_981 = arith.constant 4 : i32
      %add3A_982 = arith.addi %add3A_945, %add3A_981 : i32
      %mul3A_983 = arith.constant 128 : i32
      %mul3A_984 = arith.muli %add3A_982, %mul3A_983 : i32
      %dma_start3A_985 = arith.constant 3 : i32
      %dma_start3A_986 = arith.constant 0 : i32
      %dma_start3A_987 = arith.constant 0 : i32
      %dma_start3A_988 = tpu.memref_slice %arg8[%dma_start3A_985, %dma_start3A_986, %dma_start3A_987] : memref<8x128x16xf32, #tpu.memory_space<vmem>> -> memref<1x128x16xf32, #tpu.memory_space<vmem>>
      %dma_start3A_989 = tpu.memref_squeeze %dma_start3A_988 : memref<1x128x16xf32, #tpu.memory_space<vmem>> -> memref<128x16xf32, #tpu.memory_space<vmem>>
      %dma_start3A_990 = tpu.memref_slice %arg6[%mul3A_984] : memref<10000xi32, #tpu.memory_space<vmem>> -> memref<128xi32, #tpu.memory_space<vmem>>
      %dma_start3A_991 = arith.constant 0 : i32
      %dma_start3A_992 = arith.constant 0 : i32
      %dma_start3A_993 = tpu.memref_slice %arg2[%dma_start3A_991, %dma_start3A_992] : memref<10000x16xf32, #tpu.memory_space<hbm>> -> memref<10000x16xf32, #tpu.memory_space<hbm>>
      tpu.enqueue_indirect_dma source(%dma_start3A_993 : memref<10000x16xf32, #tpu.memory_space<hbm>>) target(%dma_start3A_989 : memref<128x16xf32, #tpu.memory_space<vmem>>) offsets(%dma_start3A_990 : memref<128xi32, #tpu.memory_space<vmem>>) semaphore(%arg14 : memref<!tpu.dma_semaphore, #tpu.memory_space<semaphore_mem>>)
    }
    %scan3A_332 = arith.constant 8 : i32
    %dma_wait3A_333 = arith.constant 0 : i32
    %dma_wait3A_334 = arith.constant 0 : i32
    %dma_wait3A_335 = arith.constant 0 : i32
    %dma_wait3A_336 = tpu.memref_slice %arg8[%dma_wait3A_333, %dma_wait3A_334, %dma_wait3A_335] : memref<8x128x16xf32, #tpu.memory_space<vmem>> -> memref<1x128x16xf32, #tpu.memory_space<vmem>>
    %dma_wait3A_337 = tpu.memref_squeeze %dma_wait3A_336 : memref<1x128x16xf32, #tpu.memory_space<vmem>> -> memref<128x16xf32, #tpu.memory_space<vmem>>
    %dma_wait3A_338 = arith.constant 9216 : i32
    %dma_wait3A_339 = tpu.memref_slice %arg6[%dma_wait3A_338] : memref<10000xi32, #tpu.memory_space<vmem>> -> memref<128xi32, #tpu.memory_space<vmem>>
    %dma_wait3A_340 = arith.constant 0 : i32
    %dma_wait3A_341 = arith.constant 0 : i32
    %dma_wait3A_342 = tpu.memref_slice %arg2[%dma_wait3A_340, %dma_wait3A_341] : memref<10000x16xf32, #tpu.memory_space<hbm>> -> memref<10000x16xf32, #tpu.memory_space<hbm>>
    tpu.wait_indirect_dma semaphore(%arg11 : memref<!tpu.dma_semaphore, #tpu.memory_space<semaphore_mem>>) src(%dma_wait3A_342 : memref<10000x16xf32, #tpu.memory_space<hbm>>) dst(%dma_wait3A_337 : memref<128x16xf32, #tpu.memory_space<vmem>>)
    %dma_start3A_343 = arith.constant 0 : i32
    %dma_start3A_344 = arith.constant 0 : i32
    %dma_start3A_345 = arith.constant 0 : i32
    %dma_start3A_346 = tpu.memref_slice %arg8[%dma_start3A_343, %dma_start3A_344, %dma_start3A_345] : memref<8x128x16xf32, #tpu.memory_space<vmem>> -> memref<1x128x16xf32, #tpu.memory_space<vmem>>
    %dma_start3A_347 = tpu.memref_squeeze %dma_start3A_346 : memref<1x128x16xf32, #tpu.memory_space<vmem>> -> memref<128x16xf32, #tpu.memory_space<vmem>>
    %dma_start3A_348 = arith.constant 9216 : i32
    %dma_start3A_349 = tpu.memref_slice %arg7[%dma_start3A_348] : memref<10000xi32, #tpu.memory_space<vmem>> -> memref<128xi32, #tpu.memory_space<vmem>>
    %dma_start3A_350 = arith.constant 0 : i32
    %dma_start3A_351 = arith.constant 0 : i32
    %dma_start3A_352 = tpu.memref_slice %arg10[%dma_start3A_350, %dma_start3A_351] : memref<10112x16xf32, #tpu.memory_space<vmem_shared>> -> memref<10112x16xf32, #tpu.memory_space<vmem_shared>>
    tpu.enqueue_indirect_dma source(%dma_start3A_347 : memref<128x16xf32, #tpu.memory_space<vmem>>) target(%dma_start3A_352 : memref<10112x16xf32, #tpu.memory_space<vmem_shared>>) offsets(%dma_start3A_349 : memref<128xi32, #tpu.memory_space<vmem>>) semaphore(%arg19 : memref<!tpu.dma_semaphore, #tpu.memory_space<semaphore_mem>>) {add = true}
    %dma_wait3A_353 = arith.constant 4 : i32
    %dma_wait3A_354 = arith.constant 0 : i32
    %dma_wait3A_355 = arith.constant 0 : i32
    %dma_wait3A_356 = tpu.memref_slice %arg8[%dma_wait3A_353, %dma_wait3A_354, %dma_wait3A_355] : memref<8x128x16xf32, #tpu.memory_space<vmem>> -> memref<1x128x16xf32, #tpu.memory_space<vmem>>
    %dma_wait3A_357 = tpu.memref_squeeze %dma_wait3A_356 : memref<1x128x16xf32, #tpu.memory_space<vmem>> -> memref<128x16xf32, #tpu.memory_space<vmem>>
    %dma_wait3A_358 = arith.constant 8704 : i32
    %dma_wait3A_359 = tpu.memref_slice %arg7[%dma_wait3A_358] : memref<10000xi32, #tpu.memory_space<vmem>> -> memref<128xi32, #tpu.memory_space<vmem>>
    %dma_wait3A_360 = arith.constant 0 : i32
    %dma_wait3A_361 = arith.constant 0 : i32
    %dma_wait3A_362 = tpu.memref_slice %arg10[%dma_wait3A_360, %dma_wait3A_361] : memref<10112x16xf32, #tpu.memory_space<vmem_shared>> -> memref<10112x16xf32, #tpu.memory_space<vmem_shared>>
    tpu.wait_indirect_dma semaphore(%arg23 : memref<!tpu.dma_semaphore, #tpu.memory_space<semaphore_mem>>) src(%dma_wait3A_357 : memref<128x16xf32, #tpu.memory_space<vmem>>) dst(%dma_wait3A_362 : memref<10112x16xf32, #tpu.memory_space<vmem_shared>>)
    %dma_start3A_363 = arith.constant 4 : i32
    %dma_start3A_364 = arith.constant 0 : i32
    %dma_start3A_365 = arith.constant 0 : i32
    %dma_start3A_366 = tpu.memref_slice %arg8[%dma_start3A_363, %dma_start3A_364, %dma_start3A_365] : memref<8x128x16xf32, #tpu.memory_space<vmem>> -> memref<1x128x16xf32, #tpu.memory_space<vmem>>
    %dma_start3A_367 = tpu.memref_squeeze %dma_start3A_366 : memref<1x128x16xf32, #tpu.memory_space<vmem>> -> memref<128x16xf32, #tpu.memory_space<vmem>>
    %dma_start3A_368 = arith.constant 9728 : i32
    %dma_start3A_369 = tpu.memref_slice %arg6[%dma_start3A_368] : memref<10000xi32, #tpu.memory_space<vmem>> -> memref<128xi32, #tpu.memory_space<vmem>>
    %dma_start3A_370 = arith.constant 0 : i32
    %dma_start3A_371 = arith.constant 0 : i32
    %dma_start3A_372 = tpu.memref_slice %arg2[%dma_start3A_370, %dma_start3A_371] : memref<10000x16xf32, #tpu.memory_space<hbm>> -> memref<10000x16xf32, #tpu.memory_space<hbm>>
    tpu.enqueue_indirect_dma source(%dma_start3A_372 : memref<10000x16xf32, #tpu.memory_space<hbm>>) target(%dma_start3A_367 : memref<128x16xf32, #tpu.memory_space<vmem>>) offsets(%dma_start3A_369 : memref<128xi32, #tpu.memory_space<vmem>>) semaphore(%arg15 : memref<!tpu.dma_semaphore, #tpu.memory_space<semaphore_mem>>)
    %dma_wait3A_373 = arith.constant 1 : i32
    %dma_wait3A_374 = arith.constant 0 : i32
    %dma_wait3A_375 = arith.constant 0 : i32
    %dma_wait3A_376 = tpu.memref_slice %arg8[%dma_wait3A_373, %dma_wait3A_374, %dma_wait3A_375] : memref<8x128x16xf32, #tpu.memory_space<vmem>> -> memref<1x128x16xf32, #tpu.memory_space<vmem>>
    %dma_wait3A_377 = tpu.memref_squeeze %dma_wait3A_376 : memref<1x128x16xf32, #tpu.memory_space<vmem>> -> memref<128x16xf32, #tpu.memory_space<vmem>>
    %dma_wait3A_378 = arith.constant 9344 : i32
    %dma_wait3A_379 = tpu.memref_slice %arg6[%dma_wait3A_378] : memref<10000xi32, #tpu.memory_space<vmem>> -> memref<128xi32, #tpu.memory_space<vmem>>
    %dma_wait3A_380 = arith.constant 0 : i32
    %dma_wait3A_381 = arith.constant 0 : i32
    %dma_wait3A_382 = tpu.memref_slice %arg2[%dma_wait3A_380, %dma_wait3A_381] : memref<10000x16xf32, #tpu.memory_space<hbm>> -> memref<10000x16xf32, #tpu.memory_space<hbm>>
    tpu.wait_indirect_dma semaphore(%arg12 : memref<!tpu.dma_semaphore, #tpu.memory_space<semaphore_mem>>) src(%dma_wait3A_382 : memref<10000x16xf32, #tpu.memory_space<hbm>>) dst(%dma_wait3A_377 : memref<128x16xf32, #tpu.memory_space<vmem>>)
    %dma_start3A_383 = arith.constant 1 : i32
    %dma_start3A_384 = arith.constant 0 : i32
    %dma_start3A_385 = arith.constant 0 : i32
    %dma_start3A_386 = tpu.memref_slice %arg8[%dma_start3A_383, %dma_start3A_384, %dma_start3A_385] : memref<8x128x16xf32, #tpu.memory_space<vmem>> -> memref<1x128x16xf32, #tpu.memory_space<vmem>>
    %dma_start3A_387 = tpu.memref_squeeze %dma_start3A_386 : memref<1x128x16xf32, #tpu.memory_space<vmem>> -> memref<128x16xf32, #tpu.memory_space<vmem>>
    %dma_start3A_388 = arith.constant 9344 : i32
    %dma_start3A_389 = tpu.memref_slice %arg7[%dma_start3A_388] : memref<10000xi32, #tpu.memory_space<vmem>> -> memref<128xi32, #tpu.memory_space<vmem>>
    %dma_start3A_390 = arith.constant 0 : i32
    %dma_start3A_391 = arith.constant 0 : i32
    %dma_start3A_392 = tpu.memref_slice %arg10[%dma_start3A_390, %dma_start3A_391] : memref<10112x16xf32, #tpu.memory_space<vmem_shared>> -> memref<10112x16xf32, #tpu.memory_space<vmem_shared>>
    tpu.enqueue_indirect_dma source(%dma_start3A_387 : memref<128x16xf32, #tpu.memory_space<vmem>>) target(%dma_start3A_392 : memref<10112x16xf32, #tpu.memory_space<vmem_shared>>) offsets(%dma_start3A_389 : memref<128xi32, #tpu.memory_space<vmem>>) semaphore(%arg20 : memref<!tpu.dma_semaphore, #tpu.memory_space<semaphore_mem>>) {add = true}
    %dma_wait3A_393 = arith.constant 5 : i32
    %dma_wait3A_394 = arith.constant 0 : i32
    %dma_wait3A_395 = arith.constant 0 : i32
    %dma_wait3A_396 = tpu.memref_slice %arg8[%dma_wait3A_393, %dma_wait3A_394, %dma_wait3A_395] : memref<8x128x16xf32, #tpu.memory_space<vmem>> -> memref<1x128x16xf32, #tpu.memory_space<vmem>>
    %dma_wait3A_397 = tpu.memref_squeeze %dma_wait3A_396 : memref<1x128x16xf32, #tpu.memory_space<vmem>> -> memref<128x16xf32, #tpu.memory_space<vmem>>
    %dma_wait3A_398 = arith.constant 8832 : i32
    %dma_wait3A_399 = tpu.memref_slice %arg7[%dma_wait3A_398] : memref<10000xi32, #tpu.memory_space<vmem>> -> memref<128xi32, #tpu.memory_space<vmem>>
    %dma_wait3A_400 = arith.constant 0 : i32
    %dma_wait3A_401 = arith.constant 0 : i32
    %dma_wait3A_402 = tpu.memref_slice %arg10[%dma_wait3A_400, %dma_wait3A_401] : memref<10112x16xf32, #tpu.memory_space<vmem_shared>> -> memref<10112x16xf32, #tpu.memory_space<vmem_shared>>
    tpu.wait_indirect_dma semaphore(%arg24 : memref<!tpu.dma_semaphore, #tpu.memory_space<semaphore_mem>>) src(%dma_wait3A_397 : memref<128x16xf32, #tpu.memory_space<vmem>>) dst(%dma_wait3A_402 : memref<10112x16xf32, #tpu.memory_space<vmem_shared>>)
    %dma_start3A_403 = arith.constant 5 : i32
    %dma_start3A_404 = arith.constant 0 : i32
    %dma_start3A_405 = arith.constant 0 : i32
    %dma_start3A_406 = tpu.memref_slice %arg8[%dma_start3A_403, %dma_start3A_404, %dma_start3A_405] : memref<8x128x16xf32, #tpu.memory_space<vmem>> -> memref<1x128x16xf32, #tpu.memory_space<vmem>>
    %dma_start3A_407 = tpu.memref_squeeze %dma_start3A_406 : memref<1x128x16xf32, #tpu.memory_space<vmem>> -> memref<128x16xf32, #tpu.memory_space<vmem>>
    %dma_start3A_408 = arith.constant 9856 : i32
    %dma_start3A_409 = tpu.memref_slice %arg6[%dma_start3A_408] : memref<10000xi32, #tpu.memory_space<vmem>> -> memref<128xi32, #tpu.memory_space<vmem>>
    %dma_start3A_410 = arith.constant 0 : i32
    %dma_start3A_411 = arith.constant 0 : i32
    %dma_start3A_412 = tpu.memref_slice %arg2[%dma_start3A_410, %dma_start3A_411] : memref<10000x16xf32, #tpu.memory_space<hbm>> -> memref<10000x16xf32, #tpu.memory_space<hbm>>
    tpu.enqueue_indirect_dma source(%dma_start3A_412 : memref<10000x16xf32, #tpu.memory_space<hbm>>) target(%dma_start3A_407 : memref<128x16xf32, #tpu.memory_space<vmem>>) offsets(%dma_start3A_409 : memref<128xi32, #tpu.memory_space<vmem>>) semaphore(%arg16 : memref<!tpu.dma_semaphore, #tpu.memory_space<semaphore_mem>>)
    %dma_wait3A_413 = arith.constant 2 : i32
    %dma_wait3A_414 = arith.constant 0 : i32
    %dma_wait3A_415 = arith.constant 0 : i32
    %dma_wait3A_416 = tpu.memref_slice %arg8[%dma_wait3A_413, %dma_wait3A_414, %dma_wait3A_415] : memref<8x128x16xf32, #tpu.memory_space<vmem>> -> memref<1x128x16xf32, #tpu.memory_space<vmem>>
    %dma_wait3A_417 = tpu.memref_squeeze %dma_wait3A_416 : memref<1x128x16xf32, #tpu.memory_space<vmem>> -> memref<128x16xf32, #tpu.memory_space<vmem>>
    %dma_wait3A_418 = arith.constant 9472 : i32
    %dma_wait3A_419 = tpu.memref_slice %arg6[%dma_wait3A_418] : memref<10000xi32, #tpu.memory_space<vmem>> -> memref<128xi32, #tpu.memory_space<vmem>>
    %dma_wait3A_420 = arith.constant 0 : i32
    %dma_wait3A_421 = arith.constant 0 : i32
    %dma_wait3A_422 = tpu.memref_slice %arg2[%dma_wait3A_420, %dma_wait3A_421] : memref<10000x16xf32, #tpu.memory_space<hbm>> -> memref<10000x16xf32, #tpu.memory_space<hbm>>
    tpu.wait_indirect_dma semaphore(%arg13 : memref<!tpu.dma_semaphore, #tpu.memory_space<semaphore_mem>>) src(%dma_wait3A_422 : memref<10000x16xf32, #tpu.memory_space<hbm>>) dst(%dma_wait3A_417 : memref<128x16xf32, #tpu.memory_space<vmem>>)
    %dma_start3A_423 = arith.constant 2 : i32
    %dma_start3A_424 = arith.constant 0 : i32
    %dma_start3A_425 = arith.constant 0 : i32
    %dma_start3A_426 = tpu.memref_slice %arg8[%dma_start3A_423, %dma_start3A_424, %dma_start3A_425] : memref<8x128x16xf32, #tpu.memory_space<vmem>> -> memref<1x128x16xf32, #tpu.memory_space<vmem>>
    %dma_start3A_427 = tpu.memref_squeeze %dma_start3A_426 : memref<1x128x16xf32, #tpu.memory_space<vmem>> -> memref<128x16xf32, #tpu.memory_space<vmem>>
    %dma_start3A_428 = arith.constant 9472 : i32
    %dma_start3A_429 = tpu.memref_slice %arg7[%dma_start3A_428] : memref<10000xi32, #tpu.memory_space<vmem>> -> memref<128xi32, #tpu.memory_space<vmem>>
    %dma_start3A_430 = arith.constant 0 : i32
    %dma_start3A_431 = arith.constant 0 : i32
    %dma_start3A_432 = tpu.memref_slice %arg10[%dma_start3A_430, %dma_start3A_431] : memref<10112x16xf32, #tpu.memory_space<vmem_shared>> -> memref<10112x16xf32, #tpu.memory_space<vmem_shared>>
    tpu.enqueue_indirect_dma source(%dma_start3A_427 : memref<128x16xf32, #tpu.memory_space<vmem>>) target(%dma_start3A_432 : memref<10112x16xf32, #tpu.memory_space<vmem_shared>>) offsets(%dma_start3A_429 : memref<128xi32, #tpu.memory_space<vmem>>) semaphore(%arg21 : memref<!tpu.dma_semaphore, #tpu.memory_space<semaphore_mem>>) {add = true}
    %dma_wait3A_433 = arith.constant 3 : i32
    %dma_wait3A_434 = arith.constant 0 : i32
    %dma_wait3A_435 = arith.constant 0 : i32
    %dma_wait3A_436 = tpu.memref_slice %arg8[%dma_wait3A_433, %dma_wait3A_434, %dma_wait3A_435] : memref<8x128x16xf32, #tpu.memory_space<vmem>> -> memref<1x128x16xf32, #tpu.memory_space<vmem>>
    %dma_wait3A_437 = tpu.memref_squeeze %dma_wait3A_436 : memref<1x128x16xf32, #tpu.memory_space<vmem>> -> memref<128x16xf32, #tpu.memory_space<vmem>>
    %dma_wait3A_438 = arith.constant 9600 : i32
    %dma_wait3A_439 = tpu.memref_slice %arg6[%dma_wait3A_438] : memref<10000xi32, #tpu.memory_space<vmem>> -> memref<128xi32, #tpu.memory_space<vmem>>
    %dma_wait3A_440 = arith.constant 0 : i32
    %dma_wait3A_441 = arith.constant 0 : i32
    %dma_wait3A_442 = tpu.memref_slice %arg2[%dma_wait3A_440, %dma_wait3A_441] : memref<10000x16xf32, #tpu.memory_space<hbm>> -> memref<10000x16xf32, #tpu.memory_space<hbm>>
    tpu.wait_indirect_dma semaphore(%arg14 : memref<!tpu.dma_semaphore, #tpu.memory_space<semaphore_mem>>) src(%dma_wait3A_442 : memref<10000x16xf32, #tpu.memory_space<hbm>>) dst(%dma_wait3A_437 : memref<128x16xf32, #tpu.memory_space<vmem>>)
    %dma_start3A_443 = arith.constant 3 : i32
    %dma_start3A_444 = arith.constant 0 : i32
    %dma_start3A_445 = arith.constant 0 : i32
    %dma_start3A_446 = tpu.memref_slice %arg8[%dma_start3A_443, %dma_start3A_444, %dma_start3A_445] : memref<8x128x16xf32, #tpu.memory_space<vmem>> -> memref<1x128x16xf32, #tpu.memory_space<vmem>>
    %dma_start3A_447 = tpu.memref_squeeze %dma_start3A_446 : memref<1x128x16xf32, #tpu.memory_space<vmem>> -> memref<128x16xf32, #tpu.memory_space<vmem>>
    %dma_start3A_448 = arith.constant 9600 : i32
    %dma_start3A_449 = tpu.memref_slice %arg7[%dma_start3A_448] : memref<10000xi32, #tpu.memory_space<vmem>> -> memref<128xi32, #tpu.memory_space<vmem>>
    %dma_start3A_450 = arith.constant 0 : i32
    %dma_start3A_451 = arith.constant 0 : i32
    %dma_start3A_452 = tpu.memref_slice %arg10[%dma_start3A_450, %dma_start3A_451] : memref<10112x16xf32, #tpu.memory_space<vmem_shared>> -> memref<10112x16xf32, #tpu.memory_space<vmem_shared>>
    tpu.enqueue_indirect_dma source(%dma_start3A_447 : memref<128x16xf32, #tpu.memory_space<vmem>>) target(%dma_start3A_452 : memref<10112x16xf32, #tpu.memory_space<vmem_shared>>) offsets(%dma_start3A_449 : memref<128xi32, #tpu.memory_space<vmem>>) semaphore(%arg22 : memref<!tpu.dma_semaphore, #tpu.memory_space<semaphore_mem>>) {add = true}
    %dma_wait3A_453 = arith.constant 4 : i32
    %dma_wait3A_454 = arith.constant 0 : i32
    %dma_wait3A_455 = arith.constant 0 : i32
    %dma_wait3A_456 = tpu.memref_slice %arg8[%dma_wait3A_453, %dma_wait3A_454, %dma_wait3A_455] : memref<8x128x16xf32, #tpu.memory_space<vmem>> -> memref<1x128x16xf32, #tpu.memory_space<vmem>>
    %dma_wait3A_457 = tpu.memref_squeeze %dma_wait3A_456 : memref<1x128x16xf32, #tpu.memory_space<vmem>> -> memref<128x16xf32, #tpu.memory_space<vmem>>
    %dma_wait3A_458 = arith.constant 9728 : i32
    %dma_wait3A_459 = tpu.memref_slice %arg6[%dma_wait3A_458] : memref<10000xi32, #tpu.memory_space<vmem>> -> memref<128xi32, #tpu.memory_space<vmem>>
    %dma_wait3A_460 = arith.constant 0 : i32
    %dma_wait3A_461 = arith.constant 0 : i32
    %dma_wait3A_462 = tpu.memref_slice %arg2[%dma_wait3A_460, %dma_wait3A_461] : memref<10000x16xf32, #tpu.memory_space<hbm>> -> memref<10000x16xf32, #tpu.memory_space<hbm>>
    tpu.wait_indirect_dma semaphore(%arg15 : memref<!tpu.dma_semaphore, #tpu.memory_space<semaphore_mem>>) src(%dma_wait3A_462 : memref<10000x16xf32, #tpu.memory_space<hbm>>) dst(%dma_wait3A_457 : memref<128x16xf32, #tpu.memory_space<vmem>>)
    %dma_start3A_463 = arith.constant 4 : i32
    %dma_start3A_464 = arith.constant 0 : i32
    %dma_start3A_465 = arith.constant 0 : i32
    %dma_start3A_466 = tpu.memref_slice %arg8[%dma_start3A_463, %dma_start3A_464, %dma_start3A_465] : memref<8x128x16xf32, #tpu.memory_space<vmem>> -> memref<1x128x16xf32, #tpu.memory_space<vmem>>
    %dma_start3A_467 = tpu.memref_squeeze %dma_start3A_466 : memref<1x128x16xf32, #tpu.memory_space<vmem>> -> memref<128x16xf32, #tpu.memory_space<vmem>>
    %dma_start3A_468 = arith.constant 9728 : i32
    %dma_start3A_469 = tpu.memref_slice %arg7[%dma_start3A_468] : memref<10000xi32, #tpu.memory_space<vmem>> -> memref<128xi32, #tpu.memory_space<vmem>>
    %dma_start3A_470 = arith.constant 0 : i32
    %dma_start3A_471 = arith.constant 0 : i32
    %dma_start3A_472 = tpu.memref_slice %arg10[%dma_start3A_470, %dma_start3A_471] : memref<10112x16xf32, #tpu.memory_space<vmem_shared>> -> memref<10112x16xf32, #tpu.memory_space<vmem_shared>>
    tpu.enqueue_indirect_dma source(%dma_start3A_467 : memref<128x16xf32, #tpu.memory_space<vmem>>) target(%dma_start3A_472 : memref<10112x16xf32, #tpu.memory_space<vmem_shared>>) offsets(%dma_start3A_469 : memref<128xi32, #tpu.memory_space<vmem>>) semaphore(%arg23 : memref<!tpu.dma_semaphore, #tpu.memory_space<semaphore_mem>>) {add = true}
    %dma_wait3A_473 = arith.constant 5 : i32
    %dma_wait3A_474 = arith.constant 0 : i32
    %dma_wait3A_475 = arith.constant 0 : i32
    %dma_wait3A_476 = tpu.memref_slice %arg8[%dma_wait3A_473, %dma_wait3A_474, %dma_wait3A_475] : memref<8x128x16xf32, #tpu.memory_space<vmem>> -> memref<1x128x16xf32, #tpu.memory_space<vmem>>
    %dma_wait3A_477 = tpu.memref_squeeze %dma_wait3A_476 : memref<1x128x16xf32, #tpu.memory_space<vmem>> -> memref<128x16xf32, #tpu.memory_space<vmem>>
    %dma_wait3A_478 = arith.constant 9856 : i32
    %dma_wait3A_479 = tpu.memref_slice %arg6[%dma_wait3A_478] : memref<10000xi32, #tpu.memory_space<vmem>> -> memref<128xi32, #tpu.memory_space<vmem>>
    %dma_wait3A_480 = arith.constant 0 : i32
    %dma_wait3A_481 = arith.constant 0 : i32
    %dma_wait3A_482 = tpu.memref_slice %arg2[%dma_wait3A_480, %dma_wait3A_481] : memref<10000x16xf32, #tpu.memory_space<hbm>> -> memref<10000x16xf32, #tpu.memory_space<hbm>>
    tpu.wait_indirect_dma semaphore(%arg16 : memref<!tpu.dma_semaphore, #tpu.memory_space<semaphore_mem>>) src(%dma_wait3A_482 : memref<10000x16xf32, #tpu.memory_space<hbm>>) dst(%dma_wait3A_477 : memref<128x16xf32, #tpu.memory_space<vmem>>)
    %dma_start3A_483 = arith.constant 5 : i32
    %dma_start3A_484 = arith.constant 0 : i32
    %dma_start3A_485 = arith.constant 0 : i32
    %dma_start3A_486 = tpu.memref_slice %arg8[%dma_start3A_483, %dma_start3A_484, %dma_start3A_485] : memref<8x128x16xf32, #tpu.memory_space<vmem>> -> memref<1x128x16xf32, #tpu.memory_space<vmem>>
    %dma_start3A_487 = tpu.memref_squeeze %dma_start3A_486 : memref<1x128x16xf32, #tpu.memory_space<vmem>> -> memref<128x16xf32, #tpu.memory_space<vmem>>
    %dma_start3A_488 = arith.constant 9856 : i32
    %dma_start3A_489 = tpu.memref_slice %arg7[%dma_start3A_488] : memref<10000xi32, #tpu.memory_space<vmem>> -> memref<128xi32, #tpu.memory_space<vmem>>
    %dma_start3A_490 = arith.constant 0 : i32
    %dma_start3A_491 = arith.constant 0 : i32
    %dma_start3A_492 = tpu.memref_slice %arg10[%dma_start3A_490, %dma_start3A_491] : memref<10112x16xf32, #tpu.memory_space<vmem_shared>> -> memref<10112x16xf32, #tpu.memory_space<vmem_shared>>
    tpu.enqueue_indirect_dma source(%dma_start3A_487 : memref<128x16xf32, #tpu.memory_space<vmem>>) target(%dma_start3A_492 : memref<10112x16xf32, #tpu.memory_space<vmem_shared>>) offsets(%dma_start3A_489 : memref<128xi32, #tpu.memory_space<vmem>>) semaphore(%arg24 : memref<!tpu.dma_semaphore, #tpu.memory_space<semaphore_mem>>) {add = true}
    %dma_wait3A_493 = arith.constant 6 : i32
    %dma_wait3A_494 = arith.constant 0 : i32
    %dma_wait3A_495 = arith.constant 0 : i32
    %dma_wait3A_496 = tpu.memref_slice %arg8[%dma_wait3A_493, %dma_wait3A_494, %dma_wait3A_495] : memref<8x128x16xf32, #tpu.memory_space<vmem>> -> memref<1x128x16xf32, #tpu.memory_space<vmem>>
    %dma_wait3A_497 = tpu.memref_squeeze %dma_wait3A_496 : memref<1x128x16xf32, #tpu.memory_space<vmem>> -> memref<128x16xf32, #tpu.memory_space<vmem>>
    %dma_wait3A_498 = arith.constant 8960 : i32
    %dma_wait3A_499 = tpu.memref_slice %arg7[%dma_wait3A_498] : memref<10000xi32, #tpu.memory_space<vmem>> -> memref<128xi32, #tpu.memory_space<vmem>>
    %dma_wait3A_500 = arith.constant 0 : i32
    %dma_wait3A_501 = arith.constant 0 : i32
    %dma_wait3A_502 = tpu.memref_slice %arg10[%dma_wait3A_500, %dma_wait3A_501] : memref<10112x16xf32, #tpu.memory_space<vmem_shared>> -> memref<10112x16xf32, #tpu.memory_space<vmem_shared>>
    tpu.wait_indirect_dma semaphore(%arg25 : memref<!tpu.dma_semaphore, #tpu.memory_space<semaphore_mem>>) src(%dma_wait3A_497 : memref<128x16xf32, #tpu.memory_space<vmem>>) dst(%dma_wait3A_502 : memref<10112x16xf32, #tpu.memory_space<vmem_shared>>)
    %dma_wait3A_503 = arith.constant 7 : i32
    %dma_wait3A_504 = arith.constant 0 : i32
    %dma_wait3A_505 = arith.constant 0 : i32
    %dma_wait3A_506 = tpu.memref_slice %arg8[%dma_wait3A_503, %dma_wait3A_504, %dma_wait3A_505] : memref<8x128x16xf32, #tpu.memory_space<vmem>> -> memref<1x128x16xf32, #tpu.memory_space<vmem>>
    %dma_wait3A_507 = tpu.memref_squeeze %dma_wait3A_506 : memref<1x128x16xf32, #tpu.memory_space<vmem>> -> memref<128x16xf32, #tpu.memory_space<vmem>>
    %dma_wait3A_508 = arith.constant 9088 : i32
    %dma_wait3A_509 = tpu.memref_slice %arg7[%dma_wait3A_508] : memref<10000xi32, #tpu.memory_space<vmem>> -> memref<128xi32, #tpu.memory_space<vmem>>
    %dma_wait3A_510 = arith.constant 0 : i32
    %dma_wait3A_511 = arith.constant 0 : i32
    %dma_wait3A_512 = tpu.memref_slice %arg10[%dma_wait3A_510, %dma_wait3A_511] : memref<10112x16xf32, #tpu.memory_space<vmem_shared>> -> memref<10112x16xf32, #tpu.memory_space<vmem_shared>>
    tpu.wait_indirect_dma semaphore(%arg26 : memref<!tpu.dma_semaphore, #tpu.memory_space<semaphore_mem>>) src(%dma_wait3A_507 : memref<128x16xf32, #tpu.memory_space<vmem>>) dst(%dma_wait3A_512 : memref<10112x16xf32, #tpu.memory_space<vmem_shared>>)
    %dma_wait3A_513 = arith.constant 0 : i32
    %dma_wait3A_514 = arith.constant 0 : i32
    %dma_wait3A_515 = arith.constant 0 : i32
    %dma_wait3A_516 = tpu.memref_slice %arg8[%dma_wait3A_513, %dma_wait3A_514, %dma_wait3A_515] : memref<8x128x16xf32, #tpu.memory_space<vmem>> -> memref<1x128x16xf32, #tpu.memory_space<vmem>>
    %dma_wait3A_517 = tpu.memref_squeeze %dma_wait3A_516 : memref<1x128x16xf32, #tpu.memory_space<vmem>> -> memref<128x16xf32, #tpu.memory_space<vmem>>
    %dma_wait3A_518 = arith.constant 9216 : i32
    %dma_wait3A_519 = tpu.memref_slice %arg7[%dma_wait3A_518] : memref<10000xi32, #tpu.memory_space<vmem>> -> memref<128xi32, #tpu.memory_space<vmem>>
    %dma_wait3A_520 = arith.constant 0 : i32
    %dma_wait3A_521 = arith.constant 0 : i32
    %dma_wait3A_522 = tpu.memref_slice %arg10[%dma_wait3A_520, %dma_wait3A_521] : memref<10112x16xf32, #tpu.memory_space<vmem_shared>> -> memref<10112x16xf32, #tpu.memory_space<vmem_shared>>
    tpu.wait_indirect_dma semaphore(%arg19 : memref<!tpu.dma_semaphore, #tpu.memory_space<semaphore_mem>>) src(%dma_wait3A_517 : memref<128x16xf32, #tpu.memory_space<vmem>>) dst(%dma_wait3A_522 : memref<10112x16xf32, #tpu.memory_space<vmem_shared>>)
    %dma_wait3A_523 = arith.constant 1 : i32
    %dma_wait3A_524 = arith.constant 0 : i32
    %dma_wait3A_525 = arith.constant 0 : i32
    %dma_wait3A_526 = tpu.memref_slice %arg8[%dma_wait3A_523, %dma_wait3A_524, %dma_wait3A_525] : memref<8x128x16xf32, #tpu.memory_space<vmem>> -> memref<1x128x16xf32, #tpu.memory_space<vmem>>
    %dma_wait3A_527 = tpu.memref_squeeze %dma_wait3A_526 : memref<1x128x16xf32, #tpu.memory_space<vmem>> -> memref<128x16xf32, #tpu.memory_space<vmem>>
    %dma_wait3A_528 = arith.constant 9344 : i32
    %dma_wait3A_529 = tpu.memref_slice %arg7[%dma_wait3A_528] : memref<10000xi32, #tpu.memory_space<vmem>> -> memref<128xi32, #tpu.memory_space<vmem>>
    %dma_wait3A_530 = arith.constant 0 : i32
    %dma_wait3A_531 = arith.constant 0 : i32
    %dma_wait3A_532 = tpu.memref_slice %arg10[%dma_wait3A_530, %dma_wait3A_531] : memref<10112x16xf32, #tpu.memory_space<vmem_shared>> -> memref<10112x16xf32, #tpu.memory_space<vmem_shared>>
    tpu.wait_indirect_dma semaphore(%arg20 : memref<!tpu.dma_semaphore, #tpu.memory_space<semaphore_mem>>) src(%dma_wait3A_527 : memref<128x16xf32, #tpu.memory_space<vmem>>) dst(%dma_wait3A_532 : memref<10112x16xf32, #tpu.memory_space<vmem_shared>>)
    %dma_wait3A_533 = arith.constant 2 : i32
    %dma_wait3A_534 = arith.constant 0 : i32
    %dma_wait3A_535 = arith.constant 0 : i32
    %dma_wait3A_536 = tpu.memref_slice %arg8[%dma_wait3A_533, %dma_wait3A_534, %dma_wait3A_535] : memref<8x128x16xf32, #tpu.memory_space<vmem>> -> memref<1x128x16xf32, #tpu.memory_space<vmem>>
    %dma_wait3A_537 = tpu.memref_squeeze %dma_wait3A_536 : memref<1x128x16xf32, #tpu.memory_space<vmem>> -> memref<128x16xf32, #tpu.memory_space<vmem>>
    %dma_wait3A_538 = arith.constant 9472 : i32
    %dma_wait3A_539 = tpu.memref_slice %arg7[%dma_wait3A_538] : memref<10000xi32, #tpu.memory_space<vmem>> -> memref<128xi32, #tpu.memory_space<vmem>>
    %dma_wait3A_540 = arith.constant 0 : i32
    %dma_wait3A_541 = arith.constant 0 : i32
    %dma_wait3A_542 = tpu.memref_slice %arg10[%dma_wait3A_540, %dma_wait3A_541] : memref<10112x16xf32, #tpu.memory_space<vmem_shared>> -> memref<10112x16xf32, #tpu.memory_space<vmem_shared>>
    tpu.wait_indirect_dma semaphore(%arg21 : memref<!tpu.dma_semaphore, #tpu.memory_space<semaphore_mem>>) src(%dma_wait3A_537 : memref<128x16xf32, #tpu.memory_space<vmem>>) dst(%dma_wait3A_542 : memref<10112x16xf32, #tpu.memory_space<vmem_shared>>)
    %dma_wait3A_543 = arith.constant 3 : i32
    %dma_wait3A_544 = arith.constant 0 : i32
    %dma_wait3A_545 = arith.constant 0 : i32
    %dma_wait3A_546 = tpu.memref_slice %arg8[%dma_wait3A_543, %dma_wait3A_544, %dma_wait3A_545] : memref<8x128x16xf32, #tpu.memory_space<vmem>> -> memref<1x128x16xf32, #tpu.memory_space<vmem>>
    %dma_wait3A_547 = tpu.memref_squeeze %dma_wait3A_546 : memref<1x128x16xf32, #tpu.memory_space<vmem>> -> memref<128x16xf32, #tpu.memory_space<vmem>>
    %dma_wait3A_548 = arith.constant 9600 : i32
    %dma_wait3A_549 = tpu.memref_slice %arg7[%dma_wait3A_548] : memref<10000xi32, #tpu.memory_space<vmem>> -> memref<128xi32, #tpu.memory_space<vmem>>
    %dma_wait3A_550 = arith.constant 0 : i32
    %dma_wait3A_551 = arith.constant 0 : i32
    %dma_wait3A_552 = tpu.memref_slice %arg10[%dma_wait3A_550, %dma_wait3A_551] : memref<10112x16xf32, #tpu.memory_space<vmem_shared>> -> memref<10112x16xf32, #tpu.memory_space<vmem_shared>>
    tpu.wait_indirect_dma semaphore(%arg22 : memref<!tpu.dma_semaphore, #tpu.memory_space<semaphore_mem>>) src(%dma_wait3A_547 : memref<128x16xf32, #tpu.memory_space<vmem>>) dst(%dma_wait3A_552 : memref<10112x16xf32, #tpu.memory_space<vmem_shared>>)
    %dma_wait3A_553 = arith.constant 4 : i32
    %dma_wait3A_554 = arith.constant 0 : i32
    %dma_wait3A_555 = arith.constant 0 : i32
    %dma_wait3A_556 = tpu.memref_slice %arg8[%dma_wait3A_553, %dma_wait3A_554, %dma_wait3A_555] : memref<8x128x16xf32, #tpu.memory_space<vmem>> -> memref<1x128x16xf32, #tpu.memory_space<vmem>>
    %dma_wait3A_557 = tpu.memref_squeeze %dma_wait3A_556 : memref<1x128x16xf32, #tpu.memory_space<vmem>> -> memref<128x16xf32, #tpu.memory_space<vmem>>
    %dma_wait3A_558 = arith.constant 9728 : i32
    %dma_wait3A_559 = tpu.memref_slice %arg7[%dma_wait3A_558] : memref<10000xi32, #tpu.memory_space<vmem>> -> memref<128xi32, #tpu.memory_space<vmem>>
    %dma_wait3A_560 = arith.constant 0 : i32
    %dma_wait3A_561 = arith.constant 0 : i32
    %dma_wait3A_562 = tpu.memref_slice %arg10[%dma_wait3A_560, %dma_wait3A_561] : memref<10112x16xf32, #tpu.memory_space<vmem_shared>> -> memref<10112x16xf32, #tpu.memory_space<vmem_shared>>
    tpu.wait_indirect_dma semaphore(%arg23 : memref<!tpu.dma_semaphore, #tpu.memory_space<semaphore_mem>>) src(%dma_wait3A_557 : memref<128x16xf32, #tpu.memory_space<vmem>>) dst(%dma_wait3A_562 : memref<10112x16xf32, #tpu.memory_space<vmem_shared>>)
    %dma_wait3A_563 = arith.constant 5 : i32
    %dma_wait3A_564 = arith.constant 0 : i32
    %dma_wait3A_565 = arith.constant 0 : i32
    %dma_wait3A_566 = tpu.memref_slice %arg8[%dma_wait3A_563, %dma_wait3A_564, %dma_wait3A_565] : memref<8x128x16xf32, #tpu.memory_space<vmem>> -> memref<1x128x16xf32, #tpu.memory_space<vmem>>
    %dma_wait3A_567 = tpu.memref_squeeze %dma_wait3A_566 : memref<1x128x16xf32, #tpu.memory_space<vmem>> -> memref<128x16xf32, #tpu.memory_space<vmem>>
    %dma_wait3A_568 = arith.constant 9856 : i32
    %dma_wait3A_569 = tpu.memref_slice %arg7[%dma_wait3A_568] : memref<10000xi32, #tpu.memory_space<vmem>> -> memref<128xi32, #tpu.memory_space<vmem>>
    %dma_wait3A_570 = arith.constant 0 : i32
    %dma_wait3A_571 = arith.constant 0 : i32
    %dma_wait3A_572 = tpu.memref_slice %arg10[%dma_wait3A_570, %dma_wait3A_571] : memref<10112x16xf32, #tpu.memory_space<vmem_shared>> -> memref<10112x16xf32, #tpu.memory_space<vmem_shared>>
    tpu.wait_indirect_dma semaphore(%arg24 : memref<!tpu.dma_semaphore, #tpu.memory_space<semaphore_mem>>) src(%dma_wait3A_567 : memref<128x16xf32, #tpu.memory_space<vmem>>) dst(%dma_wait3A_572 : memref<10112x16xf32, #tpu.memory_space<vmem_shared>>)
    "tpu.region"() ({
      %run_scoped3A_578 = tpu.sem_alloc : memref<!tpu.dma_semaphore, #tpu.memory_space<semaphore_mem>>
      %dma_start3A_579 = arith.constant 9984 : i32
      %dma_start3A_580 = tpu.memref_slice %arg6[%dma_start3A_579] : memref<10000xi32, #tpu.memory_space<vmem>> -> memref<16xi32, #tpu.memory_space<vmem>>
      %dma_start3A_581 = arith.constant 0 : i32
      %dma_start3A_582 = arith.constant 0 : i32
      %dma_start3A_583 = tpu.memref_slice %arg2[%dma_start3A_581, %dma_start3A_582] : memref<10000x16xf32, #tpu.memory_space<hbm>> -> memref<10000x16xf32, #tpu.memory_space<hbm>>
      tpu.enqueue_indirect_dma source(%dma_start3A_583 : memref<10000x16xf32, #tpu.memory_space<hbm>>) target(%arg9 : memref<16x16xf32, #tpu.memory_space<vmem>>) offsets(%dma_start3A_580 : memref<16xi32, #tpu.memory_space<vmem>>) semaphore(%run_scoped3A_578 : memref<!tpu.dma_semaphore, #tpu.memory_space<semaphore_mem>>)
      %dma_wait3A_584 = arith.constant 9984 : i32
      %dma_wait3A_585 = tpu.memref_slice %arg6[%dma_wait3A_584] : memref<10000xi32, #tpu.memory_space<vmem>> -> memref<16xi32, #tpu.memory_space<vmem>>
      %dma_wait3A_586 = arith.constant 0 : i32
      %dma_wait3A_587 = arith.constant 0 : i32
      %dma_wait3A_588 = tpu.memref_slice %arg2[%dma_wait3A_586, %dma_wait3A_587] : memref<10000x16xf32, #tpu.memory_space<hbm>> -> memref<10000x16xf32, #tpu.memory_space<hbm>>
      tpu.wait_indirect_dma semaphore(%run_scoped3A_578 : memref<!tpu.dma_semaphore, #tpu.memory_space<semaphore_mem>>) src(%dma_wait3A_588 : memref<10000x16xf32, #tpu.memory_space<hbm>>) dst(%arg9 : memref<16x16xf32, #tpu.memory_space<vmem>>)
      tpu.yield
    }) : () -> ()
    "tpu.region"() ({
      %run_scoped3A_578 = tpu.sem_alloc : memref<!tpu.dma_semaphore, #tpu.memory_space<semaphore_mem>>
      %dma_start3A_579 = arith.constant 9984 : i32
      %dma_start3A_580 = tpu.memref_slice %arg7[%dma_start3A_579] : memref<10000xi32, #tpu.memory_space<vmem>> -> memref<16xi32, #tpu.memory_space<vmem>>
      %dma_start3A_581 = arith.constant 0 : i32
      %dma_start3A_582 = arith.constant 0 : i32
      %dma_start3A_583 = tpu.memref_slice %arg10[%dma_start3A_581, %dma_start3A_582] : memref<10112x16xf32, #tpu.memory_space<vmem_shared>> -> memref<10112x16xf32, #tpu.memory_space<vmem_shared>>
      tpu.enqueue_indirect_dma source(%arg9 : memref<16x16xf32, #tpu.memory_space<vmem>>) target(%dma_start3A_583 : memref<10112x16xf32, #tpu.memory_space<vmem_shared>>) offsets(%dma_start3A_580 : memref<16xi32, #tpu.memory_space<vmem>>) semaphore(%run_scoped3A_578 : memref<!tpu.dma_semaphore, #tpu.memory_space<semaphore_mem>>) {add = true}
      %dma_wait3A_584 = arith.constant 9984 : i32
      %dma_wait3A_585 = tpu.memref_slice %arg7[%dma_wait3A_584] : memref<10000xi32, #tpu.memory_space<vmem>> -> memref<16xi32, #tpu.memory_space<vmem>>
      %dma_wait3A_586 = arith.constant 0 : i32
      %dma_wait3A_587 = arith.constant 0 : i32
      %dma_wait3A_588 = tpu.memref_slice %arg10[%dma_wait3A_586, %dma_wait3A_587] : memref<10112x16xf32, #tpu.memory_space<vmem_shared>> -> memref<10112x16xf32, #tpu.memory_space<vmem_shared>>
      tpu.wait_indirect_dma semaphore(%run_scoped3A_578 : memref<!tpu.dma_semaphore, #tpu.memory_space<semaphore_mem>>) src(%arg9 : memref<16x16xf32, #tpu.memory_space<vmem>>) dst(%dma_wait3A_588 : memref<10112x16xf32, #tpu.memory_space<vmem_shared>>)
      tpu.yield
    }) : () -> ()
    %barrier3A_573 = arith.constant 0 : index
    tpu.barrier barrier_id(%barrier3A_573)
    %mul3A_574 = arith.constant 632 : i32
    %mul3A_575 = arith.muli %arg1, %mul3A_574 : i32
    %mul3A_576 = arith.constant 632 : i32
    %mul3A_577 = arith.muli %arg1, %mul3A_576 : i32
    "tpu.region"() ({
      %run_scoped3A_578 = tpu.sem_alloc : memref<!tpu.dma_semaphore, #tpu.memory_space<semaphore_mem>>
      %dma_start3A_579 = arith.constant 0 : i32
      %dma_start3A_580 = tpu.memref_slice %arg5[%arg0, %mul3A_577, %dma_start3A_579] : memref<2x10112x16xf32, #tpu.memory_space<hbm>> -> memref<1x632x16xf32, #tpu.memory_space<hbm>>
      %dma_start3A_581 = tpu.memref_squeeze %dma_start3A_580 : memref<1x632x16xf32, #tpu.memory_space<hbm>> -> memref<632x16xf32, #tpu.memory_space<hbm>>
      %dma_start3A_582 = arith.constant 0 : i32
      %dma_start3A_583 = tpu.memref_slice %arg10[%mul3A_575, %dma_start3A_582] : memref<10112x16xf32, #tpu.memory_space<vmem_shared>> -> memref<632x16xf32, #tpu.memory_space<vmem_shared>>
      tpu.enqueue_dma source(%dma_start3A_583 : memref<632x16xf32, #tpu.memory_space<vmem_shared>>) target(%dma_start3A_581 : memref<632x16xf32, #tpu.memory_space<hbm>>) target_semaphore(%run_scoped3A_578 : memref<!tpu.dma_semaphore, #tpu.memory_space<semaphore_mem>>)
      %dma_wait3A_584 = arith.constant 0 : i32
      %dma_wait3A_585 = tpu.memref_slice %arg5[%arg0, %mul3A_577, %dma_wait3A_584] : memref<2x10112x16xf32, #tpu.memory_space<hbm>> -> memref<1x632x16xf32, #tpu.memory_space<hbm>>
      %dma_wait3A_586 = tpu.memref_squeeze %dma_wait3A_585 : memref<1x632x16xf32, #tpu.memory_space<hbm>> -> memref<632x16xf32, #tpu.memory_space<hbm>>
      %dma_wait3A_587 = arith.constant 0 : i32
      %dma_wait3A_588 = tpu.memref_slice %arg10[%mul3A_575, %dma_wait3A_587] : memref<10112x16xf32, #tpu.memory_space<vmem_shared>> -> memref<632x16xf32, #tpu.memory_space<vmem_shared>>
      tpu.wait_dma2 semaphore(%run_scoped3A_578 : memref<!tpu.dma_semaphore, #tpu.memory_space<semaphore_mem>>) src(%dma_wait3A_588 : memref<632x16xf32, #tpu.memory_space<vmem_shared>>) dst(%dma_wait3A_586 : memref<632x16xf32, #tpu.memory_space<hbm>>)
      tpu.yield
    }) : () -> ()
    return
  }
}

module attributes {stable_mosaic.version = 14 : i64} {
  func.func @_enc_body(%arg0: memref<10000x128xf32, #tpu.memory_space<vmem>>, %arg1: memref<128x16xf32, #tpu.memory_space<vmem>>, %arg2: memref<2x10000xf32, #tpu.memory_space<vmem>>, %arg3: memref<10000x16xf32, #tpu.memory_space<vmem>>) attributes {dimension_semantics = [], scalar_prefetch = 0 : i64, scratch_operands = 0 : i64, tpu.core_type = #tpu.core_type<tc>} {
    %get3A = arith.constant 0 : index
    %get3A_0 = arith.constant 0 : index
    %get3A_1 = vector.load %arg2[%get3A, %get3A_0] : memref<2x10000xf32, #tpu.memory_space<vmem>>, vector<1x10000xf32>
    %get3A_2 = vector.shape_cast %get3A_1 : vector<1x10000xf32> to vector<10000xf32>
    %get3A_3 = arith.constant 1 : index
    %get3A_4 = arith.constant 0 : index
    %get3A_5 = vector.load %arg2[%get3A_3, %get3A_4] : memref<2x10000xf32, #tpu.memory_space<vmem>>, vector<1x10000xf32>
    %get3A_6 = vector.shape_cast %get3A_5 : vector<1x10000xf32> to vector<10000xf32>
    %add3A = arith.addf %get3A_2, %get3A_6 : vector<10000xf32>
    %add3A_7 = arith.constant 1.000000e+00 : f32
    %add3A_8 = vector.broadcast %add3A_7 : f32 to vector<10000xf32>
    %add3A_9 = arith.addf %add3A, %add3A_8 : vector<10000xf32>
    %rsqrt3A = math.rsqrt %add3A_9 : vector<10000xf32>
    %broadcast_in_dim3A = vector.shape_cast %rsqrt3A : vector<10000xf32> to vector<10000x1xf32>
    %get3A_10 = arith.constant 0 : index
    %get3A_11 = arith.constant 0 : index
    %get3A_12 = vector.load %arg0[%get3A_10, %get3A_11] : memref<10000x128xf32, #tpu.memory_space<vmem>>, vector<10000x128xf32>
    %get3A_13 = arith.constant 0 : index
    %get3A_14 = arith.constant 0 : index
    %get3A_15 = vector.load %arg1[%get3A_13, %get3A_14] : memref<128x16xf32, #tpu.memory_space<vmem>>, vector<128x16xf32>
    %dot_general3A = arith.constant dense<0.000000e+00> : vector<10000x16xf32>
    %dot_general3A_16 = tpu.matmul %get3A_12, %get3A_15, %dot_general3A {dimension_numbers = #tpu.dot_dimension_numbers<[1], [0], [0], [1], [0, 0, 1, 1], [], []>, transpose_lhs_hint = false} : vector<10000x128xf32>, vector<128x16xf32>, vector<10000x16xf32> -> vector<10000x16xf32>
    %mul3A = vector.broadcast %broadcast_in_dim3A : vector<10000x1xf32> to vector<10000x16xf32>
    %mul3A_17 = arith.mulf %dot_general3A_16, %mul3A : vector<10000x16xf32>
    %swap3A = arith.constant 0 : index
    %swap3A_18 = arith.constant 0 : index
    %swap3A_19 = vector.load %arg3[%swap3A, %swap3A_18] : memref<10000x16xf32, #tpu.memory_space<vmem>>, vector<10000x16xf32>
    tpu.vector_store %arg3[%swap3A, %swap3A_18], %mul3A_17 {strides = array<i32>} : memref<10000x16xf32, #tpu.memory_space<vmem>>, vector<10000x16xf32>,
    return
  }
}

module attributes {stable_mosaic.version = 14 : i64} {
  func.func @_dec_body(%arg0: memref<2x10112x16xf32, #tpu.memory_space<vmem>>, %arg1: memref<10000x16xf32, #tpu.memory_space<vmem>>, %arg2: memref<2x10000xf32, #tpu.memory_space<vmem>>, %arg3: memref<1x16xf32, #tpu.memory_space<vmem>>, %arg4: memref<16x128xf32, #tpu.memory_space<vmem>>, %arg5: memref<1x128xf32, #tpu.memory_space<vmem>>, %arg6: memref<10000x128xf32, #tpu.memory_space<vmem>>, %arg7: memref<10000x16xf32, #tpu.memory_space<vmem>>) attributes {dimension_semantics = [], scalar_prefetch = 0 : i64, scratch_operands = 0 : i64, tpu.core_type = #tpu.core_type<tc>} {
    %get3A = arith.constant 0 : index
    %get3A_0 = arith.constant 0 : index
    %get3A_1 = vector.load %arg2[%get3A, %get3A_0] : memref<2x10000xf32, #tpu.memory_space<vmem>>, vector<1x10000xf32>
    %get3A_2 = vector.shape_cast %get3A_1 : vector<1x10000xf32> to vector<10000xf32>
    %get3A_3 = arith.constant 1 : index
    %get3A_4 = arith.constant 0 : index
    %get3A_5 = vector.load %arg2[%get3A_3, %get3A_4] : memref<2x10000xf32, #tpu.memory_space<vmem>>, vector<1x10000xf32>
    %get3A_6 = vector.shape_cast %get3A_5 : vector<1x10000xf32> to vector<10000xf32>
    %add3A = arith.addf %get3A_2, %get3A_6 : vector<10000xf32>
    %add3A_7 = arith.constant 1.000000e+00 : f32
    %add3A_8 = vector.broadcast %add3A_7 : f32 to vector<10000xf32>
    %add3A_9 = arith.addf %add3A, %add3A_8 : vector<10000xf32>
    %rsqrt3A = math.rsqrt %add3A_9 : vector<10000xf32>
    %broadcast_in_dim3A = vector.shape_cast %rsqrt3A : vector<10000xf32> to vector<10000x1xf32>
    %get3A_10 = arith.constant 0 : index
    %get3A_11 = arith.constant 0 : index
    %get3A_12 = arith.constant 0 : index
    %get3A_13 = vector.load %arg0[%get3A_10, %get3A_11, %get3A_12] : memref<2x10112x16xf32, #tpu.memory_space<vmem>>, vector<1x10000x16xf32>
    %get3A_14 = vector.shape_cast %get3A_13 : vector<1x10000x16xf32> to vector<10000x16xf32>
    %get3A_15 = arith.constant 1 : index
    %get3A_16 = arith.constant 0 : index
    %get3A_17 = arith.constant 0 : index
    %get3A_18 = vector.load %arg0[%get3A_15, %get3A_16, %get3A_17] : memref<2x10112x16xf32, #tpu.memory_space<vmem>>, vector<1x10000x16xf32>
    %get3A_19 = vector.shape_cast %get3A_18 : vector<1x10000x16xf32> to vector<10000x16xf32>
    %add3A_20 = arith.addf %get3A_14, %get3A_19 : vector<10000x16xf32>
    %get3A_21 = arith.constant 0 : index
    %get3A_22 = arith.constant 0 : index
    %get3A_23 = vector.load %arg1[%get3A_21, %get3A_22] : memref<10000x16xf32, #tpu.memory_space<vmem>>, vector<10000x16xf32>
    %add3A_24 = arith.addf %add3A_20, %get3A_23 : vector<10000x16xf32>
    %mul3A = vector.broadcast %broadcast_in_dim3A : vector<10000x1xf32> to vector<10000x16xf32>
    %mul3A_25 = arith.mulf %add3A_24, %mul3A : vector<10000x16xf32>
    %get3A_26 = arith.constant 0 : index
    %get3A_27 = arith.constant 0 : index
    %get3A_28 = vector.load %arg3[%get3A_26, %get3A_27] : memref<1x16xf32, #tpu.memory_space<vmem>>, vector<1x16xf32>
    %add3A_29 = vector.broadcast %get3A_28 : vector<1x16xf32> to vector<10000x16xf32>
    %add3A_30 = arith.addf %mul3A_25, %add3A_29 : vector<10000x16xf32>
    %max3A = arith.constant 0.000000e+00 : f32
    %max3A_31 = vector.broadcast %max3A : f32 to vector<10000x16xf32>
    %max3A_32 = arith.maximumf %add3A_30, %max3A_31 : vector<10000x16xf32>
    %swap3A = arith.constant 0 : index
    %swap3A_33 = arith.constant 0 : index
    %swap3A_34 = vector.load %arg7[%swap3A, %swap3A_33] : memref<10000x16xf32, #tpu.memory_space<vmem>>, vector<10000x16xf32>
    tpu.vector_store %arg7[%swap3A, %swap3A_33], %max3A_32 {strides = array<i32>} : memref<10000x16xf32, #tpu.memory_space<vmem>>, vector<10000x16xf32>,
    %get3A_35 = arith.constant 0 : index
    %get3A_36 = arith.constant 0 : index
    %get3A_37 = vector.load %arg4[%get3A_35, %get3A_36] : memref<16x128xf32, #tpu.memory_space<vmem>>, vector<16x128xf32>
    %dot_general3A = arith.constant dense<0.000000e+00> : vector<10000x128xf32>
    %dot_general3A_38 = tpu.matmul %max3A_32, %get3A_37, %dot_general3A {dimension_numbers = #tpu.dot_dimension_numbers<[1], [0], [0], [1], [0, 0, 1, 1], [], []>, transpose_lhs_hint = false} : vector<10000x16xf32>, vector<16x128xf32>, vector<10000x128xf32> -> vector<10000x128xf32>
    %get3A_39 = arith.constant 0 : index
    %get3A_40 = arith.constant 0 : index
    %get3A_41 = vector.load %arg5[%get3A_39, %get3A_40] : memref<1x128xf32, #tpu.memory_space<vmem>>, vector<1x128xf32>
    %add3A_42 = vector.broadcast %get3A_41 : vector<1x128xf32> to vector<10000x128xf32>
    %add3A_43 = arith.addf %dot_general3A_38, %add3A_42 : vector<10000x128xf32>
    %swap3A_44 = arith.constant 0 : index
    %swap3A_45 = arith.constant 0 : index
    %swap3A_46 = vector.load %arg6[%swap3A_44, %swap3A_45] : memref<10000x128xf32, #tpu.memory_space<vmem>>, vector<10000x128xf32>
    tpu.vector_store %arg6[%swap3A_44, %swap3A_45], %add3A_43 {strides = array<i32>} : memref<10000x128xf32, #tpu.memory_space<vmem>>, vector<10000x128xf32>,
    return
  }
}

</mosaic_0001>

<sc_bundles>
// kernel: kernel.6.cloned.1.call-start
scs
__scs_entry_jumppad:
0x0: {  	(pc) =	sbr.rel $0x88, $3  }
0x1: {  	(tag) =	ssettag $0x0;
	lr =	simm.s32 $0x1  }
0x2: {  	[smem:$0x3F9B] =	sst lr;
	_ =	strace $0xD0000000  }
0x3: {  	_ = 	snop  }
0x4: {  	_ = 	snop  }
0x5: {  	_ = 	snop  }
0x6: {  	_ = 	snop  }
0x7: {  	_ = 	snop  }
__scs_overlays_trampoline_lowered:
0x8: {  	[smem:$0x3FAA] =	sst s0  }
0x9: {  	[smem:$0x3FAB] =	sst s1  }
0xa: {  	[smem:$0x3FAC] =	sst s2  }
0xb: {  	[smem:$0x3FAD] =	sst s3  }
0xc: {  	[smem:$0x3FAE] =	sst s4  }
0xd: {  	[smem:$0x3FAF] =	sst s5  }
0xe: {  	[smem:$0x3FB0] =	sst s6  }
0xf: {  	[smem:$0x3FB1] =	sst s7  }
0x10: {  	[smem:$0x3FB2] =	sst s8  }
0x11: {  	[smem:$0x3FB3] =	sst s9;
	s0 =	simm.s32 @!p0 $0x0  }
0x12: {  	s1 =	sld [smem:$0x3F99];
	s0 =	simm.s32 @p0 $0x1  }
0x13: {  	[smem:$0x3FB4] =	sst s0;
	s0 =	simm.s32 @!p1 $0x0  }
0x14: {  	s2 =	sld [smem:$0x3F98];
	s0 =	simm.s32 @p1 $0x1  }
0x15: {  	[smem:$0x3FB5] =	sst s0;
	s0 =	simm.s32 @!p2 $0x0  }
0x16: {  	s3 =	sld [smem:$0x3FDB];
	s0 =	simm.s32 @p2 $0x1  }
0x17: {  	s4 =	simm.s32 $0x1BF5;
	[smem:$0x3FB7] =	sst s0  }
0x18: {  	s0 =	sld [smem:$0x3F9A];
	_ =	swait.ge [sflag:s4], $0x0  }
0x19: {  	s7 =	sld [smem:$0x3F9B]  }
0x1a: {  	s8 =	sadd.s32 $0xFFFFE003, lr  }
0x1b: {  	s9 =	sadd.s32 $0xFFFFFEF7, lr;
	s5 =	simm.s32 $0xFFFFFFFF;
	p2 =	slt.u32 s8, $0xFFFFF086  }
0x1c: {  	p1 =	slt.u32 s9, $0xF7A;
	s5 =	simm.s32 @!p2 $0x0  }
0x1d: {  	s5 =	simm.s32 @p1 $0x1;
	p0 =	seq.s32 s7, s2  }
0x1e: {  	s7 =	smul.u32 @!p0 $0xF7A, s2;
	p2 =	seq.s32 @!p0 s5, $0x0  }
0x1f: {  	s9 =	smul.u32 $0xF7A, s1;
	s8 =	simm.s32 @!p0 $0x1BF5;
	p2 =	por !p2, p0  }
0x20: {  	[sflag:s8] =	ssyncset.s32 @!p0 $0xFFFFF086;
	s6 =	sadd.s32 @!p0 s3, s7;
	s7 =	simm.s32 @!p0 $0x108  }
0x21: {  	s3 =	sadd.s32 s3, s9;
	s6 =	sadd.s32 @!p0 $0x88, s6;
	s7 =	simm.s32 @p2 $0x1082  }
0x22: {  	[simem:s7], [sflag:s8] =	dma.local @!p0 [hbm:s6], $0xF7A  }
0x23: {  	s9 =	sor.u32 $0xD0000000, s2;
	s6 =	simm.s32 $0x108;
	_ =	swait.ge @!p0 [sflag:s8], $0x0  }
0x24: {  	s3 =	sadd.s32 $0x88, s3;
	s6 =	simm.s32 @!p1 $0x1082;
	[sflag:s4] =	ssyncset.s32 $0xFFFFF086  }
0x25: {  	[simem:s6], [sflag:s4] =	dma.local [hbm:s3], $0xF7A  }
0x26: {  	[smem:$0x3F9B] =	sst s1;
	(tag) =	ssettag s2;
	_ =	strace s9  }
0x27: {  	s1 =	sld [smem:$0x3FAB]  }
0x28: {  	s2 =	sld [smem:$0x3FAC]  }
0x29: {  	s4 =	sld [smem:$0x3FAE]  }
0x2a: {  	p0 =	seq.s32 s5, $0x0;
	s5 =	sld [smem:$0x3FAF]  }
0x2b: {  	s6 =	sld [smem:$0x3FB0]  }
0x2c: {  	s7 =	sld [smem:$0x3FB1]  }
0x2d: {  	s3 =	simm.s32 $0x108;
	s8 =	sld [smem:$0x3FB2]  }
0x2e: {  	s3 =	simm.s32 @!p0 $0x1082;
	s9 =	sld [smem:$0x3FB3]  }
0x2f: {  	lr =	sadd.s32 s0, s3;
	s0 =	sld [smem:$0x3FAA]  }
0x30: {  	s3 =	sld [smem:$0x3FAD]  }
0x31: {  	[smem:$0x3FB6] =	sst s10  }
0x32: {  	s10 =	sld [smem:$0x3FB4];
	_ =	sdelay $0x3  }
0x33: {  	p0 =	seq.s32 s10, $0x1;
	s10 =	sld [smem:$0x3FB6];
	_ =	sdelay $0x3  }
0x34: {  	[smem:$0x3FB6] =	sst s10  }
0x35: {  	s10 =	sld [smem:$0x3FB5];
	_ =	sdelay $0x3  }
0x36: {  	p1 =	seq.s32 s10, $0x1;
	s10 =	sld [smem:$0x3FB6];
	_ =	sdelay $0x3  }
0x37: {  	[smem:$0x3FB6] =	sst s10  }
0x38: {  	s10 =	sld [smem:$0x3FB7]  }
0x39: {  	_ = 	snop;
	(pc) =	sbr.ind lr, $3  }
0x3a: {  	_ = 	snop  }
0x3b: {  	_ = 	snop  }
0x3c: {  	p2 =	seq.s32 s10, $0x1;
	s10 =	sld [smem:$0x3FB6]  }
0x3d: {  	_ =	shalt  }
0x3e: {  	_ =	shalt  }
0x3f: {  	_ =	shalt  }
0x40: {  	_ =	shalt  }
0x41: {  	_ =	shalt  }
0x42: {  	_ =	shalt  }
0x43: {  	_ =	shalt  }
0x44: {  	_ =	shalt  }
0x45: {  	_ =	shalt  }
0x46: {  	_ =	shalt  }
0x47: {  	_ =	shalt  }
0x48: {  	_ =	shalt  }
0x49: {  	_ =	shalt  }
0x4a: {  	_ =	shalt  }
0x4b: {  	_ =	shalt  }
0x4c: {  	_ =	shalt  }
0x4d: {  	_ =	shalt  }
0x4e: {  	_ =	shalt  }
0x4f: {  	_ =	shalt  }
0x50: {  	_ =	shalt  }
0x51: {  	_ =	shalt  }
0x52: {  	_ =	shalt  }
0x53: {  	_ =	shalt  }
0x54: {  	_ =	shalt  }
0x55: {  	_ =	shalt  }
0x56: {  	_ =	shalt  }
0x57: {  	_ =	shalt  }
0x58: {  	_ =	shalt  }
0x59: {  	_ =	shalt  }
0x5a: {  	_ =	shalt  }
0x5b: {  	_ =	shalt  }
0x5c: {  	_ =	shalt  }
0x5d: {  	_ =	shalt  }
0x5e: {  	_ =	shalt  }
0x5f: {  	_ =	shalt  }
0x60: {  	_ =	shalt  }
0x61: {  	_ =	shalt  }
0x62: {  	_ =	shalt  }
0x63: {  	_ =	shalt  }
0x64: {  	_ =	shalt  }
0x65: {  	_ =	shalt  }
0x66: {  	_ =	shalt  }
0x67: {  	_ =	shalt  }
0x68: {  	_ =	shalt  }
0x69: {  	_ =	shalt  }
0x6a: {  	_ =	shalt  }
0x6b: {  	_ =	shalt  }
0x6c: {  	_ =	shalt  }
0x6d: {  	_ =	shalt  }
0x6e: {  	_ =	shalt  }
0x6f: {  	_ =	shalt  }
0x70: {  	_ =	shalt  }
0x71: {  	_ =	shalt  }
0x72: {  	_ =	shalt  }
0x73: {  	_ =	shalt  }
0x74: {  	_ =	shalt  }
0x75: {  	_ =	shalt  }
0x76: {  	_ =	shalt  }
0x77: {  	_ =	shalt  }
0x78: {  	_ =	shalt  }
0x79: {  	_ =	shalt  }
0x7a: {  	_ =	shalt  }
0x7b: {  	_ =	shalt  }
0x7c: {  	_ =	shalt  }
0x7d: {  	_ =	shalt  }
0x7e: {  	_ =	shalt  }
0x7f: {  	_ =	shalt  }
0x80: {  	_ =	shalt  }
0x81: {  	_ =	shalt  }
0x82: {  	_ =	shalt  }
0x83: {  	_ =	shalt  }
0x84: {  	_ =	shalt  }
0x85: {  	_ =	shalt  }
0x86: {  	_ =	shalt  }
0x87: {  	_ =	shalt  }
.Lfunc_end0:
.L_simem_size_0:
called_computation_lowered:
.L_overlay_start_0:
0x88: {  	s2 =	sld [smem:$0x3FD9]  }
0x89: {  	s3 =	sld [smem:$0x3FFE];
	_ =	sdelay $0x1  }
0x8a: {  	s1 =	srdreg.scid  }
0x8b: {  	s0 =	sand.u32 $0x1, s1  }
0x8c: {  	s14 =	sshll.u32 s0, $0xA;
	s2 =	sadd.s32 s3, s2  }
0x8d: {  	s2 =	sadd.s32 s2, s14  }
0x8e: {  	[smem:$0x3FC2] =	sst s2  }
0x8f: {  	_ = 	snop  }
0x90: {  	s2 =	sld [smem:$0x3FD0];
	_ =	sdelay $0x2  }
0x91: {  	s15 =	simm.s32 $0xA;
	s4 =	simm.s32 $0x10  }
0x92: {  	[smem:s4], [sflag:s15] =	dma.local [hbm:s2], $0x1  }
0x93: {  	_ =	swait.eq [sflag:s15], $0x1  }
0x94: {  	[sflag:s15] =	ssyncset.done $0x0  }
0x95: {  	s16 =	sld [smem:$0x10];
	[sflag:s15] =	ssyncadd.s32 $0xFFFFFFFF  }
0x96: {  	s17 =	sld [smem:$0x11];
	(tm) =	ssettm $0x1  }
0x97: {  	s18 =	sld [smem:$0x3FFB];
	_ =	sdelay $0x3  }
0x98: {  	_ =	strace s18  }
0x99: {  	s4 =	sld [smem:$0x3FFC];
	_ =	sdelay $0x3  }
0x9a: {  	_ =	strace s4  }
0x9b: {  	s4 =	sld [smem:$0x3FFD];
	_ =	sdelay $0x3  }
0x9c: {  	_ =	strace s4  }
0x9d: {  	_ =	strace $0x8FFFFFFF  }
0x9e: {  	s19 =	sld [smem:$0x3FDB];
	_ =	sdelay $0x1  }
0x9f: {  	s5 =	simm.s32 $_scs_section_size  }
0xa0: {  	s6 =	simm.s32 $_size__tile_overlayer_lowered;
	s7 =	simm.s32 $_tile_overlayer_lowered  }
0xa1: {  	s22 =	simm.s32 $0x1BFF;
	s21 =	sshll.u32 s7, $0x1;
	s4 =	sadd.s32 s5, s19  }
0xa2: {  	s8 =	simm.s32 $0x0;
	s20 =	sshll.u32 s6, $0x1;
	s6 =	sadd.s32 s21, s4  }
0xa3: {  	[timem:s8], [sflag:s22] =	dma.local [hbm:s6], s20  }
0xa4: {  	_ =	swait.ge [sflag:s22], s20  }
0xa5: {  	s5 =	ssub.s32 $0x0, s20;
	[sflag:s22] =	ssyncset.done $0x0  }
0xa6: {  	[sflag:s22] =	ssyncadd.s32 s5;
	_ =	sdelay $0x1  }
0xa7: {  	s23 =	simm.s32 $0x1B8B  }
0xa8: {  	_ =	swait.ge [sflag:s23], $0x1  }
0xa9: {  	[sflag:s23] =	ssyncset.done $0x0  }
0xaa: {  	s25 =	simm.s32 $0x1B8E;
	s24 =	sld [smem:$0x3FFE];
	[sflag:s23] =	ssyncadd.s32 $0xFFFFFFFF  }
0xab: {  	s26 =	simm.s32 $execute0_lowered;
	[smem:$0x3FD2] =	sst s25  }
0xac: {  	s6 =	sshll.u32 s26, $0x1;
	_ =	strace $0x80000046;
	[dreg:$0x1] =	wrdreg $0xFFFFFFFF  }
0xad: {  	s28 =	simm.s32 $_size_execute0_lowered;
	s4 =	sadd.s32 s4, s6;
	[dreg:$0x0] =	wrdreg $0x0  }
0xae: {  	s6 =	sshll.u32 s28, $0x1;
	[dreg:$0x2] =	wrdreg s4  }
0xaf: {  	[dreg:$0x3] =	wrdreg s6  }
0xb0: {  	[dreg:$0x4] =	wrdreg $0xC0  }
0xb1: {  	_ =	task [dreg:s8], $0x5FFFF  }
0xb2: {  	[dreg:$0x1] =	wrdreg $0xFFFFFFFF  }
0xb3: {  	[dreg:$0x0] =	wrdreg $0x60  }
0xb4: {  	[dreg:$0x2] =	wrdreg s16  }
0xb5: {  	[dreg:$0x3] =	wrdreg s24  }
0xb6: {  	[dreg:$0x4] =	wrdreg s17  }
0xb7: {  	[dreg:$0x5] =	wrdreg $0x27900  }
0xb8: {  	[dreg:$0x6] =	wrdreg $0x9  }
0xb9: {  	_ =	task.clear_ibuf [dreg:s8], $0x7FFFF;
	_ =	strace $0x90000046  }
0xba: {  	s29 =	simm.s32 $0x9;
	_ =	strace $0x80000048  }
0xbb: {  	_ =	swait.ge [sflag:s29], $0x1  }
0xbc: {  	[sflag:s29] =	ssyncadd.s32 $0xFFFFFFFF  }
0xbd: {  	_ =	strace $0x90000048  }
0xbe: {  	_ =	sfence  }
0xbf: {  	s30 =	sld [smem:$0x0];
	_ =	sdelay $0x2  }
0xc0: {  	s31 =	sshll.u32 s1, $0xD;
	s1 =	sshrl.u32 s1, $0x2  }
0xc1: {  	s3 =	sand.u32 $0x4000, s31;
	s1 =	sadd.s32 s1, s30  }
0xc2: {  	s0 =	sor.u32 s3, s0;
	s1 =	sshll.u32 s1, $0x11  }
0xc3: {  	s0 =	sor.u32 s1, s0  }
0xc4: {  	s0 =	sadd.s32 $0x8F2B, s0  }
0xc5: {  	[sflag:s0] =	ssyncadd.remote.s32 $0x1  }
0xc6: {  	_ =	sfence.sel $0xFFFF  }
0xc7: {  	[dreg:$0x0] =	wrdreg $0xFFFFFFFF;
	(pc) =	sbr.abs _section_cstart, $3  }
0xc8: {  	[dreg:$0x1] =	wrdreg $0xFFFFFFFF  }
0xc9: {  	_ =	task.clear_ibuf [dreg:s8], $0x2FFFF;
	_ =	strace $0x9FFFFFFF  }
0xca: {  	(tm) =	ssettm $0x7FFFFFFF  }
0xcb: {  	_ =	shalt  }
tec
execute0_lowered:
.L_overlay_start_1:
0x0: {  	(tag) =	ssettag $0x1  }
0x1: {  	s4 =	rddreg [dreg:$0x0]  }
0x2: {  	s5 =	rddreg [dreg:$0x1]  }
0x3: {  	s7 =	rddreg [dreg:$0x2]  }
0x4: {  	s1 =	rddreg [dreg:$0x3]  }
0x5: {  	s0 =	rddreg [dreg:$0x4]  }
0x6: {  	s2 =	simm.s32 $0x0;
	s15 =	stileid.u32;
	s3 =	srdreg.scid  }
0x7: {  	s12 =	simm.s32 $0x80;
	s13 =	simm.s32 $0x10;
	s14 =	simm.s32 $0x2700  }
0x8: {  	s17 =	simm.s32 $0x0;
	[smem:$0x7FF] =	sst s2;
	s6 =	smul.u32 $0x278, s15  }
0x9: {  	s8 =	sand.u32 $0x1, s3;
	s26 =	sshll.u32 s15, $0x1;
	s31 =	sshll.u32 s15, $0x6  }
0xa: {  	p0 =	sne.s32 s15, $0x0;
	s15 =	simm.s32 $0x1;
	_ =	strace $0x80000047  }
0xb: {  	s3 =	sor.u32 s8, s26;
	s10 =	ssub.s32 $0x2, s8;
	s8 =	smul.u32 $0x4E2, s8  }
0xc: {  	s16 =	sshrl.u32 @!p0 s1, $0x3;
	s9 =	sshrl.u32 s6, $0x3;
	s11 =	smul.u32 $0x2710, s3  }
0xd: {  	s3 =	sadd.s32 $0x1A00, s5;
	s28 =	sshrl.u32 s10, $0x1;
	s29 =	sadd.s32 s6, s1  }
0xe: {  	s5 =	sadd.s32 s9, s5;
	s9 =	ssub.s32 s10, s28;
	s7 =	sadd.s32 s7, s8  }
0xf: {  	s10 =	simm.s32 $0x2;
	s30 =	sshrl.u32 s11, $0x3;
	s8 =	smax.u32 s9, $0x1  }
0x10: {  	s9 =	sshrl.u32 s29, $0x3;
	s11 =	simm.s32 $0x2710;
	s6 =	sadd.s32 s4, s30  }
0x11: {  	s4 =	sadd.s32 $0x1C00, s5;
	s5 =	sor.u32 $0x1C02, s31;
	s6 =	sadd.s32 $0x9C40, s6  }
.LBB2_1:
0x12: {  	[spmem:s9], [sflag:s5] =	dma.local [hbm:s4], $0x4F  }
0x13: {  	_ =	swait.ge [sflag:s10], $0x4F  }
0x14: {  	[sflag:s10] =	ssyncset.done $0x0  }
0x15: {  	[sflag:s10] =	ssyncadd.s32 $0xFFFFFFB1  }
0x16: {  	[tilespmem:s2], [sflag:$0x2] =	stream.linear.gather [hbm4b:s6+s2], $0x2710, $0x38;
	[tilespmem:$0x2A08] =	vst v63  }
0x17: {  	_ =	swait.ge [sflag:s10], $0x2710  }
0x18: {  	[sflag:s10] =	ssyncset.done $0x0  }
0x19: {  	[sflag:s10] =	ssyncadd.s32 $0xFFFFD8F0  }
0x1a: {  	[tilespmem:s11], [sflag:$0x2] =	stream.linear.gather [hbm4b:s3+s2], $0x80, $0x38;
	[tilespmem:$0x2A08] =	vst v63  }
0x1b: {  	_ =	swait.ge [sflag:s10], $0x80  }
0x1c: {  	[sflag:s10] =	ssyncset.done $0x0  }
0x1d: {  	[sflag:s10] =	ssyncadd.s32 $0xFFFFFF80  }
0x1e: {  	s18 =	simm.s32 $0x200;
	s19 =	simm.s32 $0x0;
	[bflag:$0x0] =	sbarrier.arrive $0xFFFF  }
.LBB2_2:
0x1f: {  	[spmem:s1] =	stream.indirect.scatter.add.f32 [tilespmem:s11], [sflag:$0x1], $0x1, s19, s12, $0xb8;
	[tilespmem:$0x2A08] =	vst v63  }
0x20: {  	s19 =	smov.u32 s18;
	p1 =	sne.s32 s18, $0x9A00  }
.Ltmp0:
0x21: {  	s18 =	sadd.s32 $0x200, s18;
	(pc) =	sbr.rel @p1 .LBB2_2-.Ltmp0, $2  }
0x22: {  	_ =	sdelay $0x2  }
0x23: {  	s19 =	sshra.s32 s19, $0x2  }
0x24: {  	[spmem:s1] =	stream.indirect.scatter.add.f32 [tilespmem:s11], [sflag:$0x1], $0x1, s19, s12, $0xb8;
	[tilespmem:$0x2A08] =	vst v63  }
0x25: {  	_ = 	snop  }
0x26: {  	[spmem:s1] =	stream.indirect.scatter.add.f32 [tilespmem:s11], [sflag:$0x1], $0x1, s14, s13, $0xb8;
	[tilespmem:$0x2A08] =	vst v63  }
0x27: {  	_ =	swait.ge [sflag:s15], $0x80  }
0x28: {  	s18 =	simm.s32 $0x4D;
	[sflag:s15] =	ssyncset.done $0x0  }
.LBB2_4:
0x29: {  	p1 =	sne.s32 s18, $0x1;
	s18 =	sadd.s32 $0xFFFFFFFF, s18;
	[sflag:s15] =	ssyncadd.s32 $0xFFFFFF80  }
.Ltmp1:
0x2a: {  	(pc) =	sbr.rel @p1 .LBB2_4-.Ltmp1, $3  }
0x2b: {  	_ =	sdelay $0x1  }
0x2c: {  	_ =	swait.ge [sflag:s15], $0x80  }
0x2d: {  	[sflag:s15] =	ssyncset.done $0x0  }
0x2e: {  	[sflag:s15] =	ssyncadd.s32 $0xFFFFFF80  }
0x2f: {  	_ =	swait.ge [sflag:s15], $0x10  }
0x30: {  	s17 =	sadd.s32 $0x1, s17;
	[sflag:s15] =	ssyncset.done $0x0  }
0x31: {  	p1 =	sne.s32 s17, s8;
	[sflag:s15] =	ssyncadd.s32 $0xFFFFFFF0  }
.Ltmp2:
0x32: {  	s18 =	simm.s32 @!p0 $0x2;
	[bflag:$0x0] =	sbarrier.arrive $0xFFFF;
	(pc) =	sbr.rel @p1 .LBB2_1-.Ltmp2, $4  }
0x33: {  	[hbm:s7], [sflag:s5] =	dma.local @!p0 [spmem:s16], $0x4E2  }
0x34: {  	_ =	swait.ge @!p0 [sflag:s18], $0x4E2  }
0x35: {  	[sflag:s18] =	ssyncset.done @!p0 $0x0  }
0x36: {  	[sflag:s18] =	ssyncadd.s32 @!p0 $0xFFFFFB1E  }
0x37: {  	_ =	sfence.sel $0x180000  }
0x38: {  	[bflag:$0x0] =	sbarrier.arrive $0xFFFF  }
0x39: {  	_ =	strace $0x90000047  }
0x3a: {  	s0 =	sadd.s32 @!p0 $0x100000, s0;
	[bflag:$0x2] =	sbarrier.arrive $0xFFFF  }
0x3b: {  	[sflag:s0] =	ssyncadd.tile.s32 @!p0 $0x1;
	_ =	shalt  }
.Lfunc_end2:
_tile_overlayer_lowered:
.L_overlay_start_2:
0x3c: {  	(tag) =	ssettag $0x2  }
0x3d: {  	s0 =	rddreg [dreg:$0x0];
	s2 =	stileid.u32  }
0x3e: {  	s1 =	rddreg [dreg:$0x1];
	p0 =	sne.s32 s2, $0x0  }
0x3f: {  	s3 =	rddreg [dreg:$0x2];
	[bflag:$0x3] =	sbarrier.arrive $0xFFFF;
	s2 =	simm.s32 @!p0 $0x1C02  }
0x40: {  	[timem:s3], [sflag:s2] =	dma.local @!p0 [hbm:s0], s1  }
0x41: {  	s0 =	simm.s32 @!p0 $0x2  }
0x42: {  	_ =	swait.ge @!p0 [sflag:s0], s1  }
0x43: {  	s1 =	ssub.s32 @!p0 $0x0, s1;
	[sflag:s0] =	ssyncset.done @!p0 $0x0  }
0x44: {  	[sflag:s0] =	ssyncadd.s32 @!p0 s1  }
0x45: {  	[bflag:$0x3] =	sbarrier.arrive $0xFFFF  }
0x46: {  	_ =	shalt  }

// kernel: kernel.9.cloned.1.call-start
scs
__scs_entry_jumppad:
0x0: {  	(pc) =	sbr.rel $0x88, $3  }
0x1: {  	(tag) =	ssettag $0x0;
	lr =	simm.s32 $0x1  }
0x2: {  	[smem:$0x3F9B] =	sst lr;
	_ =	strace $0xD0000000  }
0x3: {  	_ = 	snop  }
0x4: {  	_ = 	snop  }
0x5: {  	_ = 	snop  }
0x6: {  	_ = 	snop  }
0x7: {  	_ = 	snop  }
__scs_overlays_trampoline_lowered:
0x8: {  	[smem:$0x3FAA] =	sst s0  }
0x9: {  	[smem:$0x3FAB] =	sst s1  }
0xa: {  	[smem:$0x3FAC] =	sst s2  }
0xb: {  	[smem:$0x3FAD] =	sst s3  }
0xc: {  	[smem:$0x3FAE] =	sst s4  }
0xd: {  	[smem:$0x3FAF] =	sst s5  }
0xe: {  	[smem:$0x3FB0] =	sst s6  }
0xf: {  	[smem:$0x3FB1] =	sst s7  }
0x10: {  	[smem:$0x3FB2] =	sst s8  }
0x11: {  	[smem:$0x3FB3] =	sst s9;
	s0 =	simm.s32 @!p0 $0x0  }
0x12: {  	s1 =	sld [smem:$0x3F99];
	s0 =	simm.s32 @p0 $0x1  }
0x13: {  	[smem:$0x3FB4] =	sst s0;
	s0 =	simm.s32 @!p1 $0x0  }
0x14: {  	s2 =	sld [smem:$0x3F98];
	s0 =	simm.s32 @p1 $0x1  }
0x15: {  	[smem:$0x3FB5] =	sst s0;
	s0 =	simm.s32 @!p2 $0x0  }
0x16: {  	s3 =	sld [smem:$0x3FDB];
	s0 =	simm.s32 @p2 $0x1  }
0x17: {  	s4 =	simm.s32 $0x1BF5;
	[smem:$0x3FB7] =	sst s0  }
0x18: {  	s0 =	sld [smem:$0x3F9A];
	_ =	swait.ge [sflag:s4], $0x0  }
0x19: {  	s7 =	sld [smem:$0x3F9B]  }
0x1a: {  	s8 =	sadd.s32 $0xFFFFE003, lr  }
0x1b: {  	s9 =	sadd.s32 $0xFFFFFEF7, lr;
	s5 =	simm.s32 $0xFFFFFFFF;
	p2 =	slt.u32 s8, $0xFFFFF086  }
0x1c: {  	p1 =	slt.u32 s9, $0xF7A;
	s5 =	simm.s32 @!p2 $0x0  }
0x1d: {  	s5 =	simm.s32 @p1 $0x1;
	p0 =	seq.s32 s7, s2  }
0x1e: {  	s7 =	smul.u32 @!p0 $0xF7A, s2;
	p2 =	seq.s32 @!p0 s5, $0x0  }
0x1f: {  	s9 =	smul.u32 $0xF7A, s1;
	s8 =	simm.s32 @!p0 $0x1BF5;
	p2 =	por !p2, p0  }
0x20: {  	[sflag:s8] =	ssyncset.s32 @!p0 $0xFFFFF086;
	s6 =	sadd.s32 @!p0 s3, s7;
	s7 =	simm.s32 @!p0 $0x108  }
0x21: {  	s3 =	sadd.s32 s3, s9;
	s6 =	sadd.s32 @!p0 $0x88, s6;
	s7 =	simm.s32 @p2 $0x1082  }
0x22: {  	[simem:s7], [sflag:s8] =	dma.local @!p0 [hbm:s6], $0xF7A  }
0x23: {  	s9 =	sor.u32 $0xD0000000, s2;
	s6 =	simm.s32 $0x108;
	_ =	swait.ge @!p0 [sflag:s8], $0x0  }
0x24: {  	s3 =	sadd.s32 $0x88, s3;
	s6 =	simm.s32 @!p1 $0x1082;
	[sflag:s4] =	ssyncset.s32 $0xFFFFF086  }
0x25: {  	[simem:s6], [sflag:s4] =	dma.local [hbm:s3], $0xF7A  }
0x26: {  	[smem:$0x3F9B] =	sst s1;
	(tag) =	ssettag s2;
	_ =	strace s9  }
0x27: {  	s1 =	sld [smem:$0x3FAB]  }
0x28: {  	s2 =	sld [smem:$0x3FAC]  }
0x29: {  	s4 =	sld [smem:$0x3FAE]  }
0x2a: {  	p0 =	seq.s32 s5, $0x0;
	s5 =	sld [smem:$0x3FAF]  }
0x2b: {  	s6 =	sld [smem:$0x3FB0]  }
0x2c: {  	s7 =	sld [smem:$0x3FB1]  }
0x2d: {  	s3 =	simm.s32 $0x108;
	s8 =	sld [smem:$0x3FB2]  }
0x2e: {  	s3 =	simm.s32 @!p0 $0x1082;
	s9 =	sld [smem:$0x3FB3]  }
0x2f: {  	lr =	sadd.s32 s0, s3;
	s0 =	sld [smem:$0x3FAA]  }
0x30: {  	s3 =	sld [smem:$0x3FAD]  }
0x31: {  	[smem:$0x3FB6] =	sst s10  }
0x32: {  	s10 =	sld [smem:$0x3FB4];
	_ =	sdelay $0x3  }
0x33: {  	p0 =	seq.s32 s10, $0x1;
	s10 =	sld [smem:$0x3FB6];
	_ =	sdelay $0x3  }
0x34: {  	[smem:$0x3FB6] =	sst s10  }
0x35: {  	s10 =	sld [smem:$0x3FB5];
	_ =	sdelay $0x3  }
0x36: {  	p1 =	seq.s32 s10, $0x1;
	s10 =	sld [smem:$0x3FB6];
	_ =	sdelay $0x3  }
0x37: {  	[smem:$0x3FB6] =	sst s10  }
0x38: {  	s10 =	sld [smem:$0x3FB7]  }
0x39: {  	_ = 	snop;
	(pc) =	sbr.ind lr, $3  }
0x3a: {  	_ = 	snop  }
0x3b: {  	_ = 	snop  }
0x3c: {  	p2 =	seq.s32 s10, $0x1;
	s10 =	sld [smem:$0x3FB6]  }
0x3d: {  	_ =	shalt  }
0x3e: {  	_ =	shalt  }
0x3f: {  	_ =	shalt  }
0x40: {  	_ =	shalt  }
0x41: {  	_ =	shalt  }
0x42: {  	_ =	shalt  }
0x43: {  	_ =	shalt  }
0x44: {  	_ =	shalt  }
0x45: {  	_ =	shalt  }
0x46: {  	_ =	shalt  }
0x47: {  	_ =	shalt  }
0x48: {  	_ =	shalt  }
0x49: {  	_ =	shalt  }
0x4a: {  	_ =	shalt  }
0x4b: {  	_ =	shalt  }
0x4c: {  	_ =	shalt  }
0x4d: {  	_ =	shalt  }
0x4e: {  	_ =	shalt  }
0x4f: {  	_ =	shalt  }
0x50: {  	_ =	shalt  }
0x51: {  	_ =	shalt  }
0x52: {  	_ =	shalt  }
0x53: {  	_ =	shalt  }
0x54: {  	_ =	shalt  }
0x55: {  	_ =	shalt  }
0x56: {  	_ =	shalt  }
0x57: {  	_ =	shalt  }
0x58: {  	_ =	shalt  }
0x59: {  	_ =	shalt  }
0x5a: {  	_ =	shalt  }
0x5b: {  	_ =	shalt  }
0x5c: {  	_ =	shalt  }
0x5d: {  	_ =	shalt  }
0x5e: {  	_ =	shalt  }
0x5f: {  	_ =	shalt  }
0x60: {  	_ =	shalt  }
0x61: {  	_ =	shalt  }
0x62: {  	_ =	shalt  }
0x63: {  	_ =	shalt  }
0x64: {  	_ =	shalt  }
0x65: {  	_ =	shalt  }
0x66: {  	_ =	shalt  }
0x67: {  	_ =	shalt  }
0x68: {  	_ =	shalt  }
0x69: {  	_ =	shalt  }
0x6a: {  	_ =	shalt  }
0x6b: {  	_ =	shalt  }
0x6c: {  	_ =	shalt  }
0x6d: {  	_ =	shalt  }
0x6e: {  	_ =	shalt  }
0x6f: {  	_ =	shalt  }
0x70: {  	_ =	shalt  }
0x71: {  	_ =	shalt  }
0x72: {  	_ =	shalt  }
0x73: {  	_ =	shalt  }
0x74: {  	_ =	shalt  }
0x75: {  	_ =	shalt  }
0x76: {  	_ =	shalt  }
0x77: {  	_ =	shalt  }
0x78: {  	_ =	shalt  }
0x79: {  	_ =	shalt  }
0x7a: {  	_ =	shalt  }
0x7b: {  	_ =	shalt  }
0x7c: {  	_ =	shalt  }
0x7d: {  	_ =	shalt  }
0x7e: {  	_ =	shalt  }
0x7f: {  	_ =	shalt  }
0x80: {  	_ =	shalt  }
0x81: {  	_ =	shalt  }
0x82: {  	_ =	shalt  }
0x83: {  	_ =	shalt  }
0x84: {  	_ =	shalt  }
0x85: {  	_ =	shalt  }
0x86: {  	_ =	shalt  }
0x87: {  	_ =	shalt  }
.Lfunc_end0:
.L_simem_size_0:
called_computation.1_lowered:
.L_overlay_start_0:
0x88: {  	s2 =	sld [smem:$0x3FD9]  }
0x89: {  	s3 =	sld [smem:$0x3FFE];
	_ =	sdelay $0x1  }
0x8a: {  	s1 =	srdreg.scid  }
0x8b: {  	s0 =	sand.u32 $0x1, s1  }
0x8c: {  	s14 =	sshll.u32 s0, $0xA;
	s2 =	sadd.s32 s3, s2  }
0x8d: {  	s2 =	sadd.s32 s2, s14  }
0x8e: {  	[smem:$0x3FC2] =	sst s2  }
0x8f: {  	_ = 	snop  }
0x90: {  	s2 =	sld [smem:$0x3FD0];
	_ =	sdelay $0x2  }
0x91: {  	s15 =	simm.s32 $0xA;
	s4 =	simm.s32 $0x10  }
0x92: {  	[smem:s4], [sflag:s15] =	dma.local [hbm:s2], $0x1  }
0x93: {  	_ =	swait.eq [sflag:s15], $0x1  }
0x94: {  	[sflag:s15] =	ssyncset.done $0x0  }
0x95: {  	s16 =	sld [smem:$0x10];
	[sflag:s15] =	ssyncadd.s32 $0xFFFFFFFF  }
0x96: {  	s17 =	sld [smem:$0x11];
	(tm) =	ssettm $0x1  }
0x97: {  	s18 =	sld [smem:$0x3FFB];
	_ =	sdelay $0x3  }
0x98: {  	_ =	strace s18  }
0x99: {  	s4 =	sld [smem:$0x3FFC];
	_ =	sdelay $0x3  }
0x9a: {  	_ =	strace s4  }
0x9b: {  	s4 =	sld [smem:$0x3FFD];
	_ =	sdelay $0x3  }
0x9c: {  	_ =	strace s4  }
0x9d: {  	_ =	strace $0x8FFFFFFF  }
0x9e: {  	s19 =	sld [smem:$0x3FDB];
	_ =	sdelay $0x1  }
0x9f: {  	s5 =	simm.s32 $_scs_section_size  }
0xa0: {  	s6 =	simm.s32 $_size__tile_overlayer_lowered;
	s7 =	simm.s32 $_tile_overlayer_lowered  }
0xa1: {  	s22 =	simm.s32 $0x1BFF;
	s21 =	sshll.u32 s7, $0x1;
	s4 =	sadd.s32 s5, s19  }
0xa2: {  	s8 =	simm.s32 $0x0;
	s20 =	sshll.u32 s6, $0x1;
	s6 =	sadd.s32 s21, s4  }
0xa3: {  	[timem:s8], [sflag:s22] =	dma.local [hbm:s6], s20  }
0xa4: {  	_ =	swait.ge [sflag:s22], s20  }
0xa5: {  	s5 =	ssub.s32 $0x0, s20;
	[sflag:s22] =	ssyncset.done $0x0  }
0xa6: {  	[sflag:s22] =	ssyncadd.s32 s5;
	_ =	sdelay $0x1  }
0xa7: {  	s23 =	simm.s32 $0x1B8B  }
0xa8: {  	_ =	swait.ge [sflag:s23], $0x1  }
0xa9: {  	[sflag:s23] =	ssyncset.done $0x0  }
0xaa: {  	s25 =	simm.s32 $0x1B8E;
	s24 =	sld [smem:$0x3FFE];
	[sflag:s23] =	ssyncadd.s32 $0xFFFFFFFF  }
0xab: {  	s26 =	simm.s32 $execute0_lowered;
	[smem:$0x3FD2] =	sst s25  }
0xac: {  	s6 =	sshll.u32 s26, $0x1;
	_ =	strace $0x80000049;
	[dreg:$0x1] =	wrdreg $0xFFFFFFFF  }
0xad: {  	s28 =	simm.s32 $_size_execute0_lowered;
	s4 =	sadd.s32 s4, s6;
	[dreg:$0x0] =	wrdreg $0x0  }
0xae: {  	s6 =	sshll.u32 s28, $0x1;
	[dreg:$0x2] =	wrdreg s4  }
0xaf: {  	[dreg:$0x3] =	wrdreg s6  }
0xb0: {  	[dreg:$0x4] =	wrdreg $0xC0  }
0xb1: {  	_ =	task [dreg:s8], $0x5FFFF  }
0xb2: {  	[dreg:$0x1] =	wrdreg $0xFFFFFFFF  }
0xb3: {  	[dreg:$0x0] =	wrdreg $0x60  }
0xb4: {  	[dreg:$0x2] =	wrdreg s24  }
0xb5: {  	[dreg:$0x3] =	wrdreg s16  }
0xb6: {  	[dreg:$0x4] =	wrdreg s17  }
0xb7: {  	[dreg:$0x5] =	wrdreg $0x8F200  }
0xb8: {  	[dreg:$0x6] =	wrdreg $0x9  }
0xb9: {  	_ =	task.clear_ibuf [dreg:s8], $0x7FFFF;
	_ =	strace $0x90000049  }
0xba: {  	s29 =	simm.s32 $0x9;
	_ =	strace $0x8000004B  }
0xbb: {  	_ =	swait.ge [sflag:s29], $0x1  }
0xbc: {  	[sflag:s29] =	ssyncadd.s32 $0xFFFFFFFF  }
0xbd: {  	_ =	strace $0x9000004B  }
0xbe: {  	_ =	sfence  }
0xbf: {  	s30 =	sld [smem:$0x0];
	_ =	sdelay $0x2  }
0xc0: {  	s31 =	sshll.u32 s1, $0xD;
	s1 =	sshrl.u32 s1, $0x2  }
0xc1: {  	s3 =	sand.u32 $0x4000, s31;
	s1 =	sadd.s32 s1, s30  }
0xc2: {  	s0 =	sor.u32 s3, s0;
	s1 =	sshll.u32 s1, $0x11  }
0xc3: {  	s0 =	sor.u32 s1, s0  }
0xc4: {  	s0 =	sadd.s32 $0x8F2B, s0  }
0xc5: {  	[sflag:s0] =	ssyncadd.remote.s32 $0x1  }
0xc6: {  	_ =	sfence.sel $0xFFFF  }
0xc7: {  	[dreg:$0x0] =	wrdreg $0xFFFFFFFF;
	(pc) =	sbr.abs _section_cstart, $3  }
0xc8: {  	[dreg:$0x1] =	wrdreg $0xFFFFFFFF  }
0xc9: {  	_ =	task.clear_ibuf [dreg:s8], $0x2FFFF;
	_ =	strace $0x9FFFFFFF  }
0xca: {  	(tm) =	ssettm $0x7FFFFFFF  }
0xcb: {  	_ =	shalt  }
tec
execute0_lowered:
.L_overlay_start_1:
0x0: {  	(tag) =	ssettag $0x1  }
0x1: {  	s0 =	rddreg [dreg:$0x0]  }
0x2: {  	s1 =	rddreg [dreg:$0x1]  }
0x3: {  	s3 =	rddreg [dreg:$0x2]  }
0x4: {  	s2 =	rddreg [dreg:$0x3];
	s4 =	srdreg.scid  }
0x5: {  	s10 =	stileid.u32;
	s7 =	simm.s32 $0x0;
	s12 =	simm.s32 $0x11  }
0x6: {  	s14 =	simm.s32 $0x80;
	s15 =	simm.s32 $0x4E20;
	s16 =	simm.s32 $0x5620  }
0x7: {  	s18 =	simm.s32 $0x5E20;
	s20 =	simm.s32 $0x6620;
	s28 =	simm.s32 $0x7620  }
0x8: {  	s29 =	simm.s32 $0x3;
	s30 =	simm.s32 $0x9;
	s17 =	simm.s32 $0x6  }
0x9: {  	s19 =	simm.s32 $0x7;
	s31 =	simm.s32 $0xB;
	s13 =	simm.s32 $0xC  }
0xa: {  	s5 =	sand.u32 $0x1, s4;
	s6 =	smul.u32 $0x2780, s10;
	[smem:$0x7FF] =	sst s7  }
0xb: {  	s4 =	sadd.s32 $0x1A00, s0;
	s8 =	sshll.u32 s10, $0x1;
	s25 =	sshll.u32 s10, $0x6  }
0xc: {  	s10 =	simm.s32 $0xF;
	s21 =	smul.u32 $0x27800, s5;
	_ =	strace $0x8000004A  }
0xd: {  	s9 =	ssub.s32 $0x2, s5;
	s5 =	sor.u32 s5, s8;
	s8 =	simm.s32 $0xD  }
0xe: {  	s22 =	sshrl.u32 s9, $0x1;
	s5 =	smul.u32 $0x2710, s5;
	s24 =	sadd.s32 s6, s2  }
0xf: {  	s7 =	sadd.s32 s6, s21;
	s23 =	ssub.s32 s9, s22;
	s6 =	sshrl.u32 s6, $0x3  }
0x10: {  	s11 =	sshrl.u32 s24, $0x3;
	s21 =	simm.s32 $0x1;
	s24 =	simm.s32 $0x2  }
0x11: {  	s22 =	simm.s32 $0x8620;
	s9 =	simm.s32 $0xE;
	s7 =	sshrl.u32 s7, $0x3  }
0x12: {  	s5 =	sshrl.u32 s5, $0x3;
	s3 =	sadd.s32 s3, s6;
	[dreg:$0xb] =	wrdreg s11  }
0x13: {  	s6 =	sor.u32 $0x1C11, s25;
	s26 =	smax.u32 s23, $0x1;
	[dreg:$0x5] =	wrdreg s3  }
0x14: {  	s23 =	simm.s32 $0x6E20;
	s25 =	simm.s32 $0x5;
	[dreg:$0xa] =	wrdreg s26  }
0x15: {  	s0 =	sadd.s32 s7, s0;
	s1 =	sadd.s32 s1, s5;
	[dreg:$0x6] =	wrdreg s6  }
0x16: {  	s26 =	simm.s32 $0xA;
	s3 =	simm.s32 $0x0;
	[dreg:$0x7] =	wrdreg s1  }
0x17: {  	s5 =	simm.s32 $0x8;
	s1 =	sadd.s32 $0x9C40, s1;
	[dreg:$0xc] =	wrdreg s3  }
0x18: {  	s7 =	simm.s32 $0x10;
	s0 =	sadd.s32 $0x6A00, s0;
	[dreg:$0x8] =	wrdreg s1  }
0x19: {  	[dreg:$0x9] =	wrdreg s0;
	s0 =	simm.s32 $0x7E20;
	s1 =	simm.s32 $0x4  }
.LBB2_1:
0x1a: {  	s3 =	rddreg [dreg:$0x5]  }
0x1b: {  	[spmem:s11], [sflag:s6] =	dma.local [hbm:s3], $0x4F0  }
0x1c: {  	_ =	swait.ge [sflag:s12], $0x4F0  }
0x1d: {  	[sflag:s12] =	ssyncset.done $0x0  }
0x1e: {  	s3 =	simm.s32 $0x0;
	s11 =	rddreg [dreg:$0x7];
	[sflag:s12] =	ssyncadd.s32 $0xFFFFFB10  }
0x1f: {  	[tilespmem:s3], [sflag:$0x11] =	stream.linear.gather [hbm4b:s11+s3], $0x2710, $0x38;
	[tilespmem:$0xB6A0] =	vst v63  }
0x20: {  	_ =	swait.ge [sflag:s12], $0x2710  }
0x21: {  	[sflag:s12] =	ssyncset.done $0x0  }
0x22: {  	s11 =	simm.s32 $0x2710;
	s6 =	rddreg [dreg:$0x8];
	[sflag:s12] =	ssyncadd.s32 $0xFFFFD8F0  }
0x23: {  	[tilespmem:s11], [sflag:$0x11] =	stream.linear.gather [hbm4b:s6+s3], $0x2710, $0x38;
	[tilespmem:$0xB6A0] =	vst v63  }
0x24: {  	_ =	swait.ge [sflag:s12], $0x2710  }
0x25: {  	[sflag:s12] =	ssyncset.done $0x0  }
0x26: {  	[sflag:s12] =	ssyncadd.s32 $0xFFFFD8F0  }
0x27: {  	[bflag:$0x0] =	sbarrier.arrive $0xFFFF  }
0x28: {  	[tilespmem:s15], [sflag:$0x1] =	stream.indirect.gather [hbm4b:s4+s14], $0x10, s3, s14, $0xb8;
	[tilespmem:$0xB6A0] =	vst v63  }
0x29: {  	_ = 	snop  }
0x2a: {  	[tilespmem:s16], [sflag:$0x2] =	stream.indirect.gather [hbm4b:s4+s14], $0x10, s14, s14, $0xb8;
	[tilespmem:$0xB6A0] =	vst v63  }
0x2b: {  	s6 =	simm.s32 $0x100  }
0x2c: {  	[tilespmem:s18], [sflag:$0x3] =	stream.indirect.gather [hbm4b:s4+s14], $0x10, s6, s14, $0xb8;
	[tilespmem:$0xB6A0] =	vst v63  }
0x2d: {  	s6 =	simm.s32 $0x180  }
0x2e: {  	[tilespmem:s20], [sflag:$0x4] =	stream.indirect.gather [hbm4b:s4+s14], $0x10, s6, s14, $0xb8;
	[tilespmem:$0xB6A0] =	vst v63  }
0x2f: {  	_ =	swait.ge [sflag:s21], $0x800  }
0x30: {  	[sflag:s21] =	ssyncset.done $0x0  }
0x31: {  	[sflag:s21] =	ssyncadd.s32 $0xFFFFF800  }
0x32: {  	[spmem:s2] =	stream.indirect.scatter.add.f32 [tilespmem:s15], [sflag:$0x9], $0x10, s11, s14, $0xb8;
	[tilespmem:$0xB6A0] =	vst v63  }
0x33: {  	s6 =	simm.s32 $0x200  }
0x34: {  	[tilespmem:s23], [sflag:$0x5] =	stream.indirect.gather [hbm4b:s4+s14], $0x10, s6, s14, $0xb8;
	[tilespmem:$0xB6A0] =	vst v63  }
0x35: {  	_ =	swait.ge [sflag:s24], $0x800  }
0x36: {  	[sflag:s24] =	ssyncset.done $0x0  }
0x37: {  	s11 =	simm.s32 $0x2790;
	[sflag:s24] =	ssyncadd.s32 $0xFFFFF800  }
0x38: {  	[spmem:s2] =	stream.indirect.scatter.add.f32 [tilespmem:s16], [sflag:$0xA], $0x10, s11, s14, $0xb8;
	[tilespmem:$0xB6A0] =	vst v63  }
0x39: {  	s6 =	simm.s32 $0x280  }
0x3a: {  	[tilespmem:s28], [sflag:$0x6] =	stream.indirect.gather [hbm4b:s4+s14], $0x10, s6, s14, $0xb8;
	[tilespmem:$0xB6A0] =	vst v63  }
0x3b: {  	_ =	swait.ge [sflag:s29], $0x800  }
0x3c: {  	[sflag:s29] =	ssyncset.done $0x0  }
0x3d: {  	s11 =	simm.s32 $0x2810;
	[sflag:s29] =	ssyncadd.s32 $0xFFFFF800  }
0x3e: {  	[spmem:s2] =	stream.indirect.scatter.add.f32 [tilespmem:s18], [sflag:$0xB], $0x10, s11, s14, $0xb8;
	[tilespmem:$0xB6A0] =	vst v63  }
0x3f: {  	s6 =	simm.s32 $0x300  }
0x40: {  	[tilespmem:s0], [sflag:$0x7] =	stream.indirect.gather [hbm4b:s4+s14], $0x10, s6, s14, $0xb8;
	[tilespmem:$0xB6A0] =	vst v63  }
0x41: {  	_ =	swait.ge [sflag:s1], $0x800  }
0x42: {  	[sflag:s1] =	ssyncset.done $0x0  }
0x43: {  	s11 =	simm.s32 $0x2890;
	[sflag:s1] =	ssyncadd.s32 $0xFFFFF800  }
0x44: {  	[spmem:s2] =	stream.indirect.scatter.add.f32 [tilespmem:s20], [sflag:$0xC], $0x10, s11, s14, $0xb8;
	[tilespmem:$0xB6A0] =	vst v63  }
0x45: {  	s6 =	simm.s32 $0x380  }
0x46: {  	[tilespmem:s22], [sflag:$0x8] =	stream.indirect.gather [hbm4b:s4+s14], $0x10, s6, s14, $0xb8;
	[tilespmem:$0xB6A0] =	vst v63  }
0x47: {  	_ =	swait.ge [sflag:s25], $0x800  }
0x48: {  	[sflag:s25] =	ssyncset.done $0x0  }
0x49: {  	s11 =	simm.s32 $0x2910;
	[sflag:s25] =	ssyncadd.s32 $0xFFFFF800  }
0x4a: {  	[spmem:s2] =	stream.indirect.scatter.add.f32 [tilespmem:s23], [sflag:$0xD], $0x10, s11, s14, $0xb8;
	[tilespmem:$0xB6A0] =	vst v63  }
0x4b: {  	_ =	swait.ge [sflag:s30], $0x800  }
0x4c: {  	[sflag:s30] =	ssyncset.done $0x0  }
0x4d: {  	s6 =	simm.s32 $0x400;
	[sflag:s30] =	ssyncadd.s32 $0xFFFFF800  }
0x4e: {  	[tilespmem:s15], [sflag:$0x1] =	stream.indirect.gather [hbm4b:s4+s14], $0x10, s6, s14, $0xb8;
	[tilespmem:$0xB6A0] =	vst v63  }
0x4f: {  	_ =	swait.ge [sflag:s17], $0x800  }
0x50: {  	[sflag:s17] =	ssyncset.done $0x0  }
0x51: {  	s11 =	simm.s32 $0x2990;
	[sflag:s17] =	ssyncadd.s32 $0xFFFFF800  }
0x52: {  	[spmem:s2] =	stream.indirect.scatter.add.f32 [tilespmem:s28], [sflag:$0xE], $0x10, s11, s14, $0xb8;
	[tilespmem:$0xB6A0] =	vst v63  }
0x53: {  	_ =	swait.ge [sflag:s26], $0x800  }
0x54: {  	[sflag:s26] =	ssyncset.done $0x0  }
0x55: {  	s6 =	simm.s32 $0x480;
	[sflag:s26] =	ssyncadd.s32 $0xFFFFF800  }
0x56: {  	[tilespmem:s16], [sflag:$0x2] =	stream.indirect.gather [hbm4b:s4+s14], $0x10, s6, s14, $0xb8;
	[tilespmem:$0xB6A0] =	vst v63  }
0x57: {  	_ =	swait.ge [sflag:s19], $0x800  }
0x58: {  	[sflag:s19] =	ssyncset.done $0x0  }
0x59: {  	s11 =	simm.s32 $0x2A10;
	[sflag:s19] =	ssyncadd.s32 $0xFFFFF800  }
0x5a: {  	[spmem:s2] =	stream.indirect.scatter.add.f32 [tilespmem:s0], [sflag:$0xF], $0x10, s11, s14, $0xb8;
	[tilespmem:$0xB6A0] =	vst v63  }
0x5b: {  	_ =	swait.ge [sflag:s31], $0x800  }
0x5c: {  	[sflag:s31] =	ssyncset.done $0x0  }
0x5d: {  	s6 =	simm.s32 $0x500;
	[sflag:s31] =	ssyncadd.s32 $0xFFFFF800  }
0x5e: {  	[tilespmem:s18], [sflag:$0x3] =	stream.indirect.gather [hbm4b:s4+s14], $0x10, s6, s14, $0xb8;
	[tilespmem:$0xB6A0] =	vst v63  }
0x5f: {  	_ =	swait.ge [sflag:s5], $0x800  }
0x60: {  	[sflag:s5] =	ssyncset.done $0x0  }
0x61: {  	s11 =	simm.s32 $0x2A90;
	[sflag:s5] =	ssyncadd.s32 $0xFFFFF800  }
0x62: {  	[spmem:s2] =	stream.indirect.scatter.add.f32 [tilespmem:s22], [sflag:$0x10], $0x10, s11, s14, $0xb8;
	[tilespmem:$0xB6A0] =	vst v63  }
0x63: {  	_ =	swait.ge [sflag:s13], $0x800  }
0x64: {  	[sflag:s13] =	ssyncset.done $0x0  }
0x65: {  	s6 =	simm.s32 $0x580;
	[sflag:s13] =	ssyncadd.s32 $0xFFFFF800  }
0x66: {  	[tilespmem:s20], [sflag:$0x4] =	stream.indirect.gather [hbm4b:s4+s14], $0x10, s6, s14, $0xb8;
	[tilespmem:$0xB6A0] =	vst v63  }
0x67: {  	_ =	swait.ge [sflag:s21], $0x800  }
0x68: {  	[sflag:s21] =	ssyncset.done $0x0  }
0x69: {  	s11 =	simm.s32 $0x2B10;
	[sflag:s21] =	ssyncadd.s32 $0xFFFFF800  }
0x6a: {  	[spmem:s2] =	stream.indirect.scatter.add.f32 [tilespmem:s15], [sflag:$0x9], $0x10, s11, s14, $0xb8;
	[tilespmem:$0xB6A0] =	vst v63  }
0x6b: {  	_ =	swait.ge [sflag:s8], $0x800  }
0x6c: {  	[sflag:s8] =	ssyncset.done $0x0  }
0x6d: {  	s3 =	simm.s32 $0x600;
	[sflag:s8] =	ssyncadd.s32 $0xFFFFF800  }
0x6e: {  	[tilespmem:s23], [sflag:$0x5] =	stream.indirect.gather [hbm4b:s4+s14], $0x10, s3, s14, $0xb8;
	[tilespmem:$0xB6A0] =	vst v63  }
0x6f: {  	_ =	swait.ge [sflag:s24], $0x800  }
0x70: {  	[sflag:s24] =	ssyncset.done $0x0  }
0x71: {  	s11 =	simm.s32 $0x2B90;
	[sflag:s24] =	ssyncadd.s32 $0xFFFFF800  }
0x72: {  	[spmem:s2] =	stream.indirect.scatter.add.f32 [tilespmem:s16], [sflag:$0xA], $0x10, s11, s14, $0xb8;
	[tilespmem:$0xB6A0] =	vst v63  }
0x73: {  	_ =	swait.ge [sflag:s9], $0x800  }
0x74: {  	[sflag:s9] =	ssyncset.done $0x0  }
0x75: {  	s3 =	simm.s32 $0x680;
	[sflag:s9] =	ssyncadd.s32 $0xFFFFF800  }
0x76: {  	[tilespmem:s28], [sflag:$0x6] =	stream.indirect.gather [hbm4b:s4+s14], $0x10, s3, s14, $0xb8;
	[tilespmem:$0xB6A0] =	vst v63  }
0x77: {  	_ =	swait.ge [sflag:s29], $0x800  }
0x78: {  	[sflag:s29] =	ssyncset.done $0x0  }
0x79: {  	s11 =	simm.s32 $0x2C10;
	[sflag:s29] =	ssyncadd.s32 $0xFFFFF800  }
0x7a: {  	[spmem:s2] =	stream.indirect.scatter.add.f32 [tilespmem:s18], [sflag:$0xB], $0x10, s11, s14, $0xb8;
	[tilespmem:$0xB6A0] =	vst v63  }
0x7b: {  	_ =	swait.ge [sflag:s10], $0x800  }
0x7c: {  	[sflag:s10] =	ssyncset.done $0x0  }
0x7d: {  	s3 =	simm.s32 $0x700;
	[sflag:s10] =	ssyncadd.s32 $0xFFFFF800  }
0x7e: {  	[tilespmem:s0], [sflag:$0x7] =	stream.indirect.gather [hbm4b:s4+s14], $0x10, s3, s14, $0xb8;
	[tilespmem:$0xB6A0] =	vst v63  }
0x7f: {  	_ =	swait.ge [sflag:s1], $0x800  }
0x80: {  	[sflag:s1] =	ssyncset.done $0x0  }
0x81: {  	s11 =	simm.s32 $0x2C90;
	[sflag:s1] =	ssyncadd.s32 $0xFFFFF800  }
0x82: {  	[spmem:s2] =	stream.indirect.scatter.add.f32 [tilespmem:s20], [sflag:$0xC], $0x10, s11, s14, $0xb8;
	[tilespmem:$0xB6A0] =	vst v63  }
0x83: {  	_ =	swait.ge [sflag:s7], $0x800  }
0x84: {  	[sflag:s7] =	ssyncset.done $0x0  }
0x85: {  	s3 =	simm.s32 $0x780;
	[sflag:s7] =	ssyncadd.s32 $0xFFFFF800  }
0x86: {  	[tilespmem:s22], [sflag:$0x8] =	stream.indirect.gather [hbm4b:s4+s14], $0x10, s3, s14, $0xb8;
	[tilespmem:$0xB6A0] =	vst v63  }
0x87: {  	_ =	swait.ge [sflag:s25], $0x800  }
0x88: {  	[sflag:s25] =	ssyncset.done $0x0  }
0x89: {  	s11 =	simm.s32 $0x2D10;
	[sflag:s25] =	ssyncadd.s32 $0xFFFFF800  }
0x8a: {  	[spmem:s2] =	stream.indirect.scatter.add.f32 [tilespmem:s23], [sflag:$0xD], $0x10, s11, s14, $0xb8;
	[tilespmem:$0xB6A0] =	vst v63  }
0x8b: {  	_ =	swait.ge [sflag:s30], $0x800  }
0x8c: {  	[sflag:s30] =	ssyncset.done $0x0  }
0x8d: {  	s3 =	simm.s32 $0x800;
	[sflag:s30] =	ssyncadd.s32 $0xFFFFF800  }
0x8e: {  	[tilespmem:s15], [sflag:$0x1] =	stream.indirect.gather [hbm4b:s4+s14], $0x10, s3, s14, $0xb8;
	[tilespmem:$0xB6A0] =	vst v63  }
0x8f: {  	_ =	swait.ge [sflag:s17], $0x800  }
0x90: {  	[sflag:s17] =	ssyncset.done $0x0  }
0x91: {  	s11 =	simm.s32 $0x2D90;
	[sflag:s17] =	ssyncadd.s32 $0xFFFFF800  }
0x92: {  	[spmem:s2] =	stream.indirect.scatter.add.f32 [tilespmem:s28], [sflag:$0xE], $0x10, s11, s14, $0xb8;
	[tilespmem:$0xB6A0] =	vst v63  }
0x93: {  	_ =	swait.ge [sflag:s26], $0x800  }
0x94: {  	[sflag:s26] =	ssyncset.done $0x0  }
0x95: {  	s3 =	simm.s32 $0x880;
	[sflag:s26] =	ssyncadd.s32 $0xFFFFF800  }
0x96: {  	[tilespmem:s16], [sflag:$0x2] =	stream.indirect.gather [hbm4b:s4+s14], $0x10, s3, s14, $0xb8;
	[tilespmem:$0xB6A0] =	vst v63  }
0x97: {  	_ =	swait.ge [sflag:s19], $0x800  }
0x98: {  	[sflag:s19] =	ssyncset.done $0x0  }
0x99: {  	s11 =	simm.s32 $0x2E10;
	[sflag:s19] =	ssyncadd.s32 $0xFFFFF800  }
0x9a: {  	[spmem:s2] =	stream.indirect.scatter.add.f32 [tilespmem:s0], [sflag:$0xF], $0x10, s11, s14, $0xb8;
	[tilespmem:$0xB6A0] =	vst v63  }
0x9b: {  	_ =	swait.ge [sflag:s31], $0x800  }
0x9c: {  	[sflag:s31] =	ssyncset.done $0x0  }
0x9d: {  	s3 =	simm.s32 $0x900;
	[sflag:s31] =	ssyncadd.s32 $0xFFFFF800  }
0x9e: {  	[tilespmem:s18], [sflag:$0x3] =	stream.indirect.gather [hbm4b:s4+s14], $0x10, s3, s14, $0xb8;
	[tilespmem:$0xB6A0] =	vst v63  }
0x9f: {  	_ =	swait.ge [sflag:s5], $0x800  }
0xa0: {  	[sflag:s5] =	ssyncset.done $0x0  }
0xa1: {  	s11 =	simm.s32 $0x2E90;
	[sflag:s5] =	ssyncadd.s32 $0xFFFFF800  }
0xa2: {  	[spmem:s2] =	stream.indirect.scatter.add.f32 [tilespmem:s22], [sflag:$0x10], $0x10, s11, s14, $0xb8;
	[tilespmem:$0xB6A0] =	vst v63  }
0xa3: {  	_ =	swait.ge [sflag:s13], $0x800  }
0xa4: {  	[sflag:s13] =	ssyncset.done $0x0  }
0xa5: {  	s6 =	simm.s32 $0x1000;
	s11 =	simm.s32 $0x980;
	[sflag:s13] =	ssyncadd.s32 $0xFFFFF800  }
.LBB2_2:
0xa6: {  	[tilespmem:s20], [sflag:$0x4] =	stream.indirect.gather [hbm4b:s4+s14], $0x10, s11, s14, $0xb8;
	[tilespmem:$0xB6A0] =	vst v63  }
0xa7: {  	s11 =	smov.u32 s6  }
0xa8: {  	p0 =	sne.s32 s6, $0x7000;
	s6 =	sadd.s32 $0x1000, s6;
	_ =	swait.ge [sflag:s21], $0x800  }
0xa9: {  	s11 =	sshra.s32 s11, $0x2;
	[sflag:s21] =	ssyncset.done $0x0  }
0xaa: {  	s3 =	sadd.s32 $0x2B10, s11;
	[sflag:s21] =	ssyncadd.s32 $0xFFFFF800  }
0xab: {  	[spmem:s2] =	stream.indirect.scatter.add.f32 [tilespmem:s15], [sflag:$0x9], $0x10, s3, s14, $0xb8;
	[tilespmem:$0xB6A0] =	vst v63  }
0xac: {  	_ =	swait.ge [sflag:s8], $0x800  }
0xad: {  	[sflag:s8] =	ssyncset.done $0x0  }
0xae: {  	s3 =	sadd.s32 $0x600, s11;
	[sflag:s8] =	ssyncadd.s32 $0xFFFFF800  }
0xaf: {  	[tilespmem:s23], [sflag:$0x5] =	stream.indirect.gather [hbm4b:s4+s14], $0x10, s3, s14, $0xb8;
	[tilespmem:$0xB6A0] =	vst v63  }
0xb0: {  	_ =	swait.ge [sflag:s24], $0x800  }
0xb1: {  	[sflag:s24] =	ssyncset.done $0x0  }
0xb2: {  	s3 =	sadd.s32 $0x2B90, s11;
	[sflag:s24] =	ssyncadd.s32 $0xFFFFF800  }
0xb3: {  	[spmem:s2] =	stream.indirect.scatter.add.f32 [tilespmem:s16], [sflag:$0xA], $0x10, s3, s14, $0xb8;
	[tilespmem:$0xB6A0] =	vst v63  }
0xb4: {  	_ =	swait.ge [sflag:s9], $0x800  }
0xb5: {  	[sflag:s9] =	ssyncset.done $0x0  }
0xb6: {  	s3 =	sadd.s32 $0x680, s11;
	[sflag:s9] =	ssyncadd.s32 $0xFFFFF800  }
0xb7: {  	[tilespmem:s28], [sflag:$0x6] =	stream.indirect.gather [hbm4b:s4+s14], $0x10, s3, s14, $0xb8;
	[tilespmem:$0xB6A0] =	vst v63  }
0xb8: {  	_ =	swait.ge [sflag:s29], $0x800  }
0xb9: {  	[sflag:s29] =	ssyncset.done $0x0  }
0xba: {  	s3 =	sadd.s32 $0x2C10, s11;
	[sflag:s29] =	ssyncadd.s32 $0xFFFFF800  }
0xbb: {  	[spmem:s2] =	stream.indirect.scatter.add.f32 [tilespmem:s18], [sflag:$0xB], $0x10, s3, s14, $0xb8;
	[tilespmem:$0xB6A0] =	vst v63  }
0xbc: {  	_ =	swait.ge [sflag:s10], $0x800  }
0xbd: {  	[sflag:s10] =	ssyncset.done $0x0  }
0xbe: {  	s3 =	sadd.s32 $0x700, s11;
	[sflag:s10] =	ssyncadd.s32 $0xFFFFF800  }
0xbf: {  	[tilespmem:s0], [sflag:$0x7] =	stream.indirect.gather [hbm4b:s4+s14], $0x10, s3, s14, $0xb8;
	[tilespmem:$0xB6A0] =	vst v63  }
0xc0: {  	_ =	swait.ge [sflag:s1], $0x800  }
0xc1: {  	[sflag:s1] =	ssyncset.done $0x0  }
0xc2: {  	s3 =	sadd.s32 $0x2C90, s11;
	[sflag:s1] =	ssyncadd.s32 $0xFFFFF800  }
0xc3: {  	[spmem:s2] =	stream.indirect.scatter.add.f32 [tilespmem:s20], [sflag:$0xC], $0x10, s3, s14, $0xb8;
	[tilespmem:$0xB6A0] =	vst v63  }
0xc4: {  	_ =	swait.ge [sflag:s7], $0x800  }
0xc5: {  	[sflag:s7] =	ssyncset.done $0x0  }
0xc6: {  	s3 =	sadd.s32 $0x780, s11;
	[sflag:s7] =	ssyncadd.s32 $0xFFFFF800  }
0xc7: {  	[tilespmem:s22], [sflag:$0x8] =	stream.indirect.gather [hbm4b:s4+s14], $0x10, s3, s14, $0xb8;
	[tilespmem:$0xB6A0] =	vst v63  }
0xc8: {  	_ =	swait.ge [sflag:s25], $0x800  }
0xc9: {  	[sflag:s25] =	ssyncset.done $0x0  }
0xca: {  	s3 =	sadd.s32 $0x2D10, s11;
	[sflag:s25] =	ssyncadd.s32 $0xFFFFF800  }
0xcb: {  	[spmem:s2] =	stream.indirect.scatter.add.f32 [tilespmem:s23], [sflag:$0xD], $0x10, s3, s14, $0xb8;
	[tilespmem:$0xB6A0] =	vst v63  }
0xcc: {  	_ =	swait.ge [sflag:s30], $0x800  }
0xcd: {  	[sflag:s30] =	ssyncset.done $0x0  }
0xce: {  	s3 =	sadd.s32 $0x800, s11;
	[sflag:s30] =	ssyncadd.s32 $0xFFFFF800  }
0xcf: {  	[tilespmem:s15], [sflag:$0x1] =	stream.indirect.gather [hbm4b:s4+s14], $0x10, s3, s14, $0xb8;
	[tilespmem:$0xB6A0] =	vst v63  }
0xd0: {  	_ =	swait.ge [sflag:s17], $0x800  }
0xd1: {  	[sflag:s17] =	ssyncset.done $0x0  }
0xd2: {  	s3 =	sadd.s32 $0x2D90, s11;
	[sflag:s17] =	ssyncadd.s32 $0xFFFFF800  }
0xd3: {  	[spmem:s2] =	stream.indirect.scatter.add.f32 [tilespmem:s28], [sflag:$0xE], $0x10, s3, s14, $0xb8;
	[tilespmem:$0xB6A0] =	vst v63  }
0xd4: {  	_ =	swait.ge [sflag:s26], $0x800  }
0xd5: {  	[sflag:s26] =	ssyncset.done $0x0  }
0xd6: {  	s3 =	sadd.s32 $0x880, s11;
	[sflag:s26] =	ssyncadd.s32 $0xFFFFF800  }
0xd7: {  	[tilespmem:s16], [sflag:$0x2] =	stream.indirect.gather [hbm4b:s4+s14], $0x10, s3, s14, $0xb8;
	[tilespmem:$0xB6A0] =	vst v63  }
0xd8: {  	_ =	swait.ge [sflag:s19], $0x800  }
0xd9: {  	[sflag:s19] =	ssyncset.done $0x0  }
0xda: {  	s3 =	sadd.s32 $0x2E10, s11;
	[sflag:s19] =	ssyncadd.s32 $0xFFFFF800  }
0xdb: {  	[spmem:s2] =	stream.indirect.scatter.add.f32 [tilespmem:s0], [sflag:$0xF], $0x10, s3, s14, $0xb8;
	[tilespmem:$0xB6A0] =	vst v63  }
0xdc: {  	_ =	swait.ge [sflag:s31], $0x800  }
0xdd: {  	[sflag:s31] =	ssyncset.done $0x0  }
0xde: {  	s3 =	sadd.s32 $0x900, s11;
	[sflag:s31] =	ssyncadd.s32 $0xFFFFF800  }
0xdf: {  	[tilespmem:s18], [sflag:$0x3] =	stream.indirect.gather [hbm4b:s4+s14], $0x10, s3, s14, $0xb8;
	[tilespmem:$0xB6A0] =	vst v63  }
0xe0: {  	_ =	swait.ge [sflag:s5], $0x800  }
0xe1: {  	[sflag:s5] =	ssyncset.done $0x0  }
.Ltmp0:
0xe2: {  	s3 =	sadd.s32 $0x2E90, s11;
	[sflag:s5] =	ssyncadd.s32 $0xFFFFF800;
	(pc) =	sbr.rel @p0 .LBB2_2-.Ltmp0, $4  }
0xe3: {  	[spmem:s2] =	stream.indirect.scatter.add.f32 [tilespmem:s22], [sflag:$0x10], $0x10, s3, s14, $0xb8;
	[tilespmem:$0xB6A0] =	vst v63  }
0xe4: {  	_ =	swait.ge [sflag:s13], $0x800  }
0xe5: {  	[sflag:s13] =	ssyncset.done $0x0  }
0xe6: {  	s11 =	sadd.s32 $0x980, s11;
	[sflag:s13] =	ssyncadd.s32 $0xFFFFF800  }
0xe7: {  	[tilespmem:s20], [sflag:$0x4] =	stream.indirect.gather [hbm4b:s4+s14], $0x10, s11, s14, $0xb8;
	[tilespmem:$0xB6A0] =	vst v63  }
0xe8: {  	_ =	swait.ge [sflag:s21], $0x800  }
0xe9: {  	[sflag:s21] =	ssyncset.done $0x0  }
0xea: {  	s3 =	simm.s32 $0x4B10;
	[sflag:s21] =	ssyncadd.s32 $0xFFFFF800  }
0xeb: {  	[spmem:s2] =	stream.indirect.scatter.add.f32 [tilespmem:s15], [sflag:$0x9], $0x10, s3, s14, $0xb8;
	[tilespmem:$0xB6A0] =	vst v63  }
0xec: {  	_ =	swait.ge [sflag:s8], $0x800  }
0xed: {  	[sflag:s8] =	ssyncset.done $0x0  }
0xee: {  	s6 =	simm.s32 $0x2600;
	[sflag:s8] =	ssyncadd.s32 $0xFFFFF800  }
0xef: {  	[tilespmem:s23], [sflag:$0x5] =	stream.indirect.gather [hbm4b:s4+s14], $0x10, s6, s14, $0xb8;
	[tilespmem:$0xB6A0] =	vst v63  }
0xf0: {  	_ =	swait.ge [sflag:s24], $0x800  }
0xf1: {  	[sflag:s24] =	ssyncset.done $0x0  }
0xf2: {  	s11 =	simm.s32 $0x4B90;
	[sflag:s24] =	ssyncadd.s32 $0xFFFFF800  }
0xf3: {  	[spmem:s2] =	stream.indirect.scatter.add.f32 [tilespmem:s16], [sflag:$0xA], $0x10, s11, s14, $0xb8;
	[tilespmem:$0xB6A0] =	vst v63  }
0xf4: {  	_ =	swait.ge [sflag:s9], $0x800  }
0xf5: {  	[sflag:s9] =	ssyncset.done $0x0  }
0xf6: {  	s6 =	simm.s32 $0x2680;
	[sflag:s9] =	ssyncadd.s32 $0xFFFFF800  }
0xf7: {  	[tilespmem:s28], [sflag:$0x6] =	stream.indirect.gather [hbm4b:s4+s14], $0x10, s6, s14, $0xb8;
	[tilespmem:$0xB6A0] =	vst v63  }
0xf8: {  	_ =	swait.ge [sflag:s29], $0x800  }
0xf9: {  	[sflag:s29] =	ssyncset.done $0x0  }
0xfa: {  	s11 =	simm.s32 $0x4C10;
	[sflag:s29] =	ssyncadd.s32 $0xFFFFF800  }
0xfb: {  	[spmem:s2] =	stream.indirect.scatter.add.f32 [tilespmem:s18], [sflag:$0xB], $0x10, s11, s14, $0xb8;
	[tilespmem:$0xB6A0] =	vst v63  }
0xfc: {  	_ =	swait.ge [sflag:s1], $0x800  }
0xfd: {  	[sflag:s1] =	ssyncset.done $0x0  }
0xfe: {  	s6 =	simm.s32 $0x4C90;
	[sflag:s1] =	ssyncadd.s32 $0xFFFFF800  }
0xff: {  	[spmem:s2] =	stream.indirect.scatter.add.f32 [tilespmem:s20], [sflag:$0xC], $0x10, s6, s14, $0xb8;
	[tilespmem:$0xB6A0] =	vst v63  }
0x100: {  	_ =	swait.ge [sflag:s25], $0x800  }
0x101: {  	[sflag:s25] =	ssyncset.done $0x0  }
0x102: {  	s11 =	simm.s32 $0x4D10;
	[sflag:s25] =	ssyncadd.s32 $0xFFFFF800  }
0x103: {  	[spmem:s2] =	stream.indirect.scatter.add.f32 [tilespmem:s23], [sflag:$0xD], $0x10, s11, s14, $0xb8;
	[tilespmem:$0xB6A0] =	vst v63  }
0x104: {  	_ =	swait.ge [sflag:s17], $0x800  }
0x105: {  	[sflag:s17] =	ssyncset.done $0x0  }
0x106: {  	s6 =	simm.s32 $0x4D90;
	[sflag:s17] =	ssyncadd.s32 $0xFFFFF800  }
0x107: {  	[spmem:s2] =	stream.indirect.scatter.add.f32 [tilespmem:s28], [sflag:$0xE], $0x10, s6, s14, $0xb8;
	[tilespmem:$0xB6A0] =	vst v63  }
0x108: {  	_ =	swait.ge [sflag:s10], $0x800  }
0x109: {  	[sflag:s10] =	ssyncset.done $0x0  }
0x10a: {  	[sflag:s10] =	ssyncadd.s32 $0xFFFFF800  }
0x10b: {  	_ =	swait.ge [sflag:s7], $0x800  }
0x10c: {  	[sflag:s7] =	ssyncset.done $0x0  }
0x10d: {  	[sflag:s7] =	ssyncadd.s32 $0xFFFFF800  }
0x10e: {  	_ =	swait.ge [sflag:s30], $0x800  }
0x10f: {  	[sflag:s30] =	ssyncset.done $0x0  }
0x110: {  	[sflag:s30] =	ssyncadd.s32 $0xFFFFF800  }
0x111: {  	_ =	swait.ge [sflag:s26], $0x800  }
0x112: {  	[sflag:s26] =	ssyncset.done $0x0  }
0x113: {  	[sflag:s26] =	ssyncadd.s32 $0xFFFFF800  }
0x114: {  	_ =	swait.ge [sflag:s31], $0x800  }
0x115: {  	[sflag:s31] =	ssyncset.done $0x0  }
0x116: {  	[sflag:s31] =	ssyncadd.s32 $0xFFFFF800  }
0x117: {  	_ =	swait.ge [sflag:s13], $0x800  }
0x118: {  	[sflag:s13] =	ssyncset.done $0x0  }
0x119: {  	[sflag:s13] =	ssyncadd.s32 $0xFFFFF800  }
0x11a: {  	_ =	swait.ge [sflag:s8], $0x800  }
0x11b: {  	[sflag:s8] =	ssyncset.done $0x0  }
0x11c: {  	[sflag:s8] =	ssyncadd.s32 $0xFFFFF800  }
0x11d: {  	_ =	swait.ge [sflag:s9], $0x800  }
0x11e: {  	[sflag:s9] =	ssyncset.done $0x0  }
0x11f: {  	s11 =	simm.s32 $0x2700;
	s6 =	simm.s32 $0x8E20;
	[sflag:s9] =	ssyncadd.s32 $0xFFFFF800  }
0x120: {  	[tilespmem:s6], [sflag:$0x11] =	stream.indirect.gather [hbm4b:s4+s7], $0x10, s11, s7, $0xb8;
	[tilespmem:$0xB6A0] =	vst v63  }
0x121: {  	_ =	swait.ge [sflag:s12], $0x100  }
0x122: {  	[sflag:s12] =	ssyncset.done $0x0  }
0x123: {  	s11 =	simm.s32 $0x4E10;
	[sflag:s12] =	ssyncadd.s32 $0xFFFFFF00  }
0x124: {  	[spmem:s2] =	stream.indirect.scatter.add.f32 [tilespmem:s6], [sflag:$0x11], $0x10, s11, s7, $0xb8;
	[tilespmem:$0xB6A0] =	vst v63  }
0x125: {  	_ =	swait.ge [sflag:s12], $0x100  }
0x126: {  	[sflag:s12] =	ssyncset.done $0x0  }
0x127: {  	[sflag:s12] =	ssyncadd.s32 $0xFFFFFF00  }
0x128: {  	[bflag:$0x0] =	sbarrier.arrive $0xFFFF  }
0x129: {  	s6 =	rddreg [dreg:$0x6]  }
0x12a: {  	s3 =	rddreg [dreg:$0x9]  }
0x12b: {  	s11 =	rddreg [dreg:$0xb]  }
0x12c: {  	[hbm:s3], [sflag:s6] =	dma.local [spmem:s11], $0x4F0  }
0x12d: {  	_ =	swait.ge [sflag:s12], $0x4F0  }
0x12e: {  	s3 =	simm.s32 $0x11;
	s12 =	rddreg [dreg:$0xc]  }
0x12f: {  	[sflag:s3] =	ssyncset.done $0x0;
	s3 =	rddreg [dreg:$0xa];
	s12 =	sadd.s32 $0x1, s12  }
0x130: {  	p0 =	sne.s32 s12, s3  }
.Ltmp1:
0x131: {  	_ = 	snop;
	(pc) =	sbr.rel @p0 .LBB2_1-.Ltmp1, $3  }
0x132: {  	_ =	sdelay $0x1  }
0x133: {  	[dreg:$0xc] =	wrdreg s12;
	s12 =	simm.s32 $0x11  }
0x134: {  	[sflag:s12] =	ssyncadd.s32 $0xFFFFFB10  }
0x135: {  	_ =	sfence.sel $0x180000  }
0x136: {  	[bflag:$0x0] =	sbarrier.arrive $0xFFFF  }
0x137: {  	_ =	strace $0x9000004A  }
0x138: {  	s0 =	stileid.u32;
	[bflag:$0x2] =	sbarrier.arrive $0xFFFF  }
0x139: {  	p0 =	sne.s32 s0, $0x0;
	s0 =	rddreg [dreg:$0x4]  }
0x13a: {  	s0 =	sadd.s32 @!p0 $0x100000, s0  }
0x13b: {  	[sflag:s0] =	ssyncadd.tile.s32 @!p0 $0x1;
	_ =	shalt  }
.Lfunc_end2:
_tile_overlayer_lowered:
.L_overlay_start_2:
0x13c: {  	(tag) =	ssettag $0x2  }
0x13d: {  	s0 =	rddreg [dreg:$0x0];
	s2 =	stileid.u32  }
0x13e: {  	s1 =	rddreg [dreg:$0x1];
	p0 =	sne.s32 s2, $0x0  }
0x13f: {  	s3 =	rddreg [dreg:$0x2];
	[bflag:$0x3] =	sbarrier.arrive $0xFFFF;
	s2 =	simm.s32 @!p0 $0x1C11  }
0x140: {  	[timem:s3], [sflag:s2] =	dma.local @!p0 [hbm:s0], s1  }
0x141: {  	s0 =	simm.s32 @!p0 $0x11  }
0x142: {  	_ =	swait.ge @!p0 [sflag:s0], s1  }
0x143: {  	s1 =	ssub.s32 @!p0 $0x0, s1;
	[sflag:s0] =	ssyncset.done @!p0 $0x0  }
0x144: {  	[sflag:s0] =	ssyncadd.s32 @!p0 s1  }
0x145: {  	[bflag:$0x3] =	sbarrier.arrive $0xFFFF  }
0x146: {  	_ =	shalt  }

</sc_bundles>
